<compile_context>
chip_gen: v7x
topology: tpu7x:2x2x1
jax: 0.10.2.dev20260603
libtpu: 0.0.44.dev20260713+nightly
codegen_flags: <defaults>
</compile_context>

<pallas_src>
import jax
import jax.numpy as jnp
from jax import lax
from jax.experimental import pallas as pl
from jax.experimental.pallas import tpu as pltpu
from jax.experimental.pallas import tpu_sc as plsc

VOCAB = 36
POS = 7
ED = 32
OD = 128
B = 16384
RW = VOCAB * (OD // 2) // OD

NC = 2
NS = 16
NW = NC * NS
SPW = B // NW


def _table_body(emb_ref, w_ref, b_ref, t_ref):
    emb = emb_ref[...]
    for p in range(POS):
        tp = jnp.dot(emb, w_ref[pl.ds(p * ED, ED), :],
                     preferred_element_type=jnp.float32)
        if p == POS - 1:
            tp = tp + b_ref[...]
        lo = lax.bitcast_convert_type(
            tp[:, : OD // 2].astype(jnp.bfloat16), jnp.uint16
        ).astype(jnp.uint32)
        hi = lax.bitcast_convert_type(
            tp[:, OD // 2 :].astype(jnp.bfloat16), jnp.uint16
        ).astype(jnp.uint32)
        packed = lax.bitcast_convert_type(lo | (hi << 16), jnp.int32)
        for i in range(RW):
            row = jnp.concatenate(
                [packed[2 * i : 2 * i + 1, :], packed[2 * i + 1 : 2 * i + 2, :]],
                axis=1,
            )
            t_ref[pl.ds(RW * p + i, 1), :] = row


def _build_table(emb, w, b2):
    return pl.pallas_call(
        _table_body,
        out_shape=jax.ShapeDtypeStruct((128, OD), jnp.int32),
    )(emb, w, b2)


def _sc_body(t_hbm, x_hbm, out_hbm, tvb, xv, bv, ov):
    wid = lax.axis_index("s") * NC + lax.axis_index("c")
    base = wid * SPW
    pltpu.sync_copy(t_hbm, tvb)
    off = (wid % 2) * 512
    rstart = pl.multiple_of(wid * 28 - (wid % 2) * 4, 8)
    pltpu.sync_copy(x_hbm.at[pl.ds(rstart, 32)], xv)

    lanes = lax.iota(jnp.int32, 16)

    @plsc.parallel_loop(0, SPW * POS // 16, 1, unroll=4)
    def addr(i):
        f = lanes + i * 16
        q = (f * 9363) >> 16
        p = f - q * POS
        fl = off + i * 16
        a = xv[fl >> 7, pl.ds(fl & 127, 16)] * (OD // 2) + p * (VOCAB * OD // 2)
        plsc.store_scatter(bv, [q * 8 + p], a)

    @plsc.parallel_loop(0, SPW // 2, 1, unroll=4)
    def pair(s2):
        av = bv[pl.ds(s2 * 16, 16)]
        for h in range(2):
            addrs = [av[h * 8 + p] for p in range(POS)]
            obase = s2 * (2 * OD) + h * OD
            for j in range(OD // 32):
                acc = plsc.bitcast(tvb[pl.ds(addrs[0] + j * 16, 16)],
                                   jnp.bfloat16)
                for p in range(1, POS):
                    acc = acc + plsc.bitcast(
                        tvb[pl.ds(addrs[p] + j * 16, 16)], jnp.bfloat16)
                lo, hi = plsc.unpack(acc, format=plsc.PackFormat.INTERLEAVED)
                ov[pl.ds(obase + j * 16, 16)] = lo
                ov[pl.ds(obase + 64 + j * 16, 16)] = hi

    pltpu.sync_copy(ov, out_hbm.at[pl.ds(base * OD, SPW * OD)])


_sc_call = pl.kernel(
    _sc_body,
    mesh=plsc.VectorSubcoreMesh(core_axis_name="c", subcore_axis_name="s"),
    compiler_params=pltpu.CompilerParams(needs_layout_passes=False),
    out_type=jax.ShapeDtypeStruct((B * OD,), jnp.float32),
    scratch_types=[
        pltpu.VMEM((128 * OD,), jnp.int32),
        pltpu.VMEM((32, 128), jnp.int32),
        pltpu.VMEM((SPW * 8,), jnp.int32),
        pltpu.VMEM((SPW * OD,), jnp.float32),
    ],
)


def kernel(x, emb, W, b):
    t = _build_table(emb, W, b.reshape(1, OD))
    out_flat = _sc_call(t.reshape(-1), x.astype(jnp.int32).reshape(896, 128))
    return out_flat.reshape(B, OD)

# --- scband reference (transcript-rebuilt; emitter-appended) ---
"""Pipeline reference for scband-text-encoder-23235773071960 (READ-ONLY COPY).

The authoritative reference and input builder live on the scoring server;
editing this copy changes nothing except your own understanding.
"""

import jax, jax.numpy as jnp
import numpy as np

VOCAB_SIZE = 36
EMBED_DIM = 32
MAX_LEN = 7
OUT_DIM = 128

def setup_inputs(seed: int = 0) -> dict:
    key = jax.random.key(seed)
    k1, k2, k3, k4 = jax.random.split(key, 4)
    x = jax.random.randint(k1, (16384, MAX_LEN), 0, VOCAB_SIZE, dtype=jnp.int64 if jax.config.jax_enable_x64 else jnp.int32)
    emb = jax.random.normal(k2, (VOCAB_SIZE, EMBED_DIM), dtype=jnp.float32)
    W = jax.random.normal(k3, (EMBED_DIM * MAX_LEN, OUT_DIM), dtype=jnp.float32) * (1.0 / np.sqrt(EMBED_DIM * MAX_LEN))
    b = jax.random.normal(k4, (OUT_DIM,), dtype=jnp.float32) * 0.01
    return {"x": x, "emb": emb, "W": W, "b": b}

def reference(x, emb, W, b):
    # embedding lookup: gather rows of the table
    e = jnp.take(emb, x, axis=0)            # [B, MAX_LEN, EMBED_DIM]
    flat = e.reshape(e.shape[0], -1)        # [B, MAX_LEN * EMBED_DIM]
    return flat @ W + b                     # [B, 128]

if __name__ == "__main__":
    import jax
    _d = setup_inputs()
    print(jax.jit(kernel)(*tuple(_d.values())))

</pallas_src>

<mosaic_0001>
#map = affine_map<(d0, d1) -> (0)>
#map1 = affine_map<(d0, d1) -> (0, 0)>
module attributes {stable_mosaic.version = 14 : i64} {
  func.func @_sc_body(%arg0: i32, %arg1: i32, %arg2: memref<16384xi32, #tpu.memory_space<hbm>>, %arg3: memref<896x128xi32, #tpu.memory_space<hbm>>, %arg4: memref<2097152xf32, #tpu.memory_space<hbm>>, %arg5: memref<16384xi32, #tpu.memory_space<vmem>>, %arg6: memref<32x128xi32, #tpu.memory_space<vmem>>, %arg7: memref<4096xi32, #tpu.memory_space<vmem>>, %arg8: memref<65536xf32, #tpu.memory_space<vmem>>) attributes {dimension_semantics = [#tpu.dimension_semantics<core_parallel>, #tpu.dimension_semantics<subcore_parallel>], iteration_bounds = array<i64: 2, 16>, scalar_prefetch = 0 : i64, scratch_operands = 4 : i64, tpu.core_type = #tpu.core_type<sc_vector_subcore>, window_params = [{transform_indices = #map}, {transform_indices = #map1}, {transform_indices = #map}]} {
    %mul3A = arith.constant 2 : i32
    %mul3A_0 = arith.muli %arg1, %mul3A : i32
    %add3A = arith.addi %mul3A_0, %arg0 : i32
    %mul3A_1 = arith.constant 512 : i32
    %mul3A_2 = arith.muli %add3A, %mul3A_1 : i32
    "tpu.region"() ({
      %run_scoped3A = tpu.sem_alloc : memref<!tpu.dma_semaphore, #tpu.memory_space<semaphore_mem>>
      tpu.enqueue_dma source(%arg2 : memref<16384xi32, #tpu.memory_space<hbm>>) target(%arg5 : memref<16384xi32, #tpu.memory_space<vmem>>) target_semaphore(%run_scoped3A : memref<!tpu.dma_semaphore, #tpu.memory_space<semaphore_mem>>)
      tpu.wait_dma2 semaphore(%run_scoped3A : memref<!tpu.dma_semaphore, #tpu.memory_space<semaphore_mem>>) src(%arg2 : memref<16384xi32, #tpu.memory_space<hbm>>) dst(%arg5 : memref<16384xi32, #tpu.memory_space<vmem>>)
      tpu.yield
    }) : () -> ()
    %jit3A = arith.constant 2 : i32
    %eq3A = arith.constant 0 : i32
    %eq3A_3 = arith.cmpi eq, %jit3A, %eq3A : i32
    %jit3A_4 = arith.constant 1 : i32
    %select_n3A = arith.select %eq3A_3, %jit3A_4, %jit3A : i32
    %rem3A = arith.remsi %add3A, %select_n3A : i32
    %ne3A = arith.constant 0 : i32
    %ne3A_5 = arith.cmpi ne, %rem3A, %ne3A : i32
    %lt3A = arith.constant 0 : i32
    %lt3A_6 = arith.cmpi slt, %rem3A, %lt3A : i32
    %lt3A_7 = arith.constant 0 : i32
    %lt3A_8 = arith.cmpi slt, %select_n3A, %lt3A_7 : i32
    %ne3A_9 = arith.xori %lt3A_6, %lt3A_8 : i1
    %and3A = arith.andi %ne3A_9, %ne3A_5 : i1
    %add3A_10 = arith.addi %rem3A, %select_n3A : i32
    %select_n3A_11 = arith.select %and3A, %add3A_10, %rem3A : i32
    %mul3A_12 = arith.constant 512 : i32
    %mul3A_13 = arith.muli %select_n3A_11, %mul3A_12 : i32
    %mul3A_14 = arith.constant 28 : i32
    %mul3A_15 = arith.muli %add3A, %mul3A_14 : i32
    %jit3A_16 = arith.constant 2 : i32
    %eq3A_17 = arith.constant 0 : i32
    %eq3A_18 = arith.cmpi eq, %jit3A_16, %eq3A_17 : i32
    %jit3A_19 = arith.constant 1 : i32
    %select_n3A_20 = arith.select %eq3A_18, %jit3A_19, %jit3A_16 : i32
    %rem3A_21 = arith.remsi %add3A, %select_n3A_20 : i32
    %ne3A_22 = arith.constant 0 : i32
    %ne3A_23 = arith.cmpi ne, %rem3A_21, %ne3A_22 : i32
    %lt3A_24 = arith.constant 0 : i32
    %lt3A_25 = arith.cmpi slt, %rem3A_21, %lt3A_24 : i32
    %lt3A_26 = arith.constant 0 : i32
    %lt3A_27 = arith.cmpi slt, %select_n3A_20, %lt3A_26 : i32
    %ne3A_28 = arith.xori %lt3A_25, %lt3A_27 : i1
    %and3A_29 = arith.andi %ne3A_28, %ne3A_23 : i1
    %add3A_30 = arith.addi %rem3A_21, %select_n3A_20 : i32
    %select_n3A_31 = arith.select %and3A_29, %add3A_30, %rem3A_21 : i32
    %mul3A_32 = arith.constant 4 : i32
    %mul3A_33 = arith.muli %select_n3A_31, %mul3A_32 : i32
    %sub3A = arith.subi %mul3A_15, %mul3A_33 : i32
    %multiple_of3A = tpu.assume_multiple %sub3A, 8 : i32
    "tpu.region"() ({
      %run_scoped3A = tpu.sem_alloc : memref<!tpu.dma_semaphore, #tpu.memory_space<semaphore_mem>>
      %dma_start3A = arith.constant 0 : i32
      %dma_start3A_41 = tpu.memref_slice %arg3[%multiple_of3A, %dma_start3A] : memref<896x128xi32, #tpu.memory_space<hbm>> -> memref<32x128xi32, #tpu.memory_space<hbm>>
      %dma_start3A_42 = arith.constant 0 : i32
      %dma_start3A_43 = tpu.memref_slice %arg3[%multiple_of3A, %dma_start3A_42] : memref<896x128xi32, #tpu.memory_space<hbm>> -> memref<32x128xi32, #tpu.memory_space<hbm>>
      tpu.enqueue_dma source(%dma_start3A_43 : memref<32x128xi32, #tpu.memory_space<hbm>>) target(%arg6 : memref<32x128xi32, #tpu.memory_space<vmem>>) target_semaphore(%run_scoped3A : memref<!tpu.dma_semaphore, #tpu.memory_space<semaphore_mem>>)
      %dma_wait3A = arith.constant 0 : i32
      %dma_wait3A_44 = tpu.memref_slice %arg3[%multiple_of3A, %dma_wait3A] : memref<896x128xi32, #tpu.memory_space<hbm>> -> memref<32x128xi32, #tpu.memory_space<hbm>>
      %dma_wait3A_45 = arith.constant 0 : i32
      %dma_wait3A_46 = tpu.memref_slice %arg3[%multiple_of3A, %dma_wait3A_45] : memref<896x128xi32, #tpu.memory_space<hbm>> -> memref<32x128xi32, #tpu.memory_space<hbm>>
      tpu.wait_dma2 semaphore(%run_scoped3A : memref<!tpu.dma_semaphore, #tpu.memory_space<semaphore_mem>>) src(%dma_wait3A_46 : memref<32x128xi32, #tpu.memory_space<hbm>>) dst(%arg6 : memref<32x128xi32, #tpu.memory_space<vmem>>)
      tpu.yield
    }) : () -> ()
    %iota3A = tpu.iota {dimensions = array<i32: 0>} : vector<16xi32>
    %parallel_loop3A = arith.constant 0 : i32
    %parallel_loop3A_34 = arith.constant 224 : i32
    %parallel_loop3A_35 = arith.constant 1 : i32
    scf.for %parallel_loop3A_41 = %parallel_loop3A to %parallel_loop3A_34 step %parallel_loop3A_35  : i32 {
      %parallel_loop3A_42 = arith.constant 16 : i32
      %parallel_loop3A_43 = arith.muli %parallel_loop3A_41, %parallel_loop3A_42 : i32
      %parallel_loop3A_44 = vector.broadcast %parallel_loop3A_43 : i32 to vector<16xi32>
      %parallel_loop3A_45 = arith.addi %iota3A, %parallel_loop3A_44 : vector<16xi32>
      %parallel_loop3A_46 = arith.constant 9363 : i32
      %parallel_loop3A_47 = vector.broadcast %parallel_loop3A_46 : i32 to vector<16xi32>
      %parallel_loop3A_48 = arith.muli %parallel_loop3A_45, %parallel_loop3A_47 : vector<16xi32>
      %parallel_loop3A_49 = arith.constant 16 : i32
      %parallel_loop3A_50 = vector.broadcast %parallel_loop3A_49 : i32 to vector<16xi32>
      %parallel_loop3A_51 = arith.shrsi %parallel_loop3A_48, %parallel_loop3A_50 : vector<16xi32>
      %parallel_loop3A_52 = arith.constant 7 : i32
      %parallel_loop3A_53 = vector.broadcast %parallel_loop3A_52 : i32 to vector<16xi32>
      %parallel_loop3A_54 = arith.muli %parallel_loop3A_51, %parallel_loop3A_53 : vector<16xi32>
      %parallel_loop3A_55 = arith.subi %parallel_loop3A_45, %parallel_loop3A_54 : vector<16xi32>
      %parallel_loop3A_56 = arith.constant 16 : i32
      %parallel_loop3A_57 = arith.muli %parallel_loop3A_41, %parallel_loop3A_56 : i32
      %parallel_loop3A_58 = arith.addi %mul3A_13, %parallel_loop3A_57 : i32
      %parallel_loop3A_59 = arith.constant 7 : i32
      %parallel_loop3A_60 = arith.shrsi %parallel_loop3A_58, %parallel_loop3A_59 : i32
      %parallel_loop3A_61 = arith.constant 127 : i32
      %parallel_loop3A_62 = arith.andi %parallel_loop3A_58, %parallel_loop3A_61 : i32
      %parallel_loop3A_63 = arith.index_cast %parallel_loop3A_60 : i32 to index
      %parallel_loop3A_64 = arith.index_cast %parallel_loop3A_62 : i32 to index
      %parallel_loop3A_65 = tpu.vector_load %arg6[%parallel_loop3A_63, %parallel_loop3A_64] {strides = array<i32>} : memref<32x128xi32, #tpu.memory_space<vmem>>, vector<16xi32>,
      %parallel_loop3A_66 = arith.constant 64 : i32
      %parallel_loop3A_67 = vector.broadcast %parallel_loop3A_66 : i32 to vector<16xi32>
      %parallel_loop3A_68 = arith.muli %parallel_loop3A_65, %parallel_loop3A_67 : vector<16xi32>
      %parallel_loop3A_69 = arith.constant 2304 : i32
      %parallel_loop3A_70 = vector.broadcast %parallel_loop3A_69 : i32 to vector<16xi32>
      %parallel_loop3A_71 = arith.muli %parallel_loop3A_55, %parallel_loop3A_70 : vector<16xi32>
      %parallel_loop3A_72 = arith.addi %parallel_loop3A_68, %parallel_loop3A_71 : vector<16xi32>
      %parallel_loop3A_73 = arith.constant 8 : i32
      %parallel_loop3A_74 = vector.broadcast %parallel_loop3A_73 : i32 to vector<16xi32>
      %parallel_loop3A_75 = arith.muli %parallel_loop3A_51, %parallel_loop3A_74 : vector<16xi32>
      %parallel_loop3A_76 = arith.addi %parallel_loop3A_75, %parallel_loop3A_55 : vector<16xi32>
      tpu.vector_store_idx %arg7[%parallel_loop3A_76], %parallel_loop3A_72 : memref<4096xi32, #tpu.memory_space<vmem>>[vector<16xi32>], vector<16xi32>,
    } {sc.loop_unroll_factor = 4 : i64, sc.parallel_access}
    %parallel_loop3A_36 = arith.constant 0 : i32
    %parallel_loop3A_37 = arith.constant 256 : i32
    %parallel_loop3A_38 = arith.constant 1 : i32
    scf.for %parallel_loop3A_41 = %parallel_loop3A_36 to %parallel_loop3A_37 step %parallel_loop3A_38  : i32 {
      %parallel_loop3A_42 = arith.constant 16 : i32
      %parallel_loop3A_43 = arith.muli %parallel_loop3A_41, %parallel_loop3A_42 : i32
      %parallel_loop3A_44 = arith.index_cast %parallel_loop3A_43 : i32 to index
      %parallel_loop3A_45 = tpu.vector_load %arg7[%parallel_loop3A_44] {strides = array<i32>} : memref<4096xi32, #tpu.memory_space<vmem>>, vector<16xi32>,
      %parallel_loop3A_46 = vector.extract_strided_slice %parallel_loop3A_45 {offsets = [0], sizes = [1], strides = [1]} : vector<16xi32> to vector<1xi32>
      %parallel_loop3A_47 = vector.extract %parallel_loop3A_46[0] : i32 from vector<1xi32>
      %parallel_loop3A_48 = vector.extract_strided_slice %parallel_loop3A_45 {offsets = [1], sizes = [1], strides = [1]} : vector<16xi32> to vector<1xi32>
      %parallel_loop3A_49 = vector.extract %parallel_loop3A_48[0] : i32 from vector<1xi32>
      %parallel_loop3A_50 = vector.extract_strided_slice %parallel_loop3A_45 {offsets = [2], sizes = [1], strides = [1]} : vector<16xi32> to vector<1xi32>
      %parallel_loop3A_51 = vector.extract %parallel_loop3A_50[0] : i32 from vector<1xi32>
      %parallel_loop3A_52 = vector.extract_strided_slice %parallel_loop3A_45 {offsets = [3], sizes = [1], strides = [1]} : vector<16xi32> to vector<1xi32>
      %parallel_loop3A_53 = vector.extract %parallel_loop3A_52[0] : i32 from vector<1xi32>
      %parallel_loop3A_54 = vector.extract_strided_slice %parallel_loop3A_45 {offsets = [4], sizes = [1], strides = [1]} : vector<16xi32> to vector<1xi32>
      %parallel_loop3A_55 = vector.extract %parallel_loop3A_54[0] : i32 from vector<1xi32>
      %parallel_loop3A_56 = vector.extract_strided_slice %parallel_loop3A_45 {offsets = [5], sizes = [1], strides = [1]} : vector<16xi32> to vector<1xi32>
      %parallel_loop3A_57 = vector.extract %parallel_loop3A_56[0] : i32 from vector<1xi32>
      %parallel_loop3A_58 = vector.extract_strided_slice %parallel_loop3A_45 {offsets = [6], sizes = [1], strides = [1]} : vector<16xi32> to vector<1xi32>
      %parallel_loop3A_59 = vector.extract %parallel_loop3A_58[0] : i32 from vector<1xi32>
      %parallel_loop3A_60 = arith.constant 256 : i32
      %parallel_loop3A_61 = arith.muli %parallel_loop3A_41, %parallel_loop3A_60 : i32
      %parallel_loop3A_62 = arith.constant 0 : i32
      %parallel_loop3A_63 = arith.addi %parallel_loop3A_61, %parallel_loop3A_62 : i32
      %parallel_loop3A_64 = arith.constant 0 : i32
      %parallel_loop3A_65 = arith.addi %parallel_loop3A_47, %parallel_loop3A_64 : i32
      %parallel_loop3A_66 = arith.index_cast %parallel_loop3A_65 : i32 to index
      %parallel_loop3A_67 = tpu.vector_load %arg5[%parallel_loop3A_66] {strides = array<i32>} : memref<16384xi32, #tpu.memory_space<vmem>>, vector<16xi32>,
      %parallel_loop3A_68 = vector.bitcast %parallel_loop3A_67 : vector<16xi32> to vector<32xbf16>
      %parallel_loop3A_69 = arith.constant 0 : i32
      %parallel_loop3A_70 = arith.addi %parallel_loop3A_49, %parallel_loop3A_69 : i32
      %parallel_loop3A_71 = arith.index_cast %parallel_loop3A_70 : i32 to index
      %parallel_loop3A_72 = tpu.vector_load %arg5[%parallel_loop3A_71] {strides = array<i32>} : memref<16384xi32, #tpu.memory_space<vmem>>, vector<16xi32>,
      %parallel_loop3A_73 = vector.bitcast %parallel_loop3A_72 : vector<16xi32> to vector<32xbf16>
      %parallel_loop3A_74 = arith.addf %parallel_loop3A_68, %parallel_loop3A_73 : vector<32xbf16>
      %parallel_loop3A_75 = arith.constant 0 : i32
      %parallel_loop3A_76 = arith.addi %parallel_loop3A_51, %parallel_loop3A_75 : i32
      %parallel_loop3A_77 = arith.index_cast %parallel_loop3A_76 : i32 to index
      %parallel_loop3A_78 = tpu.vector_load %arg5[%parallel_loop3A_77] {strides = array<i32>} : memref<16384xi32, #tpu.memory_space<vmem>>, vector<16xi32>,
      %parallel_loop3A_79 = vector.bitcast %parallel_loop3A_78 : vector<16xi32> to vector<32xbf16>
      %parallel_loop3A_80 = arith.addf %parallel_loop3A_74, %parallel_loop3A_79 : vector<32xbf16>
      %parallel_loop3A_81 = arith.constant 0 : i32
      %parallel_loop3A_82 = arith.addi %parallel_loop3A_53, %parallel_loop3A_81 : i32
      %parallel_loop3A_83 = arith.index_cast %parallel_loop3A_82 : i32 to index
      %parallel_loop3A_84 = tpu.vector_load %arg5[%parallel_loop3A_83] {strides = array<i32>} : memref<16384xi32, #tpu.memory_space<vmem>>, vector<16xi32>,
      %parallel_loop3A_85 = vector.bitcast %parallel_loop3A_84 : vector<16xi32> to vector<32xbf16>
      %parallel_loop3A_86 = arith.addf %parallel_loop3A_80, %parallel_loop3A_85 : vector<32xbf16>
      %parallel_loop3A_87 = arith.constant 0 : i32
      %parallel_loop3A_88 = arith.addi %parallel_loop3A_55, %parallel_loop3A_87 : i32
      %parallel_loop3A_89 = arith.index_cast %parallel_loop3A_88 : i32 to index
      %parallel_loop3A_90 = tpu.vector_load %arg5[%parallel_loop3A_89] {strides = array<i32>} : memref<16384xi32, #tpu.memory_space<vmem>>, vector<16xi32>,
      %parallel_loop3A_91 = vector.bitcast %parallel_loop3A_90 : vector<16xi32> to vector<32xbf16>
      %parallel_loop3A_92 = arith.addf %parallel_loop3A_86, %parallel_loop3A_91 : vector<32xbf16>
      %parallel_loop3A_93 = arith.constant 0 : i32
      %parallel_loop3A_94 = arith.addi %parallel_loop3A_57, %parallel_loop3A_93 : i32
      %parallel_loop3A_95 = arith.index_cast %parallel_loop3A_94 : i32 to index
      %parallel_loop3A_96 = tpu.vector_load %arg5[%parallel_loop3A_95] {strides = array<i32>} : memref<16384xi32, #tpu.memory_space<vmem>>, vector<16xi32>,
      %parallel_loop3A_97 = vector.bitcast %parallel_loop3A_96 : vector<16xi32> to vector<32xbf16>
      %parallel_loop3A_98 = arith.addf %parallel_loop3A_92, %parallel_loop3A_97 : vector<32xbf16>
      %parallel_loop3A_99 = arith.constant 0 : i32
      %parallel_loop3A_100 = arith.addi %parallel_loop3A_59, %parallel_loop3A_99 : i32
      %parallel_loop3A_101 = arith.index_cast %parallel_loop3A_100 : i32 to index
      %parallel_loop3A_102 = tpu.vector_load %arg5[%parallel_loop3A_101] {strides = array<i32>} : memref<16384xi32, #tpu.memory_space<vmem>>, vector<16xi32>,
      %parallel_loop3A_103 = vector.bitcast %parallel_loop3A_102 : vector<16xi32> to vector<32xbf16>
      %parallel_loop3A_104 = arith.addf %parallel_loop3A_98, %parallel_loop3A_103 : vector<32xbf16>
      %parallel_loop3A_105 = tpu.unpack_subelements %parallel_loop3A_104, 0 {pack_format = #tpu.pack_format<interleaved>} : vector<32xbf16> -> vector<16xf32>
      %parallel_loop3A_106 = tpu.unpack_subelements %parallel_loop3A_104, 1 {pack_format = #tpu.pack_format<interleaved>} : vector<32xbf16> -> vector<16xf32>
      %parallel_loop3A_107 = arith.constant 0 : i32
      %parallel_loop3A_108 = arith.addi %parallel_loop3A_63, %parallel_loop3A_107 : i32
      %parallel_loop3A_109 = arith.index_cast %parallel_loop3A_108 : i32 to index
      %parallel_loop3A_110 = tpu.vector_load %arg8[%parallel_loop3A_109] {strides = array<i32>} : memref<65536xf32, #tpu.memory_space<vmem>>, vector<16xf32>,
      tpu.vector_store %arg8[%parallel_loop3A_109], %parallel_loop3A_105 {strides = array<i32>} : memref<65536xf32, #tpu.memory_space<vmem>>, vector<16xf32>,
      %parallel_loop3A_111 = arith.constant 64 : i32
      %parallel_loop3A_112 = arith.addi %parallel_loop3A_63, %parallel_loop3A_111 : i32
      %parallel_loop3A_113 = arith.constant 0 : i32
      %parallel_loop3A_114 = arith.addi %parallel_loop3A_112, %parallel_loop3A_113 : i32
      %parallel_loop3A_115 = arith.index_cast %parallel_loop3A_114 : i32 to index
      %parallel_loop3A_116 = tpu.vector_load %arg8[%parallel_loop3A_115] {strides = array<i32>} : memref<65536xf32, #tpu.memory_space<vmem>>, vector<16xf32>,
      tpu.vector_store %arg8[%parallel_loop3A_115], %parallel_loop3A_106 {strides = array<i32>} : memref<65536xf32, #tpu.memory_space<vmem>>, vector<16xf32>,
      %parallel_loop3A_117 = arith.constant 16 : i32
      %parallel_loop3A_118 = arith.addi %parallel_loop3A_47, %parallel_loop3A_117 : i32
      %parallel_loop3A_119 = arith.index_cast %parallel_loop3A_118 : i32 to index
      %parallel_loop3A_120 = tpu.vector_load %arg5[%parallel_loop3A_119] {strides = array<i32>} : memref<16384xi32, #tpu.memory_space<vmem>>, vector<16xi32>,
      %parallel_loop3A_121 = vector.bitcast %parallel_loop3A_120 : vector<16xi32> to vector<32xbf16>
      %parallel_loop3A_122 = arith.constant 16 : i32
      %parallel_loop3A_123 = arith.addi %parallel_loop3A_49, %parallel_loop3A_122 : i32
      %parallel_loop3A_124 = arith.index_cast %parallel_loop3A_123 : i32 to index
      %parallel_loop3A_125 = tpu.vector_load %arg5[%parallel_loop3A_124] {strides = array<i32>} : memref<16384xi32, #tpu.memory_space<vmem>>, vector<16xi32>,
      %parallel_loop3A_126 = vector.bitcast %parallel_loop3A_125 : vector<16xi32> to vector<32xbf16>
      %parallel_loop3A_127 = arith.addf %parallel_loop3A_121, %parallel_loop3A_126 : vector<32xbf16>
      %parallel_loop3A_128 = arith.constant 16 : i32
      %parallel_loop3A_129 = arith.addi %parallel_loop3A_51, %parallel_loop3A_128 : i32
      %parallel_loop3A_130 = arith.index_cast %parallel_loop3A_129 : i32 to index
      %parallel_loop3A_131 = tpu.vector_load %arg5[%parallel_loop3A_130] {strides = array<i32>} : memref<16384xi32, #tpu.memory_space<vmem>>, vector<16xi32>,
      %parallel_loop3A_132 = vector.bitcast %parallel_loop3A_131 : vector<16xi32> to vector<32xbf16>
      %parallel_loop3A_133 = arith.addf %parallel_loop3A_127, %parallel_loop3A_132 : vector<32xbf16>
      %parallel_loop3A_134 = arith.constant 16 : i32
      %parallel_loop3A_135 = arith.addi %parallel_loop3A_53, %parallel_loop3A_134 : i32
      %parallel_loop3A_136 = arith.index_cast %parallel_loop3A_135 : i32 to index
      %parallel_loop3A_137 = tpu.vector_load %arg5[%parallel_loop3A_136] {strides = array<i32>} : memref<16384xi32, #tpu.memory_space<vmem>>, vector<16xi32>,
      %parallel_loop3A_138 = vector.bitcast %parallel_loop3A_137 : vector<16xi32> to vector<32xbf16>
      %parallel_loop3A_139 = arith.addf %parallel_loop3A_133, %parallel_loop3A_138 : vector<32xbf16>
      %parallel_loop3A_140 = arith.constant 16 : i32
      %parallel_loop3A_141 = arith.addi %parallel_loop3A_55, %parallel_loop3A_140 : i32
      %parallel_loop3A_142 = arith.index_cast %parallel_loop3A_141 : i32 to index
      %parallel_loop3A_143 = tpu.vector_load %arg5[%parallel_loop3A_142] {strides = array<i32>} : memref<16384xi32, #tpu.memory_space<vmem>>, vector<16xi32>,
      %parallel_loop3A_144 = vector.bitcast %parallel_loop3A_143 : vector<16xi32> to vector<32xbf16>
      %parallel_loop3A_145 = arith.addf %parallel_loop3A_139, %parallel_loop3A_144 : vector<32xbf16>
      %parallel_loop3A_146 = arith.constant 16 : i32
      %parallel_loop3A_147 = arith.addi %parallel_loop3A_57, %parallel_loop3A_146 : i32
      %parallel_loop3A_148 = arith.index_cast %parallel_loop3A_147 : i32 to index
      %parallel_loop3A_149 = tpu.vector_load %arg5[%parallel_loop3A_148] {strides = array<i32>} : memref<16384xi32, #tpu.memory_space<vmem>>, vector<16xi32>,
      %parallel_loop3A_150 = vector.bitcast %parallel_loop3A_149 : vector<16xi32> to vector<32xbf16>
      %parallel_loop3A_151 = arith.addf %parallel_loop3A_145, %parallel_loop3A_150 : vector<32xbf16>
      %parallel_loop3A_152 = arith.constant 16 : i32
      %parallel_loop3A_153 = arith.addi %parallel_loop3A_59, %parallel_loop3A_152 : i32
      %parallel_loop3A_154 = arith.index_cast %parallel_loop3A_153 : i32 to index
      %parallel_loop3A_155 = tpu.vector_load %arg5[%parallel_loop3A_154] {strides = array<i32>} : memref<16384xi32, #tpu.memory_space<vmem>>, vector<16xi32>,
      %parallel_loop3A_156 = vector.bitcast %parallel_loop3A_155 : vector<16xi32> to vector<32xbf16>
      %parallel_loop3A_157 = arith.addf %parallel_loop3A_151, %parallel_loop3A_156 : vector<32xbf16>
      %parallel_loop3A_158 = tpu.unpack_subelements %parallel_loop3A_157, 0 {pack_format = #tpu.pack_format<interleaved>} : vector<32xbf16> -> vector<16xf32>
      %parallel_loop3A_159 = tpu.unpack_subelements %parallel_loop3A_157, 1 {pack_format = #tpu.pack_format<interleaved>} : vector<32xbf16> -> vector<16xf32>
      %parallel_loop3A_160 = arith.constant 16 : i32
      %parallel_loop3A_161 = arith.addi %parallel_loop3A_63, %parallel_loop3A_160 : i32
      %parallel_loop3A_162 = arith.index_cast %parallel_loop3A_161 : i32 to index
      %parallel_loop3A_163 = tpu.vector_load %arg8[%parallel_loop3A_162] {strides = array<i32>} : memref<65536xf32, #tpu.memory_space<vmem>>, vector<16xf32>,
      tpu.vector_store %arg8[%parallel_loop3A_162], %parallel_loop3A_158 {strides = array<i32>} : memref<65536xf32, #tpu.memory_space<vmem>>, vector<16xf32>,
      %parallel_loop3A_164 = arith.constant 64 : i32
      %parallel_loop3A_165 = arith.addi %parallel_loop3A_63, %parallel_loop3A_164 : i32
      %parallel_loop3A_166 = arith.constant 16 : i32
      %parallel_loop3A_167 = arith.addi %parallel_loop3A_165, %parallel_loop3A_166 : i32
      %parallel_loop3A_168 = arith.index_cast %parallel_loop3A_167 : i32 to index
      %parallel_loop3A_169 = tpu.vector_load %arg8[%parallel_loop3A_168] {strides = array<i32>} : memref<65536xf32, #tpu.memory_space<vmem>>, vector<16xf32>,
      tpu.vector_store %arg8[%parallel_loop3A_168], %parallel_loop3A_159 {strides = array<i32>} : memref<65536xf32, #tpu.memory_space<vmem>>, vector<16xf32>,
      %parallel_loop3A_170 = arith.constant 32 : i32
      %parallel_loop3A_171 = arith.addi %parallel_loop3A_47, %parallel_loop3A_170 : i32
      %parallel_loop3A_172 = arith.index_cast %parallel_loop3A_171 : i32 to index
      %parallel_loop3A_173 = tpu.vector_load %arg5[%parallel_loop3A_172] {strides = array<i32>} : memref<16384xi32, #tpu.memory_space<vmem>>, vector<16xi32>,
      %parallel_loop3A_174 = vector.bitcast %parallel_loop3A_173 : vector<16xi32> to vector<32xbf16>
      %parallel_loop3A_175 = arith.constant 32 : i32
      %parallel_loop3A_176 = arith.addi %parallel_loop3A_49, %parallel_loop3A_175 : i32
      %parallel_loop3A_177 = arith.index_cast %parallel_loop3A_176 : i32 to index
      %parallel_loop3A_178 = tpu.vector_load %arg5[%parallel_loop3A_177] {strides = array<i32>} : memref<16384xi32, #tpu.memory_space<vmem>>, vector<16xi32>,
      %parallel_loop3A_179 = vector.bitcast %parallel_loop3A_178 : vector<16xi32> to vector<32xbf16>
      %parallel_loop3A_180 = arith.addf %parallel_loop3A_174, %parallel_loop3A_179 : vector<32xbf16>
      %parallel_loop3A_181 = arith.constant 32 : i32
      %parallel_loop3A_182 = arith.addi %parallel_loop3A_51, %parallel_loop3A_181 : i32
      %parallel_loop3A_183 = arith.index_cast %parallel_loop3A_182 : i32 to index
      %parallel_loop3A_184 = tpu.vector_load %arg5[%parallel_loop3A_183] {strides = array<i32>} : memref<16384xi32, #tpu.memory_space<vmem>>, vector<16xi32>,
      %parallel_loop3A_185 = vector.bitcast %parallel_loop3A_184 : vector<16xi32> to vector<32xbf16>
      %parallel_loop3A_186 = arith.addf %parallel_loop3A_180, %parallel_loop3A_185 : vector<32xbf16>
      %parallel_loop3A_187 = arith.constant 32 : i32
      %parallel_loop3A_188 = arith.addi %parallel_loop3A_53, %parallel_loop3A_187 : i32
      %parallel_loop3A_189 = arith.index_cast %parallel_loop3A_188 : i32 to index
      %parallel_loop3A_190 = tpu.vector_load %arg5[%parallel_loop3A_189] {strides = array<i32>} : memref<16384xi32, #tpu.memory_space<vmem>>, vector<16xi32>,
      %parallel_loop3A_191 = vector.bitcast %parallel_loop3A_190 : vector<16xi32> to vector<32xbf16>
      %parallel_loop3A_192 = arith.addf %parallel_loop3A_186, %parallel_loop3A_191 : vector<32xbf16>
      %parallel_loop3A_193 = arith.constant 32 : i32
      %parallel_loop3A_194 = arith.addi %parallel_loop3A_55, %parallel_loop3A_193 : i32
      %parallel_loop3A_195 = arith.index_cast %parallel_loop3A_194 : i32 to index
      %parallel_loop3A_196 = tpu.vector_load %arg5[%parallel_loop3A_195] {strides = array<i32>} : memref<16384xi32, #tpu.memory_space<vmem>>, vector<16xi32>,
      %parallel_loop3A_197 = vector.bitcast %parallel_loop3A_196 : vector<16xi32> to vector<32xbf16>
      %parallel_loop3A_198 = arith.addf %parallel_loop3A_192, %parallel_loop3A_197 : vector<32xbf16>
      %parallel_loop3A_199 = arith.constant 32 : i32
      %parallel_loop3A_200 = arith.addi %parallel_loop3A_57, %parallel_loop3A_199 : i32
      %parallel_loop3A_201 = arith.index_cast %parallel_loop3A_200 : i32 to index
      %parallel_loop3A_202 = tpu.vector_load %arg5[%parallel_loop3A_201] {strides = array<i32>} : memref<16384xi32, #tpu.memory_space<vmem>>, vector<16xi32>,
      %parallel_loop3A_203 = vector.bitcast %parallel_loop3A_202 : vector<16xi32> to vector<32xbf16>
      %parallel_loop3A_204 = arith.addf %parallel_loop3A_198, %parallel_loop3A_203 : vector<32xbf16>
      %parallel_loop3A_205 = arith.constant 32 : i32
      %parallel_loop3A_206 = arith.addi %parallel_loop3A_59, %parallel_loop3A_205 : i32
      %parallel_loop3A_207 = arith.index_cast %parallel_loop3A_206 : i32 to index
      %parallel_loop3A_208 = tpu.vector_load %arg5[%parallel_loop3A_207] {strides = array<i32>} : memref<16384xi32, #tpu.memory_space<vmem>>, vector<16xi32>,
      %parallel_loop3A_209 = vector.bitcast %parallel_loop3A_208 : vector<16xi32> to vector<32xbf16>
      %parallel_loop3A_210 = arith.addf %parallel_loop3A_204, %parallel_loop3A_209 : vector<32xbf16>
      %parallel_loop3A_211 = tpu.unpack_subelements %parallel_loop3A_210, 0 {pack_format = #tpu.pack_format<interleaved>} : vector<32xbf16> -> vector<16xf32>
      %parallel_loop3A_212 = tpu.unpack_subelements %parallel_loop3A_210, 1 {pack_format = #tpu.pack_format<interleaved>} : vector<32xbf16> -> vector<16xf32>
      %parallel_loop3A_213 = arith.constant 32 : i32
      %parallel_loop3A_214 = arith.addi %parallel_loop3A_63, %parallel_loop3A_213 : i32
      %parallel_loop3A_215 = arith.index_cast %parallel_loop3A_214 : i32 to index
      %parallel_loop3A_216 = tpu.vector_load %arg8[%parallel_loop3A_215] {strides = array<i32>} : memref<65536xf32, #tpu.memory_space<vmem>>, vector<16xf32>,
      tpu.vector_store %arg8[%parallel_loop3A_215], %parallel_loop3A_211 {strides = array<i32>} : memref<65536xf32, #tpu.memory_space<vmem>>, vector<16xf32>,
      %parallel_loop3A_217 = arith.constant 64 : i32
      %parallel_loop3A_218 = arith.addi %parallel_loop3A_63, %parallel_loop3A_217 : i32
      %parallel_loop3A_219 = arith.constant 32 : i32
      %parallel_loop3A_220 = arith.addi %parallel_loop3A_218, %parallel_loop3A_219 : i32
      %parallel_loop3A_221 = arith.index_cast %parallel_loop3A_220 : i32 to index
      %parallel_loop3A_222 = tpu.vector_load %arg8[%parallel_loop3A_221] {strides = array<i32>} : memref<65536xf32, #tpu.memory_space<vmem>>, vector<16xf32>,
      tpu.vector_store %arg8[%parallel_loop3A_221], %parallel_loop3A_212 {strides = array<i32>} : memref<65536xf32, #tpu.memory_space<vmem>>, vector<16xf32>,
      %parallel_loop3A_223 = arith.constant 48 : i32
      %parallel_loop3A_224 = arith.addi %parallel_loop3A_47, %parallel_loop3A_223 : i32
      %parallel_loop3A_225 = arith.index_cast %parallel_loop3A_224 : i32 to index
      %parallel_loop3A_226 = tpu.vector_load %arg5[%parallel_loop3A_225] {strides = array<i32>} : memref<16384xi32, #tpu.memory_space<vmem>>, vector<16xi32>,
      %parallel_loop3A_227 = vector.bitcast %parallel_loop3A_226 : vector<16xi32> to vector<32xbf16>
      %parallel_loop3A_228 = arith.constant 48 : i32
      %parallel_loop3A_229 = arith.addi %parallel_loop3A_49, %parallel_loop3A_228 : i32
      %parallel_loop3A_230 = arith.index_cast %parallel_loop3A_229 : i32 to index
      %parallel_loop3A_231 = tpu.vector_load %arg5[%parallel_loop3A_230] {strides = array<i32>} : memref<16384xi32, #tpu.memory_space<vmem>>, vector<16xi32>,
      %parallel_loop3A_232 = vector.bitcast %parallel_loop3A_231 : vector<16xi32> to vector<32xbf16>
      %parallel_loop3A_233 = arith.addf %parallel_loop3A_227, %parallel_loop3A_232 : vector<32xbf16>
      %parallel_loop3A_234 = arith.constant 48 : i32
      %parallel_loop3A_235 = arith.addi %parallel_loop3A_51, %parallel_loop3A_234 : i32
      %parallel_loop3A_236 = arith.index_cast %parallel_loop3A_235 : i32 to index
      %parallel_loop3A_237 = tpu.vector_load %arg5[%parallel_loop3A_236] {strides = array<i32>} : memref<16384xi32, #tpu.memory_space<vmem>>, vector<16xi32>,
      %parallel_loop3A_238 = vector.bitcast %parallel_loop3A_237 : vector<16xi32> to vector<32xbf16>
      %parallel_loop3A_239 = arith.addf %parallel_loop3A_233, %parallel_loop3A_238 : vector<32xbf16>
      %parallel_loop3A_240 = arith.constant 48 : i32
      %parallel_loop3A_241 = arith.addi %parallel_loop3A_53, %parallel_loop3A_240 : i32
      %parallel_loop3A_242 = arith.index_cast %parallel_loop3A_241 : i32 to index
      %parallel_loop3A_243 = tpu.vector_load %arg5[%parallel_loop3A_242] {strides = array<i32>} : memref<16384xi32, #tpu.memory_space<vmem>>, vector<16xi32>,
      %parallel_loop3A_244 = vector.bitcast %parallel_loop3A_243 : vector<16xi32> to vector<32xbf16>
      %parallel_loop3A_245 = arith.addf %parallel_loop3A_239, %parallel_loop3A_244 : vector<32xbf16>
      %parallel_loop3A_246 = arith.constant 48 : i32
      %parallel_loop3A_247 = arith.addi %parallel_loop3A_55, %parallel_loop3A_246 : i32
      %parallel_loop3A_248 = arith.index_cast %parallel_loop3A_247 : i32 to index
      %parallel_loop3A_249 = tpu.vector_load %arg5[%parallel_loop3A_248] {strides = array<i32>} : memref<16384xi32, #tpu.memory_space<vmem>>, vector<16xi32>,
      %parallel_loop3A_250 = vector.bitcast %parallel_loop3A_249 : vector<16xi32> to vector<32xbf16>
      %parallel_loop3A_251 = arith.addf %parallel_loop3A_245, %parallel_loop3A_250 : vector<32xbf16>
      %parallel_loop3A_252 = arith.constant 48 : i32
      %parallel_loop3A_253 = arith.addi %parallel_loop3A_57, %parallel_loop3A_252 : i32
      %parallel_loop3A_254 = arith.index_cast %parallel_loop3A_253 : i32 to index
      %parallel_loop3A_255 = tpu.vector_load %arg5[%parallel_loop3A_254] {strides = array<i32>} : memref<16384xi32, #tpu.memory_space<vmem>>, vector<16xi32>,
      %parallel_loop3A_256 = vector.bitcast %parallel_loop3A_255 : vector<16xi32> to vector<32xbf16>
      %parallel_loop3A_257 = arith.addf %parallel_loop3A_251, %parallel_loop3A_256 : vector<32xbf16>
      %parallel_loop3A_258 = arith.constant 48 : i32
      %parallel_loop3A_259 = arith.addi %parallel_loop3A_59, %parallel_loop3A_258 : i32
      %parallel_loop3A_260 = arith.index_cast %parallel_loop3A_259 : i32 to index
      %parallel_loop3A_261 = tpu.vector_load %arg5[%parallel_loop3A_260] {strides = array<i32>} : memref<16384xi32, #tpu.memory_space<vmem>>, vector<16xi32>,
      %parallel_loop3A_262 = vector.bitcast %parallel_loop3A_261 : vector<16xi32> to vector<32xbf16>
      %parallel_loop3A_263 = arith.addf %parallel_loop3A_257, %parallel_loop3A_262 : vector<32xbf16>
      %parallel_loop3A_264 = tpu.unpack_subelements %parallel_loop3A_263, 0 {pack_format = #tpu.pack_format<interleaved>} : vector<32xbf16> -> vector<16xf32>
      %parallel_loop3A_265 = tpu.unpack_subelements %parallel_loop3A_263, 1 {pack_format = #tpu.pack_format<interleaved>} : vector<32xbf16> -> vector<16xf32>
      %parallel_loop3A_266 = arith.constant 48 : i32
      %parallel_loop3A_267 = arith.addi %parallel_loop3A_63, %parallel_loop3A_266 : i32
      %parallel_loop3A_268 = arith.index_cast %parallel_loop3A_267 : i32 to index
      %parallel_loop3A_269 = tpu.vector_load %arg8[%parallel_loop3A_268] {strides = array<i32>} : memref<65536xf32, #tpu.memory_space<vmem>>, vector<16xf32>,
      tpu.vector_store %arg8[%parallel_loop3A_268], %parallel_loop3A_264 {strides = array<i32>} : memref<65536xf32, #tpu.memory_space<vmem>>, vector<16xf32>,
      %parallel_loop3A_270 = arith.constant 64 : i32
      %parallel_loop3A_271 = arith.addi %parallel_loop3A_63, %parallel_loop3A_270 : i32
      %parallel_loop3A_272 = arith.constant 48 : i32
      %parallel_loop3A_273 = arith.addi %parallel_loop3A_271, %parallel_loop3A_272 : i32
      %parallel_loop3A_274 = arith.index_cast %parallel_loop3A_273 : i32 to index
      %parallel_loop3A_275 = tpu.vector_load %arg8[%parallel_loop3A_274] {strides = array<i32>} : memref<65536xf32, #tpu.memory_space<vmem>>, vector<16xf32>,
      tpu.vector_store %arg8[%parallel_loop3A_274], %parallel_loop3A_265 {strides = array<i32>} : memref<65536xf32, #tpu.memory_space<vmem>>, vector<16xf32>,
      %parallel_loop3A_276 = vector.extract_strided_slice %parallel_loop3A_45 {offsets = [8], sizes = [1], strides = [1]} : vector<16xi32> to vector<1xi32>
      %parallel_loop3A_277 = vector.extract %parallel_loop3A_276[0] : i32 from vector<1xi32>
      %parallel_loop3A_278 = vector.extract_strided_slice %parallel_loop3A_45 {offsets = [9], sizes = [1], strides = [1]} : vector<16xi32> to vector<1xi32>
      %parallel_loop3A_279 = vector.extract %parallel_loop3A_278[0] : i32 from vector<1xi32>
      %parallel_loop3A_280 = vector.extract_strided_slice %parallel_loop3A_45 {offsets = [10], sizes = [1], strides = [1]} : vector<16xi32> to vector<1xi32>
      %parallel_loop3A_281 = vector.extract %parallel_loop3A_280[0] : i32 from vector<1xi32>
      %parallel_loop3A_282 = vector.extract_strided_slice %parallel_loop3A_45 {offsets = [11], sizes = [1], strides = [1]} : vector<16xi32> to vector<1xi32>
      %parallel_loop3A_283 = vector.extract %parallel_loop3A_282[0] : i32 from vector<1xi32>
      %parallel_loop3A_284 = vector.extract_strided_slice %parallel_loop3A_45 {offsets = [12], sizes = [1], strides = [1]} : vector<16xi32> to vector<1xi32>
      %parallel_loop3A_285 = vector.extract %parallel_loop3A_284[0] : i32 from vector<1xi32>
      %parallel_loop3A_286 = vector.extract_strided_slice %parallel_loop3A_45 {offsets = [13], sizes = [1], strides = [1]} : vector<16xi32> to vector<1xi32>
      %parallel_loop3A_287 = vector.extract %parallel_loop3A_286[0] : i32 from vector<1xi32>
      %parallel_loop3A_288 = vector.extract_strided_slice %parallel_loop3A_45 {offsets = [14], sizes = [1], strides = [1]} : vector<16xi32> to vector<1xi32>
      %parallel_loop3A_289 = vector.extract %parallel_loop3A_288[0] : i32 from vector<1xi32>
      %parallel_loop3A_290 = arith.constant 256 : i32
      %parallel_loop3A_291 = arith.muli %parallel_loop3A_41, %parallel_loop3A_290 : i32
      %parallel_loop3A_292 = arith.constant 128 : i32
      %parallel_loop3A_293 = arith.addi %parallel_loop3A_291, %parallel_loop3A_292 : i32
      %parallel_loop3A_294 = arith.constant 0 : i32
      %parallel_loop3A_295 = arith.addi %parallel_loop3A_277, %parallel_loop3A_294 : i32
      %parallel_loop3A_296 = arith.index_cast %parallel_loop3A_295 : i32 to index
      %parallel_loop3A_297 = tpu.vector_load %arg5[%parallel_loop3A_296] {strides = array<i32>} : memref<16384xi32, #tpu.memory_space<vmem>>, vector<16xi32>,
      %parallel_loop3A_298 = vector.bitcast %parallel_loop3A_297 : vector<16xi32> to vector<32xbf16>
      %parallel_loop3A_299 = arith.constant 0 : i32
      %parallel_loop3A_300 = arith.addi %parallel_loop3A_279, %parallel_loop3A_299 : i32
      %parallel_loop3A_301 = arith.index_cast %parallel_loop3A_300 : i32 to index
      %parallel_loop3A_302 = tpu.vector_load %arg5[%parallel_loop3A_301] {strides = array<i32>} : memref<16384xi32, #tpu.memory_space<vmem>>, vector<16xi32>,
      %parallel_loop3A_303 = vector.bitcast %parallel_loop3A_302 : vector<16xi32> to vector<32xbf16>
      %parallel_loop3A_304 = arith.addf %parallel_loop3A_298, %parallel_loop3A_303 : vector<32xbf16>
      %parallel_loop3A_305 = arith.constant 0 : i32
      %parallel_loop3A_306 = arith.addi %parallel_loop3A_281, %parallel_loop3A_305 : i32
      %parallel_loop3A_307 = arith.index_cast %parallel_loop3A_306 : i32 to index
      %parallel_loop3A_308 = tpu.vector_load %arg5[%parallel_loop3A_307] {strides = array<i32>} : memref<16384xi32, #tpu.memory_space<vmem>>, vector<16xi32>,
      %parallel_loop3A_309 = vector.bitcast %parallel_loop3A_308 : vector<16xi32> to vector<32xbf16>
      %parallel_loop3A_310 = arith.addf %parallel_loop3A_304, %parallel_loop3A_309 : vector<32xbf16>
      %parallel_loop3A_311 = arith.constant 0 : i32
      %parallel_loop3A_312 = arith.addi %parallel_loop3A_283, %parallel_loop3A_311 : i32
      %parallel_loop3A_313 = arith.index_cast %parallel_loop3A_312 : i32 to index
      %parallel_loop3A_314 = tpu.vector_load %arg5[%parallel_loop3A_313] {strides = array<i32>} : memref<16384xi32, #tpu.memory_space<vmem>>, vector<16xi32>,
      %parallel_loop3A_315 = vector.bitcast %parallel_loop3A_314 : vector<16xi32> to vector<32xbf16>
      %parallel_loop3A_316 = arith.addf %parallel_loop3A_310, %parallel_loop3A_315 : vector<32xbf16>
      %parallel_loop3A_317 = arith.constant 0 : i32
      %parallel_loop3A_318 = arith.addi %parallel_loop3A_285, %parallel_loop3A_317 : i32
      %parallel_loop3A_319 = arith.index_cast %parallel_loop3A_318 : i32 to index
      %parallel_loop3A_320 = tpu.vector_load %arg5[%parallel_loop3A_319] {strides = array<i32>} : memref<16384xi32, #tpu.memory_space<vmem>>, vector<16xi32>,
      %parallel_loop3A_321 = vector.bitcast %parallel_loop3A_320 : vector<16xi32> to vector<32xbf16>
      %parallel_loop3A_322 = arith.addf %parallel_loop3A_316, %parallel_loop3A_321 : vector<32xbf16>
      %parallel_loop3A_323 = arith.constant 0 : i32
      %parallel_loop3A_324 = arith.addi %parallel_loop3A_287, %parallel_loop3A_323 : i32
      %parallel_loop3A_325 = arith.index_cast %parallel_loop3A_324 : i32 to index
      %parallel_loop3A_326 = tpu.vector_load %arg5[%parallel_loop3A_325] {strides = array<i32>} : memref<16384xi32, #tpu.memory_space<vmem>>, vector<16xi32>,
      %parallel_loop3A_327 = vector.bitcast %parallel_loop3A_326 : vector<16xi32> to vector<32xbf16>
      %parallel_loop3A_328 = arith.addf %parallel_loop3A_322, %parallel_loop3A_327 : vector<32xbf16>
      %parallel_loop3A_329 = arith.constant 0 : i32
      %parallel_loop3A_330 = arith.addi %parallel_loop3A_289, %parallel_loop3A_329 : i32
      %parallel_loop3A_331 = arith.index_cast %parallel_loop3A_330 : i32 to index
      %parallel_loop3A_332 = tpu.vector_load %arg5[%parallel_loop3A_331] {strides = array<i32>} : memref<16384xi32, #tpu.memory_space<vmem>>, vector<16xi32>,
      %parallel_loop3A_333 = vector.bitcast %parallel_loop3A_332 : vector<16xi32> to vector<32xbf16>
      %parallel_loop3A_334 = arith.addf %parallel_loop3A_328, %parallel_loop3A_333 : vector<32xbf16>
      %parallel_loop3A_335 = tpu.unpack_subelements %parallel_loop3A_334, 0 {pack_format = #tpu.pack_format<interleaved>} : vector<32xbf16> -> vector<16xf32>
      %parallel_loop3A_336 = tpu.unpack_subelements %parallel_loop3A_334, 1 {pack_format = #tpu.pack_format<interleaved>} : vector<32xbf16> -> vector<16xf32>
      %parallel_loop3A_337 = arith.constant 0 : i32
      %parallel_loop3A_338 = arith.addi %parallel_loop3A_293, %parallel_loop3A_337 : i32
      %parallel_loop3A_339 = arith.index_cast %parallel_loop3A_338 : i32 to index
      %parallel_loop3A_340 = tpu.vector_load %arg8[%parallel_loop3A_339] {strides = array<i32>} : memref<65536xf32, #tpu.memory_space<vmem>>, vector<16xf32>,
      tpu.vector_store %arg8[%parallel_loop3A_339], %parallel_loop3A_335 {strides = array<i32>} : memref<65536xf32, #tpu.memory_space<vmem>>, vector<16xf32>,
      %parallel_loop3A_341 = arith.constant 64 : i32
      %parallel_loop3A_342 = arith.addi %parallel_loop3A_293, %parallel_loop3A_341 : i32
      %parallel_loop3A_343 = arith.constant 0 : i32
      %parallel_loop3A_344 = arith.addi %parallel_loop3A_342, %parallel_loop3A_343 : i32
      %parallel_loop3A_345 = arith.index_cast %parallel_loop3A_344 : i32 to index
      %parallel_loop3A_346 = tpu.vector_load %arg8[%parallel_loop3A_345] {strides = array<i32>} : memref<65536xf32, #tpu.memory_space<vmem>>, vector<16xf32>,
      tpu.vector_store %arg8[%parallel_loop3A_345], %parallel_loop3A_336 {strides = array<i32>} : memref<65536xf32, #tpu.memory_space<vmem>>, vector<16xf32>,
      %parallel_loop3A_347 = arith.constant 16 : i32
      %parallel_loop3A_348 = arith.addi %parallel_loop3A_277, %parallel_loop3A_347 : i32
      %parallel_loop3A_349 = arith.index_cast %parallel_loop3A_348 : i32 to index
      %parallel_loop3A_350 = tpu.vector_load %arg5[%parallel_loop3A_349] {strides = array<i32>} : memref<16384xi32, #tpu.memory_space<vmem>>, vector<16xi32>,
      %parallel_loop3A_351 = vector.bitcast %parallel_loop3A_350 : vector<16xi32> to vector<32xbf16>
      %parallel_loop3A_352 = arith.constant 16 : i32
      %parallel_loop3A_353 = arith.addi %parallel_loop3A_279, %parallel_loop3A_352 : i32
      %parallel_loop3A_354 = arith.index_cast %parallel_loop3A_353 : i32 to index
      %parallel_loop3A_355 = tpu.vector_load %arg5[%parallel_loop3A_354] {strides = array<i32>} : memref<16384xi32, #tpu.memory_space<vmem>>, vector<16xi32>,
      %parallel_loop3A_356 = vector.bitcast %parallel_loop3A_355 : vector<16xi32> to vector<32xbf16>
      %parallel_loop3A_357 = arith.addf %parallel_loop3A_351, %parallel_loop3A_356 : vector<32xbf16>
      %parallel_loop3A_358 = arith.constant 16 : i32
      %parallel_loop3A_359 = arith.addi %parallel_loop3A_281, %parallel_loop3A_358 : i32
      %parallel_loop3A_360 = arith.index_cast %parallel_loop3A_359 : i32 to index
      %parallel_loop3A_361 = tpu.vector_load %arg5[%parallel_loop3A_360] {strides = array<i32>} : memref<16384xi32, #tpu.memory_space<vmem>>, vector<16xi32>,
      %parallel_loop3A_362 = vector.bitcast %parallel_loop3A_361 : vector<16xi32> to vector<32xbf16>
      %parallel_loop3A_363 = arith.addf %parallel_loop3A_357, %parallel_loop3A_362 : vector<32xbf16>
      %parallel_loop3A_364 = arith.constant 16 : i32
      %parallel_loop3A_365 = arith.addi %parallel_loop3A_283, %parallel_loop3A_364 : i32
      %parallel_loop3A_366 = arith.index_cast %parallel_loop3A_365 : i32 to index
      %parallel_loop3A_367 = tpu.vector_load %arg5[%parallel_loop3A_366] {strides = array<i32>} : memref<16384xi32, #tpu.memory_space<vmem>>, vector<16xi32>,
      %parallel_loop3A_368 = vector.bitcast %parallel_loop3A_367 : vector<16xi32> to vector<32xbf16>
      %parallel_loop3A_369 = arith.addf %parallel_loop3A_363, %parallel_loop3A_368 : vector<32xbf16>
      %parallel_loop3A_370 = arith.constant 16 : i32
      %parallel_loop3A_371 = arith.addi %parallel_loop3A_285, %parallel_loop3A_370 : i32
      %parallel_loop3A_372 = arith.index_cast %parallel_loop3A_371 : i32 to index
      %parallel_loop3A_373 = tpu.vector_load %arg5[%parallel_loop3A_372] {strides = array<i32>} : memref<16384xi32, #tpu.memory_space<vmem>>, vector<16xi32>,
      %parallel_loop3A_374 = vector.bitcast %parallel_loop3A_373 : vector<16xi32> to vector<32xbf16>
      %parallel_loop3A_375 = arith.addf %parallel_loop3A_369, %parallel_loop3A_374 : vector<32xbf16>
      %parallel_loop3A_376 = arith.constant 16 : i32
      %parallel_loop3A_377 = arith.addi %parallel_loop3A_287, %parallel_loop3A_376 : i32
      %parallel_loop3A_378 = arith.index_cast %parallel_loop3A_377 : i32 to index
      %parallel_loop3A_379 = tpu.vector_load %arg5[%parallel_loop3A_378] {strides = array<i32>} : memref<16384xi32, #tpu.memory_space<vmem>>, vector<16xi32>,
      %parallel_loop3A_380 = vector.bitcast %parallel_loop3A_379 : vector<16xi32> to vector<32xbf16>
      %parallel_loop3A_381 = arith.addf %parallel_loop3A_375, %parallel_loop3A_380 : vector<32xbf16>
      %parallel_loop3A_382 = arith.constant 16 : i32
      %parallel_loop3A_383 = arith.addi %parallel_loop3A_289, %parallel_loop3A_382 : i32
      %parallel_loop3A_384 = arith.index_cast %parallel_loop3A_383 : i32 to index
      %parallel_loop3A_385 = tpu.vector_load %arg5[%parallel_loop3A_384] {strides = array<i32>} : memref<16384xi32, #tpu.memory_space<vmem>>, vector<16xi32>,
      %parallel_loop3A_386 = vector.bitcast %parallel_loop3A_385 : vector<16xi32> to vector<32xbf16>
      %parallel_loop3A_387 = arith.addf %parallel_loop3A_381, %parallel_loop3A_386 : vector<32xbf16>
      %parallel_loop3A_388 = tpu.unpack_subelements %parallel_loop3A_387, 0 {pack_format = #tpu.pack_format<interleaved>} : vector<32xbf16> -> vector<16xf32>
      %parallel_loop3A_389 = tpu.unpack_subelements %parallel_loop3A_387, 1 {pack_format = #tpu.pack_format<interleaved>} : vector<32xbf16> -> vector<16xf32>
      %parallel_loop3A_390 = arith.constant 16 : i32
      %parallel_loop3A_391 = arith.addi %parallel_loop3A_293, %parallel_loop3A_390 : i32
      %parallel_loop3A_392 = arith.index_cast %parallel_loop3A_391 : i32 to index
      %parallel_loop3A_393 = tpu.vector_load %arg8[%parallel_loop3A_392] {strides = array<i32>} : memref<65536xf32, #tpu.memory_space<vmem>>, vector<16xf32>,
      tpu.vector_store %arg8[%parallel_loop3A_392], %parallel_loop3A_388 {strides = array<i32>} : memref<65536xf32, #tpu.memory_space<vmem>>, vector<16xf32>,
      %parallel_loop3A_394 = arith.constant 64 : i32
      %parallel_loop3A_395 = arith.addi %parallel_loop3A_293, %parallel_loop3A_394 : i32
      %parallel_loop3A_396 = arith.constant 16 : i32
      %parallel_loop3A_397 = arith.addi %parallel_loop3A_395, %parallel_loop3A_396 : i32
      %parallel_loop3A_398 = arith.index_cast %parallel_loop3A_397 : i32 to index
      %parallel_loop3A_399 = tpu.vector_load %arg8[%parallel_loop3A_398] {strides = array<i32>} : memref<65536xf32, #tpu.memory_space<vmem>>, vector<16xf32>,
      tpu.vector_store %arg8[%parallel_loop3A_398], %parallel_loop3A_389 {strides = array<i32>} : memref<65536xf32, #tpu.memory_space<vmem>>, vector<16xf32>,
      %parallel_loop3A_400 = arith.constant 32 : i32
      %parallel_loop3A_401 = arith.addi %parallel_loop3A_277, %parallel_loop3A_400 : i32
      %parallel_loop3A_402 = arith.index_cast %parallel_loop3A_401 : i32 to index
      %parallel_loop3A_403 = tpu.vector_load %arg5[%parallel_loop3A_402] {strides = array<i32>} : memref<16384xi32, #tpu.memory_space<vmem>>, vector<16xi32>,
      %parallel_loop3A_404 = vector.bitcast %parallel_loop3A_403 : vector<16xi32> to vector<32xbf16>
      %parallel_loop3A_405 = arith.constant 32 : i32
      %parallel_loop3A_406 = arith.addi %parallel_loop3A_279, %parallel_loop3A_405 : i32
      %parallel_loop3A_407 = arith.index_cast %parallel_loop3A_406 : i32 to index
      %parallel_loop3A_408 = tpu.vector_load %arg5[%parallel_loop3A_407] {strides = array<i32>} : memref<16384xi32, #tpu.memory_space<vmem>>, vector<16xi32>,
      %parallel_loop3A_409 = vector.bitcast %parallel_loop3A_408 : vector<16xi32> to vector<32xbf16>
      %parallel_loop3A_410 = arith.addf %parallel_loop3A_404, %parallel_loop3A_409 : vector<32xbf16>
      %parallel_loop3A_411 = arith.constant 32 : i32
      %parallel_loop3A_412 = arith.addi %parallel_loop3A_281, %parallel_loop3A_411 : i32
      %parallel_loop3A_413 = arith.index_cast %parallel_loop3A_412 : i32 to index
      %parallel_loop3A_414 = tpu.vector_load %arg5[%parallel_loop3A_413] {strides = array<i32>} : memref<16384xi32, #tpu.memory_space<vmem>>, vector<16xi32>,
      %parallel_loop3A_415 = vector.bitcast %parallel_loop3A_414 : vector<16xi32> to vector<32xbf16>
      %parallel_loop3A_416 = arith.addf %parallel_loop3A_410, %parallel_loop3A_415 : vector<32xbf16>
      %parallel_loop3A_417 = arith.constant 32 : i32
      %parallel_loop3A_418 = arith.addi %parallel_loop3A_283, %parallel_loop3A_417 : i32
      %parallel_loop3A_419 = arith.index_cast %parallel_loop3A_418 : i32 to index
      %parallel_loop3A_420 = tpu.vector_load %arg5[%parallel_loop3A_419] {strides = array<i32>} : memref<16384xi32, #tpu.memory_space<vmem>>, vector<16xi32>,
      %parallel_loop3A_421 = vector.bitcast %parallel_loop3A_420 : vector<16xi32> to vector<32xbf16>
      %parallel_loop3A_422 = arith.addf %parallel_loop3A_416, %parallel_loop3A_421 : vector<32xbf16>
      %parallel_loop3A_423 = arith.constant 32 : i32
      %parallel_loop3A_424 = arith.addi %parallel_loop3A_285, %parallel_loop3A_423 : i32
      %parallel_loop3A_425 = arith.index_cast %parallel_loop3A_424 : i32 to index
      %parallel_loop3A_426 = tpu.vector_load %arg5[%parallel_loop3A_425] {strides = array<i32>} : memref<16384xi32, #tpu.memory_space<vmem>>, vector<16xi32>,
      %parallel_loop3A_427 = vector.bitcast %parallel_loop3A_426 : vector<16xi32> to vector<32xbf16>
      %parallel_loop3A_428 = arith.addf %parallel_loop3A_422, %parallel_loop3A_427 : vector<32xbf16>
      %parallel_loop3A_429 = arith.constant 32 : i32
      %parallel_loop3A_430 = arith.addi %parallel_loop3A_287, %parallel_loop3A_429 : i32
      %parallel_loop3A_431 = arith.index_cast %parallel_loop3A_430 : i32 to index
      %parallel_loop3A_432 = tpu.vector_load %arg5[%parallel_loop3A_431] {strides = array<i32>} : memref<16384xi32, #tpu.memory_space<vmem>>, vector<16xi32>,
      %parallel_loop3A_433 = vector.bitcast %parallel_loop3A_432 : vector<16xi32> to vector<32xbf16>
      %parallel_loop3A_434 = arith.addf %parallel_loop3A_428, %parallel_loop3A_433 : vector<32xbf16>
      %parallel_loop3A_435 = arith.constant 32 : i32
      %parallel_loop3A_436 = arith.addi %parallel_loop3A_289, %parallel_loop3A_435 : i32
      %parallel_loop3A_437 = arith.index_cast %parallel_loop3A_436 : i32 to index
      %parallel_loop3A_438 = tpu.vector_load %arg5[%parallel_loop3A_437] {strides = array<i32>} : memref<16384xi32, #tpu.memory_space<vmem>>, vector<16xi32>,
      %parallel_loop3A_439 = vector.bitcast %parallel_loop3A_438 : vector<16xi32> to vector<32xbf16>
      %parallel_loop3A_440 = arith.addf %parallel_loop3A_434, %parallel_loop3A_439 : vector<32xbf16>
      %parallel_loop3A_441 = tpu.unpack_subelements %parallel_loop3A_440, 0 {pack_format = #tpu.pack_format<interleaved>} : vector<32xbf16> -> vector<16xf32>
      %parallel_loop3A_442 = tpu.unpack_subelements %parallel_loop3A_440, 1 {pack_format = #tpu.pack_format<interleaved>} : vector<32xbf16> -> vector<16xf32>
      %parallel_loop3A_443 = arith.constant 32 : i32
      %parallel_loop3A_444 = arith.addi %parallel_loop3A_293, %parallel_loop3A_443 : i32
      %parallel_loop3A_445 = arith.index_cast %parallel_loop3A_444 : i32 to index
      %parallel_loop3A_446 = tpu.vector_load %arg8[%parallel_loop3A_445] {strides = array<i32>} : memref<65536xf32, #tpu.memory_space<vmem>>, vector<16xf32>,
      tpu.vector_store %arg8[%parallel_loop3A_445], %parallel_loop3A_441 {strides = array<i32>} : memref<65536xf32, #tpu.memory_space<vmem>>, vector<16xf32>,
      %parallel_loop3A_447 = arith.constant 64 : i32
      %parallel_loop3A_448 = arith.addi %parallel_loop3A_293, %parallel_loop3A_447 : i32
      %parallel_loop3A_449 = arith.constant 32 : i32
      %parallel_loop3A_450 = arith.addi %parallel_loop3A_448, %parallel_loop3A_449 : i32
      %parallel_loop3A_451 = arith.index_cast %parallel_loop3A_450 : i32 to index
      %parallel_loop3A_452 = tpu.vector_load %arg8[%parallel_loop3A_451] {strides = array<i32>} : memref<65536xf32, #tpu.memory_space<vmem>>, vector<16xf32>,
      tpu.vector_store %arg8[%parallel_loop3A_451], %parallel_loop3A_442 {strides = array<i32>} : memref<65536xf32, #tpu.memory_space<vmem>>, vector<16xf32>,
      %parallel_loop3A_453 = arith.constant 48 : i32
      %parallel_loop3A_454 = arith.addi %parallel_loop3A_277, %parallel_loop3A_453 : i32
      %parallel_loop3A_455 = arith.index_cast %parallel_loop3A_454 : i32 to index
      %parallel_loop3A_456 = tpu.vector_load %arg5[%parallel_loop3A_455] {strides = array<i32>} : memref<16384xi32, #tpu.memory_space<vmem>>, vector<16xi32>,
      %parallel_loop3A_457 = vector.bitcast %parallel_loop3A_456 : vector<16xi32> to vector<32xbf16>
      %parallel_loop3A_458 = arith.constant 48 : i32
      %parallel_loop3A_459 = arith.addi %parallel_loop3A_279, %parallel_loop3A_458 : i32
      %parallel_loop3A_460 = arith.index_cast %parallel_loop3A_459 : i32 to index
      %parallel_loop3A_461 = tpu.vector_load %arg5[%parallel_loop3A_460] {strides = array<i32>} : memref<16384xi32, #tpu.memory_space<vmem>>, vector<16xi32>,
      %parallel_loop3A_462 = vector.bitcast %parallel_loop3A_461 : vector<16xi32> to vector<32xbf16>
      %parallel_loop3A_463 = arith.addf %parallel_loop3A_457, %parallel_loop3A_462 : vector<32xbf16>
      %parallel_loop3A_464 = arith.constant 48 : i32
      %parallel_loop3A_465 = arith.addi %parallel_loop3A_281, %parallel_loop3A_464 : i32
      %parallel_loop3A_466 = arith.index_cast %parallel_loop3A_465 : i32 to index
      %parallel_loop3A_467 = tpu.vector_load %arg5[%parallel_loop3A_466] {strides = array<i32>} : memref<16384xi32, #tpu.memory_space<vmem>>, vector<16xi32>,
      %parallel_loop3A_468 = vector.bitcast %parallel_loop3A_467 : vector<16xi32> to vector<32xbf16>
      %parallel_loop3A_469 = arith.addf %parallel_loop3A_463, %parallel_loop3A_468 : vector<32xbf16>
      %parallel_loop3A_470 = arith.constant 48 : i32
      %parallel_loop3A_471 = arith.addi %parallel_loop3A_283, %parallel_loop3A_470 : i32
      %parallel_loop3A_472 = arith.index_cast %parallel_loop3A_471 : i32 to index
      %parallel_loop3A_473 = tpu.vector_load %arg5[%parallel_loop3A_472] {strides = array<i32>} : memref<16384xi32, #tpu.memory_space<vmem>>, vector<16xi32>,
      %parallel_loop3A_474 = vector.bitcast %parallel_loop3A_473 : vector<16xi32> to vector<32xbf16>
      %parallel_loop3A_475 = arith.addf %parallel_loop3A_469, %parallel_loop3A_474 : vector<32xbf16>
      %parallel_loop3A_476 = arith.constant 48 : i32
      %parallel_loop3A_477 = arith.addi %parallel_loop3A_285, %parallel_loop3A_476 : i32
      %parallel_loop3A_478 = arith.index_cast %parallel_loop3A_477 : i32 to index
      %parallel_loop3A_479 = tpu.vector_load %arg5[%parallel_loop3A_478] {strides = array<i32>} : memref<16384xi32, #tpu.memory_space<vmem>>, vector<16xi32>,
      %parallel_loop3A_480 = vector.bitcast %parallel_loop3A_479 : vector<16xi32> to vector<32xbf16>
      %parallel_loop3A_481 = arith.addf %parallel_loop3A_475, %parallel_loop3A_480 : vector<32xbf16>
      %parallel_loop3A_482 = arith.constant 48 : i32
      %parallel_loop3A_483 = arith.addi %parallel_loop3A_287, %parallel_loop3A_482 : i32
      %parallel_loop3A_484 = arith.index_cast %parallel_loop3A_483 : i32 to index
      %parallel_loop3A_485 = tpu.vector_load %arg5[%parallel_loop3A_484] {strides = array<i32>} : memref<16384xi32, #tpu.memory_space<vmem>>, vector<16xi32>,
      %parallel_loop3A_486 = vector.bitcast %parallel_loop3A_485 : vector<16xi32> to vector<32xbf16>
      %parallel_loop3A_487 = arith.addf %parallel_loop3A_481, %parallel_loop3A_486 : vector<32xbf16>
      %parallel_loop3A_488 = arith.constant 48 : i32
      %parallel_loop3A_489 = arith.addi %parallel_loop3A_289, %parallel_loop3A_488 : i32
      %parallel_loop3A_490 = arith.index_cast %parallel_loop3A_489 : i32 to index
      %parallel_loop3A_491 = tpu.vector_load %arg5[%parallel_loop3A_490] {strides = array<i32>} : memref<16384xi32, #tpu.memory_space<vmem>>, vector<16xi32>,
      %parallel_loop3A_492 = vector.bitcast %parallel_loop3A_491 : vector<16xi32> to vector<32xbf16>
      %parallel_loop3A_493 = arith.addf %parallel_loop3A_487, %parallel_loop3A_492 : vector<32xbf16>
      %parallel_loop3A_494 = tpu.unpack_subelements %parallel_loop3A_493, 0 {pack_format = #tpu.pack_format<interleaved>} : vector<32xbf16> -> vector<16xf32>
      %parallel_loop3A_495 = tpu.unpack_subelements %parallel_loop3A_493, 1 {pack_format = #tpu.pack_format<interleaved>} : vector<32xbf16> -> vector<16xf32>
      %parallel_loop3A_496 = arith.constant 48 : i32
      %parallel_loop3A_497 = arith.addi %parallel_loop3A_293, %parallel_loop3A_496 : i32
      %parallel_loop3A_498 = arith.index_cast %parallel_loop3A_497 : i32 to index
      %parallel_loop3A_499 = tpu.vector_load %arg8[%parallel_loop3A_498] {strides = array<i32>} : memref<65536xf32, #tpu.memory_space<vmem>>, vector<16xf32>,
      tpu.vector_store %arg8[%parallel_loop3A_498], %parallel_loop3A_494 {strides = array<i32>} : memref<65536xf32, #tpu.memory_space<vmem>>, vector<16xf32>,
      %parallel_loop3A_500 = arith.constant 64 : i32
      %parallel_loop3A_501 = arith.addi %parallel_loop3A_293, %parallel_loop3A_500 : i32
      %parallel_loop3A_502 = arith.constant 48 : i32
      %parallel_loop3A_503 = arith.addi %parallel_loop3A_501, %parallel_loop3A_502 : i32
      %parallel_loop3A_504 = arith.index_cast %parallel_loop3A_503 : i32 to index
      %parallel_loop3A_505 = tpu.vector_load %arg8[%parallel_loop3A_504] {strides = array<i32>} : memref<65536xf32, #tpu.memory_space<vmem>>, vector<16xf32>,
      tpu.vector_store %arg8[%parallel_loop3A_504], %parallel_loop3A_495 {strides = array<i32>} : memref<65536xf32, #tpu.memory_space<vmem>>, vector<16xf32>,
    } {sc.loop_unroll_factor = 4 : i64, sc.parallel_access}
    %mul3A_39 = arith.constant 128 : i32
    %mul3A_40 = arith.muli %mul3A_2, %mul3A_39 : i32
    "tpu.region"() ({
      %run_scoped3A = tpu.sem_alloc : memref<!tpu.dma_semaphore, #tpu.memory_space<semaphore_mem>>
      %dma_start3A = tpu.memref_slice %arg4[%mul3A_40] : memref<2097152xf32, #tpu.memory_space<hbm>> -> memref<65536xf32, #tpu.memory_space<hbm>>
      %dma_start3A_41 = tpu.memref_slice %arg4[%mul3A_40] : memref<2097152xf32, #tpu.memory_space<hbm>> -> memref<65536xf32, #tpu.memory_space<hbm>>
      tpu.enqueue_dma source(%arg8 : memref<65536xf32, #tpu.memory_space<vmem>>) target(%dma_start3A_41 : memref<65536xf32, #tpu.memory_space<hbm>>) target_semaphore(%run_scoped3A : memref<!tpu.dma_semaphore, #tpu.memory_space<semaphore_mem>>)
      %dma_wait3A = tpu.memref_slice %arg4[%mul3A_40] : memref<2097152xf32, #tpu.memory_space<hbm>> -> memref<65536xf32, #tpu.memory_space<hbm>>
      %dma_wait3A_42 = tpu.memref_slice %arg4[%mul3A_40] : memref<2097152xf32, #tpu.memory_space<hbm>> -> memref<65536xf32, #tpu.memory_space<hbm>>
      tpu.wait_dma2 semaphore(%run_scoped3A : memref<!tpu.dma_semaphore, #tpu.memory_space<semaphore_mem>>) src(%arg8 : memref<65536xf32, #tpu.memory_space<vmem>>) dst(%dma_wait3A_42 : memref<65536xf32, #tpu.memory_space<hbm>>)
      tpu.yield
    }) : () -> ()
    return
  }
}

module attributes {stable_mosaic.version = 14 : i64} {
  func.func @_table_body(%arg0: memref<36x32xf32, #tpu.memory_space<vmem>>, %arg1: memref<224x128xf32, #tpu.memory_space<vmem>>, %arg2: memref<1x128xf32, #tpu.memory_space<vmem>>, %arg3: memref<128x128xi32, #tpu.memory_space<vmem>>) attributes {dimension_semantics = [], scalar_prefetch = 0 : i64, scratch_operands = 0 : i64, tpu.core_type = #tpu.core_type<tc>} {
    %get3A = arith.constant 0 : index
    %get3A_0 = arith.constant 0 : index
    %get3A_1 = vector.load %arg0[%get3A, %get3A_0] : memref<36x32xf32, #tpu.memory_space<vmem>>, vector<36x32xf32>
    %get3A_2 = arith.constant 0 : index
    %get3A_3 = arith.constant 0 : index
    %get3A_4 = vector.load %arg1[%get3A_2, %get3A_3] : memref<224x128xf32, #tpu.memory_space<vmem>>, vector<32x128xf32>
    %dot_general3A = arith.constant dense<0.000000e+00> : vector<36x128xf32>
    %dot_general3A_5 = tpu.matmul %get3A_1, %get3A_4, %dot_general3A {dimension_numbers = #tpu.dot_dimension_numbers<[1], [0], [0], [1], [0, 0, 1, 1], [], []>, transpose_lhs_hint = false} : vector<36x32xf32>, vector<32x128xf32>, vector<36x128xf32> -> vector<36x128xf32>
    %slice3A = vector.extract_strided_slice %dot_general3A_5 {offsets = [0, 0], sizes = [36, 64], strides = [1, 1]} : vector<36x128xf32> to vector<36x64xf32>
    %convert_element_type3A = arith.truncf %slice3A : vector<36x64xf32> to vector<36x64xbf16>
    %bitcast_convert_type3A = tpu.bitcast %convert_element_type3A : vector<36x64xbf16> -> vector<36x64xi16>
    %convert_element_type3A_6 = arith.extui %bitcast_convert_type3A : vector<36x64xi16> to vector<36x64xi32>
    %slice3A_7 = vector.extract_strided_slice %dot_general3A_5 {offsets = [0, 64], sizes = [36, 64], strides = [1, 1]} : vector<36x128xf32> to vector<36x64xf32>
    %convert_element_type3A_8 = arith.truncf %slice3A_7 : vector<36x64xf32> to vector<36x64xbf16>
    %bitcast_convert_type3A_9 = tpu.bitcast %convert_element_type3A_8 : vector<36x64xbf16> -> vector<36x64xi16>
    %convert_element_type3A_10 = arith.extui %bitcast_convert_type3A_9 : vector<36x64xi16> to vector<36x64xi32>
    %shift_left3A = arith.constant 16 : i32
    %shift_left3A_11 = vector.broadcast %shift_left3A : i32 to vector<36x64xi32>
    %shift_left3A_12 = arith.shli %convert_element_type3A_10, %shift_left3A_11 : vector<36x64xi32>
    %or3A = arith.ori %convert_element_type3A_6, %shift_left3A_12 : vector<36x64xi32>
    %bitcast_convert_type3A_13 = tpu.bitcast %or3A : vector<36x64xi32> -> vector<36x64xi32>
    %slice3A_14 = vector.extract_strided_slice %bitcast_convert_type3A_13 {offsets = [0, 0], sizes = [1, 64], strides = [1, 1]} : vector<36x64xi32> to vector<1x64xi32>
    %slice3A_15 = vector.extract_strided_slice %bitcast_convert_type3A_13 {offsets = [1, 0], sizes = [1, 64], strides = [1, 1]} : vector<36x64xi32> to vector<1x64xi32>
    %concatenate3A = tpu.concatenate %slice3A_14, %slice3A_15 in 1 : vector<1x64xi32>, vector<1x64xi32> -> vector<1x128xi32>
    %swap3A = arith.constant 0 : index
    %swap3A_16 = arith.constant 0 : index
    %swap3A_17 = vector.load %arg3[%swap3A, %swap3A_16] : memref<128x128xi32, #tpu.memory_space<vmem>>, vector<1x128xi32>
    tpu.vector_store %arg3[%swap3A, %swap3A_16], %concatenate3A {strides = array<i32>} : memref<128x128xi32, #tpu.memory_space<vmem>>, vector<1x128xi32>,
    %slice3A_18 = vector.extract_strided_slice %bitcast_convert_type3A_13 {offsets = [2, 0], sizes = [1, 64], strides = [1, 1]} : vector<36x64xi32> to vector<1x64xi32>
    %slice3A_19 = vector.extract_strided_slice %bitcast_convert_type3A_13 {offsets = [3, 0], sizes = [1, 64], strides = [1, 1]} : vector<36x64xi32> to vector<1x64xi32>
    %concatenate3A_20 = tpu.concatenate %slice3A_18, %slice3A_19 in 1 : vector<1x64xi32>, vector<1x64xi32> -> vector<1x128xi32>
    %swap3A_21 = arith.constant 1 : index
    %swap3A_22 = arith.constant 0 : index
    %swap3A_23 = vector.load %arg3[%swap3A_21, %swap3A_22] : memref<128x128xi32, #tpu.memory_space<vmem>>, vector<1x128xi32>
    tpu.vector_store %arg3[%swap3A_21, %swap3A_22], %concatenate3A_20 {strides = array<i32>} : memref<128x128xi32, #tpu.memory_space<vmem>>, vector<1x128xi32>,
    %slice3A_24 = vector.extract_strided_slice %bitcast_convert_type3A_13 {offsets = [4, 0], sizes = [1, 64], strides = [1, 1]} : vector<36x64xi32> to vector<1x64xi32>
    %slice3A_25 = vector.extract_strided_slice %bitcast_convert_type3A_13 {offsets = [5, 0], sizes = [1, 64], strides = [1, 1]} : vector<36x64xi32> to vector<1x64xi32>
    %concatenate3A_26 = tpu.concatenate %slice3A_24, %slice3A_25 in 1 : vector<1x64xi32>, vector<1x64xi32> -> vector<1x128xi32>
    %swap3A_27 = arith.constant 2 : index
    %swap3A_28 = arith.constant 0 : index
    %swap3A_29 = vector.load %arg3[%swap3A_27, %swap3A_28] : memref<128x128xi32, #tpu.memory_space<vmem>>, vector<1x128xi32>
    tpu.vector_store %arg3[%swap3A_27, %swap3A_28], %concatenate3A_26 {strides = array<i32>} : memref<128x128xi32, #tpu.memory_space<vmem>>, vector<1x128xi32>,
    %slice3A_30 = vector.extract_strided_slice %bitcast_convert_type3A_13 {offsets = [6, 0], sizes = [1, 64], strides = [1, 1]} : vector<36x64xi32> to vector<1x64xi32>
    %slice3A_31 = vector.extract_strided_slice %bitcast_convert_type3A_13 {offsets = [7, 0], sizes = [1, 64], strides = [1, 1]} : vector<36x64xi32> to vector<1x64xi32>
    %concatenate3A_32 = tpu.concatenate %slice3A_30, %slice3A_31 in 1 : vector<1x64xi32>, vector<1x64xi32> -> vector<1x128xi32>
    %swap3A_33 = arith.constant 3 : index
    %swap3A_34 = arith.constant 0 : index
    %swap3A_35 = vector.load %arg3[%swap3A_33, %swap3A_34] : memref<128x128xi32, #tpu.memory_space<vmem>>, vector<1x128xi32>
    tpu.vector_store %arg3[%swap3A_33, %swap3A_34], %concatenate3A_32 {strides = array<i32>} : memref<128x128xi32, #tpu.memory_space<vmem>>, vector<1x128xi32>,
    %slice3A_36 = vector.extract_strided_slice %bitcast_convert_type3A_13 {offsets = [8, 0], sizes = [1, 64], strides = [1, 1]} : vector<36x64xi32> to vector<1x64xi32>
    %slice3A_37 = vector.extract_strided_slice %bitcast_convert_type3A_13 {offsets = [9, 0], sizes = [1, 64], strides = [1, 1]} : vector<36x64xi32> to vector<1x64xi32>
    %concatenate3A_38 = tpu.concatenate %slice3A_36, %slice3A_37 in 1 : vector<1x64xi32>, vector<1x64xi32> -> vector<1x128xi32>
    %swap3A_39 = arith.constant 4 : index
    %swap3A_40 = arith.constant 0 : index
    %swap3A_41 = vector.load %arg3[%swap3A_39, %swap3A_40] : memref<128x128xi32, #tpu.memory_space<vmem>>, vector<1x128xi32>
    tpu.vector_store %arg3[%swap3A_39, %swap3A_40], %concatenate3A_38 {strides = array<i32>} : memref<128x128xi32, #tpu.memory_space<vmem>>, vector<1x128xi32>,
    %slice3A_42 = vector.extract_strided_slice %bitcast_convert_type3A_13 {offsets = [10, 0], sizes = [1, 64], strides = [1, 1]} : vector<36x64xi32> to vector<1x64xi32>
    %slice3A_43 = vector.extract_strided_slice %bitcast_convert_type3A_13 {offsets = [11, 0], sizes = [1, 64], strides = [1, 1]} : vector<36x64xi32> to vector<1x64xi32>
    %concatenate3A_44 = tpu.concatenate %slice3A_42, %slice3A_43 in 1 : vector<1x64xi32>, vector<1x64xi32> -> vector<1x128xi32>
    %swap3A_45 = arith.constant 5 : index
    %swap3A_46 = arith.constant 0 : index
    %swap3A_47 = vector.load %arg3[%swap3A_45, %swap3A_46] : memref<128x128xi32, #tpu.memory_space<vmem>>, vector<1x128xi32>
    tpu.vector_store %arg3[%swap3A_45, %swap3A_46], %concatenate3A_44 {strides = array<i32>} : memref<128x128xi32, #tpu.memory_space<vmem>>, vector<1x128xi32>,
    %slice3A_48 = vector.extract_strided_slice %bitcast_convert_type3A_13 {offsets = [12, 0], sizes = [1, 64], strides = [1, 1]} : vector<36x64xi32> to vector<1x64xi32>
    %slice3A_49 = vector.extract_strided_slice %bitcast_convert_type3A_13 {offsets = [13, 0], sizes = [1, 64], strides = [1, 1]} : vector<36x64xi32> to vector<1x64xi32>
    %concatenate3A_50 = tpu.concatenate %slice3A_48, %slice3A_49 in 1 : vector<1x64xi32>, vector<1x64xi32> -> vector<1x128xi32>
    %swap3A_51 = arith.constant 6 : index
    %swap3A_52 = arith.constant 0 : index
    %swap3A_53 = vector.load %arg3[%swap3A_51, %swap3A_52] : memref<128x128xi32, #tpu.memory_space<vmem>>, vector<1x128xi32>
    tpu.vector_store %arg3[%swap3A_51, %swap3A_52], %concatenate3A_50 {strides = array<i32>} : memref<128x128xi32, #tpu.memory_space<vmem>>, vector<1x128xi32>,
    %slice3A_54 = vector.extract_strided_slice %bitcast_convert_type3A_13 {offsets = [14, 0], sizes = [1, 64], strides = [1, 1]} : vector<36x64xi32> to vector<1x64xi32>
    %slice3A_55 = vector.extract_strided_slice %bitcast_convert_type3A_13 {offsets = [15, 0], sizes = [1, 64], strides = [1, 1]} : vector<36x64xi32> to vector<1x64xi32>
    %concatenate3A_56 = tpu.concatenate %slice3A_54, %slice3A_55 in 1 : vector<1x64xi32>, vector<1x64xi32> -> vector<1x128xi32>
    %swap3A_57 = arith.constant 7 : index
    %swap3A_58 = arith.constant 0 : index
    %swap3A_59 = vector.load %arg3[%swap3A_57, %swap3A_58] : memref<128x128xi32, #tpu.memory_space<vmem>>, vector<1x128xi32>
    tpu.vector_store %arg3[%swap3A_57, %swap3A_58], %concatenate3A_56 {strides = array<i32>} : memref<128x128xi32, #tpu.memory_space<vmem>>, vector<1x128xi32>,
    %slice3A_60 = vector.extract_strided_slice %bitcast_convert_type3A_13 {offsets = [16, 0], sizes = [1, 64], strides = [1, 1]} : vector<36x64xi32> to vector<1x64xi32>
    %slice3A_61 = vector.extract_strided_slice %bitcast_convert_type3A_13 {offsets = [17, 0], sizes = [1, 64], strides = [1, 1]} : vector<36x64xi32> to vector<1x64xi32>
    %concatenate3A_62 = tpu.concatenate %slice3A_60, %slice3A_61 in 1 : vector<1x64xi32>, vector<1x64xi32> -> vector<1x128xi32>
    %swap3A_63 = arith.constant 8 : index
    %swap3A_64 = arith.constant 0 : index
    %swap3A_65 = vector.load %arg3[%swap3A_63, %swap3A_64] : memref<128x128xi32, #tpu.memory_space<vmem>>, vector<1x128xi32>
    tpu.vector_store %arg3[%swap3A_63, %swap3A_64], %concatenate3A_62 {strides = array<i32>} : memref<128x128xi32, #tpu.memory_space<vmem>>, vector<1x128xi32>,
    %slice3A_66 = vector.extract_strided_slice %bitcast_convert_type3A_13 {offsets = [18, 0], sizes = [1, 64], strides = [1, 1]} : vector<36x64xi32> to vector<1x64xi32>
    %slice3A_67 = vector.extract_strided_slice %bitcast_convert_type3A_13 {offsets = [19, 0], sizes = [1, 64], strides = [1, 1]} : vector<36x64xi32> to vector<1x64xi32>
    %concatenate3A_68 = tpu.concatenate %slice3A_66, %slice3A_67 in 1 : vector<1x64xi32>, vector<1x64xi32> -> vector<1x128xi32>
    %swap3A_69 = arith.constant 9 : index
    %swap3A_70 = arith.constant 0 : index
    %swap3A_71 = vector.load %arg3[%swap3A_69, %swap3A_70] : memref<128x128xi32, #tpu.memory_space<vmem>>, vector<1x128xi32>
    tpu.vector_store %arg3[%swap3A_69, %swap3A_70], %concatenate3A_68 {strides = array<i32>} : memref<128x128xi32, #tpu.memory_space<vmem>>, vector<1x128xi32>,
    %slice3A_72 = vector.extract_strided_slice %bitcast_convert_type3A_13 {offsets = [20, 0], sizes = [1, 64], strides = [1, 1]} : vector<36x64xi32> to vector<1x64xi32>
    %slice3A_73 = vector.extract_strided_slice %bitcast_convert_type3A_13 {offsets = [21, 0], sizes = [1, 64], strides = [1, 1]} : vector<36x64xi32> to vector<1x64xi32>
    %concatenate3A_74 = tpu.concatenate %slice3A_72, %slice3A_73 in 1 : vector<1x64xi32>, vector<1x64xi32> -> vector<1x128xi32>
    %swap3A_75 = arith.constant 10 : index
    %swap3A_76 = arith.constant 0 : index
    %swap3A_77 = vector.load %arg3[%swap3A_75, %swap3A_76] : memref<128x128xi32, #tpu.memory_space<vmem>>, vector<1x128xi32>
    tpu.vector_store %arg3[%swap3A_75, %swap3A_76], %concatenate3A_74 {strides = array<i32>} : memref<128x128xi32, #tpu.memory_space<vmem>>, vector<1x128xi32>,
    %slice3A_78 = vector.extract_strided_slice %bitcast_convert_type3A_13 {offsets = [22, 0], sizes = [1, 64], strides = [1, 1]} : vector<36x64xi32> to vector<1x64xi32>
    %slice3A_79 = vector.extract_strided_slice %bitcast_convert_type3A_13 {offsets = [23, 0], sizes = [1, 64], strides = [1, 1]} : vector<36x64xi32> to vector<1x64xi32>
    %concatenate3A_80 = tpu.concatenate %slice3A_78, %slice3A_79 in 1 : vector<1x64xi32>, vector<1x64xi32> -> vector<1x128xi32>
    %swap3A_81 = arith.constant 11 : index
    %swap3A_82 = arith.constant 0 : index
    %swap3A_83 = vector.load %arg3[%swap3A_81, %swap3A_82] : memref<128x128xi32, #tpu.memory_space<vmem>>, vector<1x128xi32>
    tpu.vector_store %arg3[%swap3A_81, %swap3A_82], %concatenate3A_80 {strides = array<i32>} : memref<128x128xi32, #tpu.memory_space<vmem>>, vector<1x128xi32>,
    %slice3A_84 = vector.extract_strided_slice %bitcast_convert_type3A_13 {offsets = [24, 0], sizes = [1, 64], strides = [1, 1]} : vector<36x64xi32> to vector<1x64xi32>
    %slice3A_85 = vector.extract_strided_slice %bitcast_convert_type3A_13 {offsets = [25, 0], sizes = [1, 64], strides = [1, 1]} : vector<36x64xi32> to vector<1x64xi32>
    %concatenate3A_86 = tpu.concatenate %slice3A_84, %slice3A_85 in 1 : vector<1x64xi32>, vector<1x64xi32> -> vector<1x128xi32>
    %swap3A_87 = arith.constant 12 : index
    %swap3A_88 = arith.constant 0 : index
    %swap3A_89 = vector.load %arg3[%swap3A_87, %swap3A_88] : memref<128x128xi32, #tpu.memory_space<vmem>>, vector<1x128xi32>
    tpu.vector_store %arg3[%swap3A_87, %swap3A_88], %concatenate3A_86 {strides = array<i32>} : memref<128x128xi32, #tpu.memory_space<vmem>>, vector<1x128xi32>,
    %slice3A_90 = vector.extract_strided_slice %bitcast_convert_type3A_13 {offsets = [26, 0], sizes = [1, 64], strides = [1, 1]} : vector<36x64xi32> to vector<1x64xi32>
    %slice3A_91 = vector.extract_strided_slice %bitcast_convert_type3A_13 {offsets = [27, 0], sizes = [1, 64], strides = [1, 1]} : vector<36x64xi32> to vector<1x64xi32>
    %concatenate3A_92 = tpu.concatenate %slice3A_90, %slice3A_91 in 1 : vector<1x64xi32>, vector<1x64xi32> -> vector<1x128xi32>
    %swap3A_93 = arith.constant 13 : index
    %swap3A_94 = arith.constant 0 : index
    %swap3A_95 = vector.load %arg3[%swap3A_93, %swap3A_94] : memref<128x128xi32, #tpu.memory_space<vmem>>, vector<1x128xi32>
    tpu.vector_store %arg3[%swap3A_93, %swap3A_94], %concatenate3A_92 {strides = array<i32>} : memref<128x128xi32, #tpu.memory_space<vmem>>, vector<1x128xi32>,
    %slice3A_96 = vector.extract_strided_slice %bitcast_convert_type3A_13 {offsets = [28, 0], sizes = [1, 64], strides = [1, 1]} : vector<36x64xi32> to vector<1x64xi32>
    %slice3A_97 = vector.extract_strided_slice %bitcast_convert_type3A_13 {offsets = [29, 0], sizes = [1, 64], strides = [1, 1]} : vector<36x64xi32> to vector<1x64xi32>
    %concatenate3A_98 = tpu.concatenate %slice3A_96, %slice3A_97 in 1 : vector<1x64xi32>, vector<1x64xi32> -> vector<1x128xi32>
    %swap3A_99 = arith.constant 14 : index
    %swap3A_100 = arith.constant 0 : index
    %swap3A_101 = vector.load %arg3[%swap3A_99, %swap3A_100] : memref<128x128xi32, #tpu.memory_space<vmem>>, vector<1x128xi32>
    tpu.vector_store %arg3[%swap3A_99, %swap3A_100], %concatenate3A_98 {strides = array<i32>} : memref<128x128xi32, #tpu.memory_space<vmem>>, vector<1x128xi32>,
    %slice3A_102 = vector.extract_strided_slice %bitcast_convert_type3A_13 {offsets = [30, 0], sizes = [1, 64], strides = [1, 1]} : vector<36x64xi32> to vector<1x64xi32>
    %slice3A_103 = vector.extract_strided_slice %bitcast_convert_type3A_13 {offsets = [31, 0], sizes = [1, 64], strides = [1, 1]} : vector<36x64xi32> to vector<1x64xi32>
    %concatenate3A_104 = tpu.concatenate %slice3A_102, %slice3A_103 in 1 : vector<1x64xi32>, vector<1x64xi32> -> vector<1x128xi32>
    %swap3A_105 = arith.constant 15 : index
    %swap3A_106 = arith.constant 0 : index
    %swap3A_107 = vector.load %arg3[%swap3A_105, %swap3A_106] : memref<128x128xi32, #tpu.memory_space<vmem>>, vector<1x128xi32>
    tpu.vector_store %arg3[%swap3A_105, %swap3A_106], %concatenate3A_104 {strides = array<i32>} : memref<128x128xi32, #tpu.memory_space<vmem>>, vector<1x128xi32>,
    %slice3A_108 = vector.extract_strided_slice %bitcast_convert_type3A_13 {offsets = [32, 0], sizes = [1, 64], strides = [1, 1]} : vector<36x64xi32> to vector<1x64xi32>
    %slice3A_109 = vector.extract_strided_slice %bitcast_convert_type3A_13 {offsets = [33, 0], sizes = [1, 64], strides = [1, 1]} : vector<36x64xi32> to vector<1x64xi32>
    %concatenate3A_110 = tpu.concatenate %slice3A_108, %slice3A_109 in 1 : vector<1x64xi32>, vector<1x64xi32> -> vector<1x128xi32>
    %swap3A_111 = arith.constant 16 : index
    %swap3A_112 = arith.constant 0 : index
    %swap3A_113 = vector.load %arg3[%swap3A_111, %swap3A_112] : memref<128x128xi32, #tpu.memory_space<vmem>>, vector<1x128xi32>
    tpu.vector_store %arg3[%swap3A_111, %swap3A_112], %concatenate3A_110 {strides = array<i32>} : memref<128x128xi32, #tpu.memory_space<vmem>>, vector<1x128xi32>,
    %slice3A_114 = vector.extract_strided_slice %bitcast_convert_type3A_13 {offsets = [34, 0], sizes = [1, 64], strides = [1, 1]} : vector<36x64xi32> to vector<1x64xi32>
    %slice3A_115 = vector.extract_strided_slice %bitcast_convert_type3A_13 {offsets = [35, 0], sizes = [1, 64], strides = [1, 1]} : vector<36x64xi32> to vector<1x64xi32>
    %concatenate3A_116 = tpu.concatenate %slice3A_114, %slice3A_115 in 1 : vector<1x64xi32>, vector<1x64xi32> -> vector<1x128xi32>
    %swap3A_117 = arith.constant 17 : index
    %swap3A_118 = arith.constant 0 : index
    %swap3A_119 = vector.load %arg3[%swap3A_117, %swap3A_118] : memref<128x128xi32, #tpu.memory_space<vmem>>, vector<1x128xi32>
    tpu.vector_store %arg3[%swap3A_117, %swap3A_118], %concatenate3A_116 {strides = array<i32>} : memref<128x128xi32, #tpu.memory_space<vmem>>, vector<1x128xi32>,
    %get3A_120 = arith.constant 32 : index
    %get3A_121 = arith.constant 0 : index
    %get3A_122 = vector.load %arg1[%get3A_120, %get3A_121] : memref<224x128xf32, #tpu.memory_space<vmem>>, vector<32x128xf32>
    %dot_general3A_123 = arith.constant dense<0.000000e+00> : vector<36x128xf32>
    %dot_general3A_124 = tpu.matmul %get3A_1, %get3A_122, %dot_general3A_123 {dimension_numbers = #tpu.dot_dimension_numbers<[1], [0], [0], [1], [0, 0, 1, 1], [], []>, transpose_lhs_hint = false} : vector<36x32xf32>, vector<32x128xf32>, vector<36x128xf32> -> vector<36x128xf32>
    %slice3A_125 = vector.extract_strided_slice %dot_general3A_124 {offsets = [0, 0], sizes = [36, 64], strides = [1, 1]} : vector<36x128xf32> to vector<36x64xf32>
    %convert_element_type3A_126 = arith.truncf %slice3A_125 : vector<36x64xf32> to vector<36x64xbf16>
    %bitcast_convert_type3A_127 = tpu.bitcast %convert_element_type3A_126 : vector<36x64xbf16> -> vector<36x64xi16>
    %convert_element_type3A_128 = arith.extui %bitcast_convert_type3A_127 : vector<36x64xi16> to vector<36x64xi32>
    %slice3A_129 = vector.extract_strided_slice %dot_general3A_124 {offsets = [0, 64], sizes = [36, 64], strides = [1, 1]} : vector<36x128xf32> to vector<36x64xf32>
    %convert_element_type3A_130 = arith.truncf %slice3A_129 : vector<36x64xf32> to vector<36x64xbf16>
    %bitcast_convert_type3A_131 = tpu.bitcast %convert_element_type3A_130 : vector<36x64xbf16> -> vector<36x64xi16>
    %convert_element_type3A_132 = arith.extui %bitcast_convert_type3A_131 : vector<36x64xi16> to vector<36x64xi32>
    %shift_left3A_133 = arith.constant 16 : i32
    %shift_left3A_134 = vector.broadcast %shift_left3A_133 : i32 to vector<36x64xi32>
    %shift_left3A_135 = arith.shli %convert_element_type3A_132, %shift_left3A_134 : vector<36x64xi32>
    %or3A_136 = arith.ori %convert_element_type3A_128, %shift_left3A_135 : vector<36x64xi32>
    %bitcast_convert_type3A_137 = tpu.bitcast %or3A_136 : vector<36x64xi32> -> vector<36x64xi32>
    %slice3A_138 = vector.extract_strided_slice %bitcast_convert_type3A_137 {offsets = [0, 0], sizes = [1, 64], strides = [1, 1]} : vector<36x64xi32> to vector<1x64xi32>
    %slice3A_139 = vector.extract_strided_slice %bitcast_convert_type3A_137 {offsets = [1, 0], sizes = [1, 64], strides = [1, 1]} : vector<36x64xi32> to vector<1x64xi32>
    %concatenate3A_140 = tpu.concatenate %slice3A_138, %slice3A_139 in 1 : vector<1x64xi32>, vector<1x64xi32> -> vector<1x128xi32>
    %swap3A_141 = arith.constant 18 : index
    %swap3A_142 = arith.constant 0 : index
    %swap3A_143 = vector.load %arg3[%swap3A_141, %swap3A_142] : memref<128x128xi32, #tpu.memory_space<vmem>>, vector<1x128xi32>
    tpu.vector_store %arg3[%swap3A_141, %swap3A_142], %concatenate3A_140 {strides = array<i32>} : memref<128x128xi32, #tpu.memory_space<vmem>>, vector<1x128xi32>,
    %slice3A_144 = vector.extract_strided_slice %bitcast_convert_type3A_137 {offsets = [2, 0], sizes = [1, 64], strides = [1, 1]} : vector<36x64xi32> to vector<1x64xi32>
    %slice3A_145 = vector.extract_strided_slice %bitcast_convert_type3A_137 {offsets = [3, 0], sizes = [1, 64], strides = [1, 1]} : vector<36x64xi32> to vector<1x64xi32>
    %concatenate3A_146 = tpu.concatenate %slice3A_144, %slice3A_145 in 1 : vector<1x64xi32>, vector<1x64xi32> -> vector<1x128xi32>
    %swap3A_147 = arith.constant 19 : index
    %swap3A_148 = arith.constant 0 : index
    %swap3A_149 = vector.load %arg3[%swap3A_147, %swap3A_148] : memref<128x128xi32, #tpu.memory_space<vmem>>, vector<1x128xi32>
    tpu.vector_store %arg3[%swap3A_147, %swap3A_148], %concatenate3A_146 {strides = array<i32>} : memref<128x128xi32, #tpu.memory_space<vmem>>, vector<1x128xi32>,
    %slice3A_150 = vector.extract_strided_slice %bitcast_convert_type3A_137 {offsets = [4, 0], sizes = [1, 64], strides = [1, 1]} : vector<36x64xi32> to vector<1x64xi32>
    %slice3A_151 = vector.extract_strided_slice %bitcast_convert_type3A_137 {offsets = [5, 0], sizes = [1, 64], strides = [1, 1]} : vector<36x64xi32> to vector<1x64xi32>
    %concatenate3A_152 = tpu.concatenate %slice3A_150, %slice3A_151 in 1 : vector<1x64xi32>, vector<1x64xi32> -> vector<1x128xi32>
    %swap3A_153 = arith.constant 20 : index
    %swap3A_154 = arith.constant 0 : index
    %swap3A_155 = vector.load %arg3[%swap3A_153, %swap3A_154] : memref<128x128xi32, #tpu.memory_space<vmem>>, vector<1x128xi32>
    tpu.vector_store %arg3[%swap3A_153, %swap3A_154], %concatenate3A_152 {strides = array<i32>} : memref<128x128xi32, #tpu.memory_space<vmem>>, vector<1x128xi32>,
    %slice3A_156 = vector.extract_strided_slice %bitcast_convert_type3A_137 {offsets = [6, 0], sizes = [1, 64], strides = [1, 1]} : vector<36x64xi32> to vector<1x64xi32>
    %slice3A_157 = vector.extract_strided_slice %bitcast_convert_type3A_137 {offsets = [7, 0], sizes = [1, 64], strides = [1, 1]} : vector<36x64xi32> to vector<1x64xi32>
    %concatenate3A_158 = tpu.concatenate %slice3A_156, %slice3A_157 in 1 : vector<1x64xi32>, vector<1x64xi32> -> vector<1x128xi32>
    %swap3A_159 = arith.constant 21 : index
    %swap3A_160 = arith.constant 0 : index
    %swap3A_161 = vector.load %arg3[%swap3A_159, %swap3A_160] : memref<128x128xi32, #tpu.memory_space<vmem>>, vector<1x128xi32>
    tpu.vector_store %arg3[%swap3A_159, %swap3A_160], %concatenate3A_158 {strides = array<i32>} : memref<128x128xi32, #tpu.memory_space<vmem>>, vector<1x128xi32>,
    %slice3A_162 = vector.extract_strided_slice %bitcast_convert_type3A_137 {offsets = [8, 0], sizes = [1, 64], strides = [1, 1]} : vector<36x64xi32> to vector<1x64xi32>
    %slice3A_163 = vector.extract_strided_slice %bitcast_convert_type3A_137 {offsets = [9, 0], sizes = [1, 64], strides = [1, 1]} : vector<36x64xi32> to vector<1x64xi32>
    %concatenate3A_164 = tpu.concatenate %slice3A_162, %slice3A_163 in 1 : vector<1x64xi32>, vector<1x64xi32> -> vector<1x128xi32>
    %swap3A_165 = arith.constant 22 : index
    %swap3A_166 = arith.constant 0 : index
    %swap3A_167 = vector.load %arg3[%swap3A_165, %swap3A_166] : memref<128x128xi32, #tpu.memory_space<vmem>>, vector<1x128xi32>
    tpu.vector_store %arg3[%swap3A_165, %swap3A_166], %concatenate3A_164 {strides = array<i32>} : memref<128x128xi32, #tpu.memory_space<vmem>>, vector<1x128xi32>,
    %slice3A_168 = vector.extract_strided_slice %bitcast_convert_type3A_137 {offsets = [10, 0], sizes = [1, 64], strides = [1, 1]} : vector<36x64xi32> to vector<1x64xi32>
    %slice3A_169 = vector.extract_strided_slice %bitcast_convert_type3A_137 {offsets = [11, 0], sizes = [1, 64], strides = [1, 1]} : vector<36x64xi32> to vector<1x64xi32>
    %concatenate3A_170 = tpu.concatenate %slice3A_168, %slice3A_169 in 1 : vector<1x64xi32>, vector<1x64xi32> -> vector<1x128xi32>
    %swap3A_171 = arith.constant 23 : index
    %swap3A_172 = arith.constant 0 : index
    %swap3A_173 = vector.load %arg3[%swap3A_171, %swap3A_172] : memref<128x128xi32, #tpu.memory_space<vmem>>, vector<1x128xi32>
    tpu.vector_store %arg3[%swap3A_171, %swap3A_172], %concatenate3A_170 {strides = array<i32>} : memref<128x128xi32, #tpu.memory_space<vmem>>, vector<1x128xi32>,
    %slice3A_174 = vector.extract_strided_slice %bitcast_convert_type3A_137 {offsets = [12, 0], sizes = [1, 64], strides = [1, 1]} : vector<36x64xi32> to vector<1x64xi32>
    %slice3A_175 = vector.extract_strided_slice %bitcast_convert_type3A_137 {offsets = [13, 0], sizes = [1, 64], strides = [1, 1]} : vector<36x64xi32> to vector<1x64xi32>
    %concatenate3A_176 = tpu.concatenate %slice3A_174, %slice3A_175 in 1 : vector<1x64xi32>, vector<1x64xi32> -> vector<1x128xi32>
    %swap3A_177 = arith.constant 24 : index
    %swap3A_178 = arith.constant 0 : index
    %swap3A_179 = vector.load %arg3[%swap3A_177, %swap3A_178] : memref<128x128xi32, #tpu.memory_space<vmem>>, vector<1x128xi32>
    tpu.vector_store %arg3[%swap3A_177, %swap3A_178], %concatenate3A_176 {strides = array<i32>} : memref<128x128xi32, #tpu.memory_space<vmem>>, vector<1x128xi32>,
    %slice3A_180 = vector.extract_strided_slice %bitcast_convert_type3A_137 {offsets = [14, 0], sizes = [1, 64], strides = [1, 1]} : vector<36x64xi32> to vector<1x64xi32>
    %slice3A_181 = vector.extract_strided_slice %bitcast_convert_type3A_137 {offsets = [15, 0], sizes = [1, 64], strides = [1, 1]} : vector<36x64xi32> to vector<1x64xi32>
    %concatenate3A_182 = tpu.concatenate %slice3A_180, %slice3A_181 in 1 : vector<1x64xi32>, vector<1x64xi32> -> vector<1x128xi32>
    %swap3A_183 = arith.constant 25 : index
    %swap3A_184 = arith.constant 0 : index
    %swap3A_185 = vector.load %arg3[%swap3A_183, %swap3A_184] : memref<128x128xi32, #tpu.memory_space<vmem>>, vector<1x128xi32>
    tpu.vector_store %arg3[%swap3A_183, %swap3A_184], %concatenate3A_182 {strides = array<i32>} : memref<128x128xi32, #tpu.memory_space<vmem>>, vector<1x128xi32>,
    %slice3A_186 = vector.extract_strided_slice %bitcast_convert_type3A_137 {offsets = [16, 0], sizes = [1, 64], strides = [1, 1]} : vector<36x64xi32> to vector<1x64xi32>
    %slice3A_187 = vector.extract_strided_slice %bitcast_convert_type3A_137 {offsets = [17, 0], sizes = [1, 64], strides = [1, 1]} : vector<36x64xi32> to vector<1x64xi32>
    %concatenate3A_188 = tpu.concatenate %slice3A_186, %slice3A_187 in 1 : vector<1x64xi32>, vector<1x64xi32> -> vector<1x128xi32>
    %swap3A_189 = arith.constant 26 : index
    %swap3A_190 = arith.constant 0 : index
    %swap3A_191 = vector.load %arg3[%swap3A_189, %swap3A_190] : memref<128x128xi32, #tpu.memory_space<vmem>>, vector<1x128xi32>
    tpu.vector_store %arg3[%swap3A_189, %swap3A_190], %concatenate3A_188 {strides = array<i32>} : memref<128x128xi32, #tpu.memory_space<vmem>>, vector<1x128xi32>,
    %slice3A_192 = vector.extract_strided_slice %bitcast_convert_type3A_137 {offsets = [18, 0], sizes = [1, 64], strides = [1, 1]} : vector<36x64xi32> to vector<1x64xi32>
    %slice3A_193 = vector.extract_strided_slice %bitcast_convert_type3A_137 {offsets = [19, 0], sizes = [1, 64], strides = [1, 1]} : vector<36x64xi32> to vector<1x64xi32>
    %concatenate3A_194 = tpu.concatenate %slice3A_192, %slice3A_193 in 1 : vector<1x64xi32>, vector<1x64xi32> -> vector<1x128xi32>
    %swap3A_195 = arith.constant 27 : index
    %swap3A_196 = arith.constant 0 : index
    %swap3A_197 = vector.load %arg3[%swap3A_195, %swap3A_196] : memref<128x128xi32, #tpu.memory_space<vmem>>, vector<1x128xi32>
    tpu.vector_store %arg3[%swap3A_195, %swap3A_196], %concatenate3A_194 {strides = array<i32>} : memref<128x128xi32, #tpu.memory_space<vmem>>, vector<1x128xi32>,
    %slice3A_198 = vector.extract_strided_slice %bitcast_convert_type3A_137 {offsets = [20, 0], sizes = [1, 64], strides = [1, 1]} : vector<36x64xi32> to vector<1x64xi32>
    %slice3A_199 = vector.extract_strided_slice %bitcast_convert_type3A_137 {offsets = [21, 0], sizes = [1, 64], strides = [1, 1]} : vector<36x64xi32> to vector<1x64xi32>
    %concatenate3A_200 = tpu.concatenate %slice3A_198, %slice3A_199 in 1 : vector<1x64xi32>, vector<1x64xi32> -> vector<1x128xi32>
    %swap3A_201 = arith.constant 28 : index
    %swap3A_202 = arith.constant 0 : index
    %swap3A_203 = vector.load %arg3[%swap3A_201, %swap3A_202] : memref<128x128xi32, #tpu.memory_space<vmem>>, vector<1x128xi32>
    tpu.vector_store %arg3[%swap3A_201, %swap3A_202], %concatenate3A_200 {strides = array<i32>} : memref<128x128xi32, #tpu.memory_space<vmem>>, vector<1x128xi32>,
    %slice3A_204 = vector.extract_strided_slice %bitcast_convert_type3A_137 {offsets = [22, 0], sizes = [1, 64], strides = [1, 1]} : vector<36x64xi32> to vector<1x64xi32>
    %slice3A_205 = vector.extract_strided_slice %bitcast_convert_type3A_137 {offsets = [23, 0], sizes = [1, 64], strides = [1, 1]} : vector<36x64xi32> to vector<1x64xi32>
    %concatenate3A_206 = tpu.concatenate %slice3A_204, %slice3A_205 in 1 : vector<1x64xi32>, vector<1x64xi32> -> vector<1x128xi32>
    %swap3A_207 = arith.constant 29 : index
    %swap3A_208 = arith.constant 0 : index
    %swap3A_209 = vector.load %arg3[%swap3A_207, %swap3A_208] : memref<128x128xi32, #tpu.memory_space<vmem>>, vector<1x128xi32>
    tpu.vector_store %arg3[%swap3A_207, %swap3A_208], %concatenate3A_206 {strides = array<i32>} : memref<128x128xi32, #tpu.memory_space<vmem>>, vector<1x128xi32>,
    %slice3A_210 = vector.extract_strided_slice %bitcast_convert_type3A_137 {offsets = [24, 0], sizes = [1, 64], strides = [1, 1]} : vector<36x64xi32> to vector<1x64xi32>
    %slice3A_211 = vector.extract_strided_slice %bitcast_convert_type3A_137 {offsets = [25, 0], sizes = [1, 64], strides = [1, 1]} : vector<36x64xi32> to vector<1x64xi32>
    %concatenate3A_212 = tpu.concatenate %slice3A_210, %slice3A_211 in 1 : vector<1x64xi32>, vector<1x64xi32> -> vector<1x128xi32>
    %swap3A_213 = arith.constant 30 : index
    %swap3A_214 = arith.constant 0 : index
    %swap3A_215 = vector.load %arg3[%swap3A_213, %swap3A_214] : memref<128x128xi32, #tpu.memory_space<vmem>>, vector<1x128xi32>
    tpu.vector_store %arg3[%swap3A_213, %swap3A_214], %concatenate3A_212 {strides = array<i32>} : memref<128x128xi32, #tpu.memory_space<vmem>>, vector<1x128xi32>,
    %slice3A_216 = vector.extract_strided_slice %bitcast_convert_type3A_137 {offsets = [26, 0], sizes = [1, 64], strides = [1, 1]} : vector<36x64xi32> to vector<1x64xi32>
    %slice3A_217 = vector.extract_strided_slice %bitcast_convert_type3A_137 {offsets = [27, 0], sizes = [1, 64], strides = [1, 1]} : vector<36x64xi32> to vector<1x64xi32>
    %concatenate3A_218 = tpu.concatenate %slice3A_216, %slice3A_217 in 1 : vector<1x64xi32>, vector<1x64xi32> -> vector<1x128xi32>
    %swap3A_219 = arith.constant 31 : index
    %swap3A_220 = arith.constant 0 : index
    %swap3A_221 = vector.load %arg3[%swap3A_219, %swap3A_220] : memref<128x128xi32, #tpu.memory_space<vmem>>, vector<1x128xi32>
    tpu.vector_store %arg3[%swap3A_219, %swap3A_220], %concatenate3A_218 {strides = array<i32>} : memref<128x128xi32, #tpu.memory_space<vmem>>, vector<1x128xi32>,
    %slice3A_222 = vector.extract_strided_slice %bitcast_convert_type3A_137 {offsets = [28, 0], sizes = [1, 64], strides = [1, 1]} : vector<36x64xi32> to vector<1x64xi32>
    %slice3A_223 = vector.extract_strided_slice %bitcast_convert_type3A_137 {offsets = [29, 0], sizes = [1, 64], strides = [1, 1]} : vector<36x64xi32> to vector<1x64xi32>
    %concatenate3A_224 = tpu.concatenate %slice3A_222, %slice3A_223 in 1 : vector<1x64xi32>, vector<1x64xi32> -> vector<1x128xi32>
    %swap3A_225 = arith.constant 32 : index
    %swap3A_226 = arith.constant 0 : index
    %swap3A_227 = vector.load %arg3[%swap3A_225, %swap3A_226] : memref<128x128xi32, #tpu.memory_space<vmem>>, vector<1x128xi32>
    tpu.vector_store %arg3[%swap3A_225, %swap3A_226], %concatenate3A_224 {strides = array<i32>} : memref<128x128xi32, #tpu.memory_space<vmem>>, vector<1x128xi32>,
    %slice3A_228 = vector.extract_strided_slice %bitcast_convert_type3A_137 {offsets = [30, 0], sizes = [1, 64], strides = [1, 1]} : vector<36x64xi32> to vector<1x64xi32>
    %slice3A_229 = vector.extract_strided_slice %bitcast_convert_type3A_137 {offsets = [31, 0], sizes = [1, 64], strides = [1, 1]} : vector<36x64xi32> to vector<1x64xi32>
    %concatenate3A_230 = tpu.concatenate %slice3A_228, %slice3A_229 in 1 : vector<1x64xi32>, vector<1x64xi32> -> vector<1x128xi32>
    %swap3A_231 = arith.constant 33 : index
    %swap3A_232 = arith.constant 0 : index
    %swap3A_233 = vector.load %arg3[%swap3A_231, %swap3A_232] : memref<128x128xi32, #tpu.memory_space<vmem>>, vector<1x128xi32>
    tpu.vector_store %arg3[%swap3A_231, %swap3A_232], %concatenate3A_230 {strides = array<i32>} : memref<128x128xi32, #tpu.memory_space<vmem>>, vector<1x128xi32>,
    %slice3A_234 = vector.extract_strided_slice %bitcast_convert_type3A_137 {offsets = [32, 0], sizes = [1, 64], strides = [1, 1]} : vector<36x64xi32> to vector<1x64xi32>
    %slice3A_235 = vector.extract_strided_slice %bitcast_convert_type3A_137 {offsets = [33, 0], sizes = [1, 64], strides = [1, 1]} : vector<36x64xi32> to vector<1x64xi32>
    %concatenate3A_236 = tpu.concatenate %slice3A_234, %slice3A_235 in 1 : vector<1x64xi32>, vector<1x64xi32> -> vector<1x128xi32>
    %swap3A_237 = arith.constant 34 : index
    %swap3A_238 = arith.constant 0 : index
    %swap3A_239 = vector.load %arg3[%swap3A_237, %swap3A_238] : memref<128x128xi32, #tpu.memory_space<vmem>>, vector<1x128xi32>
    tpu.vector_store %arg3[%swap3A_237, %swap3A_238], %concatenate3A_236 {strides = array<i32>} : memref<128x128xi32, #tpu.memory_space<vmem>>, vector<1x128xi32>,
    %slice3A_240 = vector.extract_strided_slice %bitcast_convert_type3A_137 {offsets = [34, 0], sizes = [1, 64], strides = [1, 1]} : vector<36x64xi32> to vector<1x64xi32>
    %slice3A_241 = vector.extract_strided_slice %bitcast_convert_type3A_137 {offsets = [35, 0], sizes = [1, 64], strides = [1, 1]} : vector<36x64xi32> to vector<1x64xi32>
    %concatenate3A_242 = tpu.concatenate %slice3A_240, %slice3A_241 in 1 : vector<1x64xi32>, vector<1x64xi32> -> vector<1x128xi32>
    %swap3A_243 = arith.constant 35 : index
    %swap3A_244 = arith.constant 0 : index
    %swap3A_245 = vector.load %arg3[%swap3A_243, %swap3A_244] : memref<128x128xi32, #tpu.memory_space<vmem>>, vector<1x128xi32>
    tpu.vector_store %arg3[%swap3A_243, %swap3A_244], %concatenate3A_242 {strides = array<i32>} : memref<128x128xi32, #tpu.memory_space<vmem>>, vector<1x128xi32>,
    %get3A_246 = arith.constant 64 : index
    %get3A_247 = arith.constant 0 : index
    %get3A_248 = vector.load %arg1[%get3A_246, %get3A_247] : memref<224x128xf32, #tpu.memory_space<vmem>>, vector<32x128xf32>
    %dot_general3A_249 = arith.constant dense<0.000000e+00> : vector<36x128xf32>
    %dot_general3A_250 = tpu.matmul %get3A_1, %get3A_248, %dot_general3A_249 {dimension_numbers = #tpu.dot_dimension_numbers<[1], [0], [0], [1], [0, 0, 1, 1], [], []>, transpose_lhs_hint = false} : vector<36x32xf32>, vector<32x128xf32>, vector<36x128xf32> -> vector<36x128xf32>
    %slice3A_251 = vector.extract_strided_slice %dot_general3A_250 {offsets = [0, 0], sizes = [36, 64], strides = [1, 1]} : vector<36x128xf32> to vector<36x64xf32>
    %convert_element_type3A_252 = arith.truncf %slice3A_251 : vector<36x64xf32> to vector<36x64xbf16>
    %bitcast_convert_type3A_253 = tpu.bitcast %convert_element_type3A_252 : vector<36x64xbf16> -> vector<36x64xi16>
    %convert_element_type3A_254 = arith.extui %bitcast_convert_type3A_253 : vector<36x64xi16> to vector<36x64xi32>
    %slice3A_255 = vector.extract_strided_slice %dot_general3A_250 {offsets = [0, 64], sizes = [36, 64], strides = [1, 1]} : vector<36x128xf32> to vector<36x64xf32>
    %convert_element_type3A_256 = arith.truncf %slice3A_255 : vector<36x64xf32> to vector<36x64xbf16>
    %bitcast_convert_type3A_257 = tpu.bitcast %convert_element_type3A_256 : vector<36x64xbf16> -> vector<36x64xi16>
    %convert_element_type3A_258 = arith.extui %bitcast_convert_type3A_257 : vector<36x64xi16> to vector<36x64xi32>
    %shift_left3A_259 = arith.constant 16 : i32
    %shift_left3A_260 = vector.broadcast %shift_left3A_259 : i32 to vector<36x64xi32>
    %shift_left3A_261 = arith.shli %convert_element_type3A_258, %shift_left3A_260 : vector<36x64xi32>
    %or3A_262 = arith.ori %convert_element_type3A_254, %shift_left3A_261 : vector<36x64xi32>
    %bitcast_convert_type3A_263 = tpu.bitcast %or3A_262 : vector<36x64xi32> -> vector<36x64xi32>
    %slice3A_264 = vector.extract_strided_slice %bitcast_convert_type3A_263 {offsets = [0, 0], sizes = [1, 64], strides = [1, 1]} : vector<36x64xi32> to vector<1x64xi32>
    %slice3A_265 = vector.extract_strided_slice %bitcast_convert_type3A_263 {offsets = [1, 0], sizes = [1, 64], strides = [1, 1]} : vector<36x64xi32> to vector<1x64xi32>
    %concatenate3A_266 = tpu.concatenate %slice3A_264, %slice3A_265 in 1 : vector<1x64xi32>, vector<1x64xi32> -> vector<1x128xi32>
    %swap3A_267 = arith.constant 36 : index
    %swap3A_268 = arith.constant 0 : index
    %swap3A_269 = vector.load %arg3[%swap3A_267, %swap3A_268] : memref<128x128xi32, #tpu.memory_space<vmem>>, vector<1x128xi32>
    tpu.vector_store %arg3[%swap3A_267, %swap3A_268], %concatenate3A_266 {strides = array<i32>} : memref<128x128xi32, #tpu.memory_space<vmem>>, vector<1x128xi32>,
    %slice3A_270 = vector.extract_strided_slice %bitcast_convert_type3A_263 {offsets = [2, 0], sizes = [1, 64], strides = [1, 1]} : vector<36x64xi32> to vector<1x64xi32>
    %slice3A_271 = vector.extract_strided_slice %bitcast_convert_type3A_263 {offsets = [3, 0], sizes = [1, 64], strides = [1, 1]} : vector<36x64xi32> to vector<1x64xi32>
    %concatenate3A_272 = tpu.concatenate %slice3A_270, %slice3A_271 in 1 : vector<1x64xi32>, vector<1x64xi32> -> vector<1x128xi32>
    %swap3A_273 = arith.constant 37 : index
    %swap3A_274 = arith.constant 0 : index
    %swap3A_275 = vector.load %arg3[%swap3A_273, %swap3A_274] : memref<128x128xi32, #tpu.memory_space<vmem>>, vector<1x128xi32>
    tpu.vector_store %arg3[%swap3A_273, %swap3A_274], %concatenate3A_272 {strides = array<i32>} : memref<128x128xi32, #tpu.memory_space<vmem>>, vector<1x128xi32>,
    %slice3A_276 = vector.extract_strided_slice %bitcast_convert_type3A_263 {offsets = [4, 0], sizes = [1, 64], strides = [1, 1]} : vector<36x64xi32> to vector<1x64xi32>
    %slice3A_277 = vector.extract_strided_slice %bitcast_convert_type3A_263 {offsets = [5, 0], sizes = [1, 64], strides = [1, 1]} : vector<36x64xi32> to vector<1x64xi32>
    %concatenate3A_278 = tpu.concatenate %slice3A_276, %slice3A_277 in 1 : vector<1x64xi32>, vector<1x64xi32> -> vector<1x128xi32>
    %swap3A_279 = arith.constant 38 : index
    %swap3A_280 = arith.constant 0 : index
    %swap3A_281 = vector.load %arg3[%swap3A_279, %swap3A_280] : memref<128x128xi32, #tpu.memory_space<vmem>>, vector<1x128xi32>
    tpu.vector_store %arg3[%swap3A_279, %swap3A_280], %concatenate3A_278 {strides = array<i32>} : memref<128x128xi32, #tpu.memory_space<vmem>>, vector<1x128xi32>,
    %slice3A_282 = vector.extract_strided_slice %bitcast_convert_type3A_263 {offsets = [6, 0], sizes = [1, 64], strides = [1, 1]} : vector<36x64xi32> to vector<1x64xi32>
    %slice3A_283 = vector.extract_strided_slice %bitcast_convert_type3A_263 {offsets = [7, 0], sizes = [1, 64], strides = [1, 1]} : vector<36x64xi32> to vector<1x64xi32>
    %concatenate3A_284 = tpu.concatenate %slice3A_282, %slice3A_283 in 1 : vector<1x64xi32>, vector<1x64xi32> -> vector<1x128xi32>
    %swap3A_285 = arith.constant 39 : index
    %swap3A_286 = arith.constant 0 : index
    %swap3A_287 = vector.load %arg3[%swap3A_285, %swap3A_286] : memref<128x128xi32, #tpu.memory_space<vmem>>, vector<1x128xi32>
    tpu.vector_store %arg3[%swap3A_285, %swap3A_286], %concatenate3A_284 {strides = array<i32>} : memref<128x128xi32, #tpu.memory_space<vmem>>, vector<1x128xi32>,
    %slice3A_288 = vector.extract_strided_slice %bitcast_convert_type3A_263 {offsets = [8, 0], sizes = [1, 64], strides = [1, 1]} : vector<36x64xi32> to vector<1x64xi32>
    %slice3A_289 = vector.extract_strided_slice %bitcast_convert_type3A_263 {offsets = [9, 0], sizes = [1, 64], strides = [1, 1]} : vector<36x64xi32> to vector<1x64xi32>
    %concatenate3A_290 = tpu.concatenate %slice3A_288, %slice3A_289 in 1 : vector<1x64xi32>, vector<1x64xi32> -> vector<1x128xi32>
    %swap3A_291 = arith.constant 40 : index
    %swap3A_292 = arith.constant 0 : index
    %swap3A_293 = vector.load %arg3[%swap3A_291, %swap3A_292] : memref<128x128xi32, #tpu.memory_space<vmem>>, vector<1x128xi32>
    tpu.vector_store %arg3[%swap3A_291, %swap3A_292], %concatenate3A_290 {strides = array<i32>} : memref<128x128xi32, #tpu.memory_space<vmem>>, vector<1x128xi32>,
    %slice3A_294 = vector.extract_strided_slice %bitcast_convert_type3A_263 {offsets = [10, 0], sizes = [1, 64], strides = [1, 1]} : vector<36x64xi32> to vector<1x64xi32>
    %slice3A_295 = vector.extract_strided_slice %bitcast_convert_type3A_263 {offsets = [11, 0], sizes = [1, 64], strides = [1, 1]} : vector<36x64xi32> to vector<1x64xi32>
    %concatenate3A_296 = tpu.concatenate %slice3A_294, %slice3A_295 in 1 : vector<1x64xi32>, vector<1x64xi32> -> vector<1x128xi32>
    %swap3A_297 = arith.constant 41 : index
    %swap3A_298 = arith.constant 0 : index
    %swap3A_299 = vector.load %arg3[%swap3A_297, %swap3A_298] : memref<128x128xi32, #tpu.memory_space<vmem>>, vector<1x128xi32>
    tpu.vector_store %arg3[%swap3A_297, %swap3A_298], %concatenate3A_296 {strides = array<i32>} : memref<128x128xi32, #tpu.memory_space<vmem>>, vector<1x128xi32>,
    %slice3A_300 = vector.extract_strided_slice %bitcast_convert_type3A_263 {offsets = [12, 0], sizes = [1, 64], strides = [1, 1]} : vector<36x64xi32> to vector<1x64xi32>
    %slice3A_301 = vector.extract_strided_slice %bitcast_convert_type3A_263 {offsets = [13, 0], sizes = [1, 64], strides = [1, 1]} : vector<36x64xi32> to vector<1x64xi32>
    %concatenate3A_302 = tpu.concatenate %slice3A_300, %slice3A_301 in 1 : vector<1x64xi32>, vector<1x64xi32> -> vector<1x128xi32>
    %swap3A_303 = arith.constant 42 : index
    %swap3A_304 = arith.constant 0 : index
    %swap3A_305 = vector.load %arg3[%swap3A_303, %swap3A_304] : memref<128x128xi32, #tpu.memory_space<vmem>>, vector<1x128xi32>
    tpu.vector_store %arg3[%swap3A_303, %swap3A_304], %concatenate3A_302 {strides = array<i32>} : memref<128x128xi32, #tpu.memory_space<vmem>>, vector<1x128xi32>,
    %slice3A_306 = vector.extract_strided_slice %bitcast_convert_type3A_263 {offsets = [14, 0], sizes = [1, 64], strides = [1, 1]} : vector<36x64xi32> to vector<1x64xi32>
    %slice3A_307 = vector.extract_strided_slice %bitcast_convert_type3A_263 {offsets = [15, 0], sizes = [1, 64], strides = [1, 1]} : vector<36x64xi32> to vector<1x64xi32>
    %concatenate3A_308 = tpu.concatenate %slice3A_306, %slice3A_307 in 1 : vector<1x64xi32>, vector<1x64xi32> -> vector<1x128xi32>
    %swap3A_309 = arith.constant 43 : index
    %swap3A_310 = arith.constant 0 : index
    %swap3A_311 = vector.load %arg3[%swap3A_309, %swap3A_310] : memref<128x128xi32, #tpu.memory_space<vmem>>, vector<1x128xi32>
    tpu.vector_store %arg3[%swap3A_309, %swap3A_310], %concatenate3A_308 {strides = array<i32>} : memref<128x128xi32, #tpu.memory_space<vmem>>, vector<1x128xi32>,
    %slice3A_312 = vector.extract_strided_slice %bitcast_convert_type3A_263 {offsets = [16, 0], sizes = [1, 64], strides = [1, 1]} : vector<36x64xi32> to vector<1x64xi32>
    %slice3A_313 = vector.extract_strided_slice %bitcast_convert_type3A_263 {offsets = [17, 0], sizes = [1, 64], strides = [1, 1]} : vector<36x64xi32> to vector<1x64xi32>
    %concatenate3A_314 = tpu.concatenate %slice3A_312, %slice3A_313 in 1 : vector<1x64xi32>, vector<1x64xi32> -> vector<1x128xi32>
    %swap3A_315 = arith.constant 44 : index
    %swap3A_316 = arith.constant 0 : index
    %swap3A_317 = vector.load %arg3[%swap3A_315, %swap3A_316] : memref<128x128xi32, #tpu.memory_space<vmem>>, vector<1x128xi32>
    tpu.vector_store %arg3[%swap3A_315, %swap3A_316], %concatenate3A_314 {strides = array<i32>} : memref<128x128xi32, #tpu.memory_space<vmem>>, vector<1x128xi32>,
    %slice3A_318 = vector.extract_strided_slice %bitcast_convert_type3A_263 {offsets = [18, 0], sizes = [1, 64], strides = [1, 1]} : vector<36x64xi32> to vector<1x64xi32>
    %slice3A_319 = vector.extract_strided_slice %bitcast_convert_type3A_263 {offsets = [19, 0], sizes = [1, 64], strides = [1, 1]} : vector<36x64xi32> to vector<1x64xi32>
    %concatenate3A_320 = tpu.concatenate %slice3A_318, %slice3A_319 in 1 : vector<1x64xi32>, vector<1x64xi32> -> vector<1x128xi32>
    %swap3A_321 = arith.constant 45 : index
    %swap3A_322 = arith.constant 0 : index
    %swap3A_323 = vector.load %arg3[%swap3A_321, %swap3A_322] : memref<128x128xi32, #tpu.memory_space<vmem>>, vector<1x128xi32>
    tpu.vector_store %arg3[%swap3A_321, %swap3A_322], %concatenate3A_320 {strides = array<i32>} : memref<128x128xi32, #tpu.memory_space<vmem>>, vector<1x128xi32>,
    %slice3A_324 = vector.extract_strided_slice %bitcast_convert_type3A_263 {offsets = [20, 0], sizes = [1, 64], strides = [1, 1]} : vector<36x64xi32> to vector<1x64xi32>
    %slice3A_325 = vector.extract_strided_slice %bitcast_convert_type3A_263 {offsets = [21, 0], sizes = [1, 64], strides = [1, 1]} : vector<36x64xi32> to vector<1x64xi32>
    %concatenate3A_326 = tpu.concatenate %slice3A_324, %slice3A_325 in 1 : vector<1x64xi32>, vector<1x64xi32> -> vector<1x128xi32>
    %swap3A_327 = arith.constant 46 : index
    %swap3A_328 = arith.constant 0 : index
    %swap3A_329 = vector.load %arg3[%swap3A_327, %swap3A_328] : memref<128x128xi32, #tpu.memory_space<vmem>>, vector<1x128xi32>
    tpu.vector_store %arg3[%swap3A_327, %swap3A_328], %concatenate3A_326 {strides = array<i32>} : memref<128x128xi32, #tpu.memory_space<vmem>>, vector<1x128xi32>,
    %slice3A_330 = vector.extract_strided_slice %bitcast_convert_type3A_263 {offsets = [22, 0], sizes = [1, 64], strides = [1, 1]} : vector<36x64xi32> to vector<1x64xi32>
    %slice3A_331 = vector.extract_strided_slice %bitcast_convert_type3A_263 {offsets = [23, 0], sizes = [1, 64], strides = [1, 1]} : vector<36x64xi32> to vector<1x64xi32>
    %concatenate3A_332 = tpu.concatenate %slice3A_330, %slice3A_331 in 1 : vector<1x64xi32>, vector<1x64xi32> -> vector<1x128xi32>
    %swap3A_333 = arith.constant 47 : index
    %swap3A_334 = arith.constant 0 : index
    %swap3A_335 = vector.load %arg3[%swap3A_333, %swap3A_334] : memref<128x128xi32, #tpu.memory_space<vmem>>, vector<1x128xi32>
    tpu.vector_store %arg3[%swap3A_333, %swap3A_334], %concatenate3A_332 {strides = array<i32>} : memref<128x128xi32, #tpu.memory_space<vmem>>, vector<1x128xi32>,
    %slice3A_336 = vector.extract_strided_slice %bitcast_convert_type3A_263 {offsets = [24, 0], sizes = [1, 64], strides = [1, 1]} : vector<36x64xi32> to vector<1x64xi32>
    %slice3A_337 = vector.extract_strided_slice %bitcast_convert_type3A_263 {offsets = [25, 0], sizes = [1, 64], strides = [1, 1]} : vector<36x64xi32> to vector<1x64xi32>
    %concatenate3A_338 = tpu.concatenate %slice3A_336, %slice3A_337 in 1 : vector<1x64xi32>, vector<1x64xi32> -> vector<1x128xi32>
    %swap3A_339 = arith.constant 48 : index
    %swap3A_340 = arith.constant 0 : index
    %swap3A_341 = vector.load %arg3[%swap3A_339, %swap3A_340] : memref<128x128xi32, #tpu.memory_space<vmem>>, vector<1x128xi32>
    tpu.vector_store %arg3[%swap3A_339, %swap3A_340], %concatenate3A_338 {strides = array<i32>} : memref<128x128xi32, #tpu.memory_space<vmem>>, vector<1x128xi32>,
    %slice3A_342 = vector.extract_strided_slice %bitcast_convert_type3A_263 {offsets = [26, 0], sizes = [1, 64], strides = [1, 1]} : vector<36x64xi32> to vector<1x64xi32>
    %slice3A_343 = vector.extract_strided_slice %bitcast_convert_type3A_263 {offsets = [27, 0], sizes = [1, 64], strides = [1, 1]} : vector<36x64xi32> to vector<1x64xi32>
    %concatenate3A_344 = tpu.concatenate %slice3A_342, %slice3A_343 in 1 : vector<1x64xi32>, vector<1x64xi32> -> vector<1x128xi32>
    %swap3A_345 = arith.constant 49 : index
    %swap3A_346 = arith.constant 0 : index
    %swap3A_347 = vector.load %arg3[%swap3A_345, %swap3A_346] : memref<128x128xi32, #tpu.memory_space<vmem>>, vector<1x128xi32>
    tpu.vector_store %arg3[%swap3A_345, %swap3A_346], %concatenate3A_344 {strides = array<i32>} : memref<128x128xi32, #tpu.memory_space<vmem>>, vector<1x128xi32>,
    %slice3A_348 = vector.extract_strided_slice %bitcast_convert_type3A_263 {offsets = [28, 0], sizes = [1, 64], strides = [1, 1]} : vector<36x64xi32> to vector<1x64xi32>
    %slice3A_349 = vector.extract_strided_slice %bitcast_convert_type3A_263 {offsets = [29, 0], sizes = [1, 64], strides = [1, 1]} : vector<36x64xi32> to vector<1x64xi32>
    %concatenate3A_350 = tpu.concatenate %slice3A_348, %slice3A_349 in 1 : vector<1x64xi32>, vector<1x64xi32> -> vector<1x128xi32>
    %swap3A_351 = arith.constant 50 : index
    %swap3A_352 = arith.constant 0 : index
    %swap3A_353 = vector.load %arg3[%swap3A_351, %swap3A_352] : memref<128x128xi32, #tpu.memory_space<vmem>>, vector<1x128xi32>
    tpu.vector_store %arg3[%swap3A_351, %swap3A_352], %concatenate3A_350 {strides = array<i32>} : memref<128x128xi32, #tpu.memory_space<vmem>>, vector<1x128xi32>,
    %slice3A_354 = vector.extract_strided_slice %bitcast_convert_type3A_263 {offsets = [30, 0], sizes = [1, 64], strides = [1, 1]} : vector<36x64xi32> to vector<1x64xi32>
    %slice3A_355 = vector.extract_strided_slice %bitcast_convert_type3A_263 {offsets = [31, 0], sizes = [1, 64], strides = [1, 1]} : vector<36x64xi32> to vector<1x64xi32>
    %concatenate3A_356 = tpu.concatenate %slice3A_354, %slice3A_355 in 1 : vector<1x64xi32>, vector<1x64xi32> -> vector<1x128xi32>
    %swap3A_357 = arith.constant 51 : index
    %swap3A_358 = arith.constant 0 : index
    %swap3A_359 = vector.load %arg3[%swap3A_357, %swap3A_358] : memref<128x128xi32, #tpu.memory_space<vmem>>, vector<1x128xi32>
    tpu.vector_store %arg3[%swap3A_357, %swap3A_358], %concatenate3A_356 {strides = array<i32>} : memref<128x128xi32, #tpu.memory_space<vmem>>, vector<1x128xi32>,
    %slice3A_360 = vector.extract_strided_slice %bitcast_convert_type3A_263 {offsets = [32, 0], sizes = [1, 64], strides = [1, 1]} : vector<36x64xi32> to vector<1x64xi32>
    %slice3A_361 = vector.extract_strided_slice %bitcast_convert_type3A_263 {offsets = [33, 0], sizes = [1, 64], strides = [1, 1]} : vector<36x64xi32> to vector<1x64xi32>
    %concatenate3A_362 = tpu.concatenate %slice3A_360, %slice3A_361 in 1 : vector<1x64xi32>, vector<1x64xi32> -> vector<1x128xi32>
    %swap3A_363 = arith.constant 52 : index
    %swap3A_364 = arith.constant 0 : index
    %swap3A_365 = vector.load %arg3[%swap3A_363, %swap3A_364] : memref<128x128xi32, #tpu.memory_space<vmem>>, vector<1x128xi32>
    tpu.vector_store %arg3[%swap3A_363, %swap3A_364], %concatenate3A_362 {strides = array<i32>} : memref<128x128xi32, #tpu.memory_space<vmem>>, vector<1x128xi32>,
    %slice3A_366 = vector.extract_strided_slice %bitcast_convert_type3A_263 {offsets = [34, 0], sizes = [1, 64], strides = [1, 1]} : vector<36x64xi32> to vector<1x64xi32>
    %slice3A_367 = vector.extract_strided_slice %bitcast_convert_type3A_263 {offsets = [35, 0], sizes = [1, 64], strides = [1, 1]} : vector<36x64xi32> to vector<1x64xi32>
    %concatenate3A_368 = tpu.concatenate %slice3A_366, %slice3A_367 in 1 : vector<1x64xi32>, vector<1x64xi32> -> vector<1x128xi32>
    %swap3A_369 = arith.constant 53 : index
    %swap3A_370 = arith.constant 0 : index
    %swap3A_371 = vector.load %arg3[%swap3A_369, %swap3A_370] : memref<128x128xi32, #tpu.memory_space<vmem>>, vector<1x128xi32>
    tpu.vector_store %arg3[%swap3A_369, %swap3A_370], %concatenate3A_368 {strides = array<i32>} : memref<128x128xi32, #tpu.memory_space<vmem>>, vector<1x128xi32>,
    %get3A_372 = arith.constant 96 : index
    %get3A_373 = arith.constant 0 : index
    %get3A_374 = vector.load %arg1[%get3A_372, %get3A_373] : memref<224x128xf32, #tpu.memory_space<vmem>>, vector<32x128xf32>
    %dot_general3A_375 = arith.constant dense<0.000000e+00> : vector<36x128xf32>
    %dot_general3A_376 = tpu.matmul %get3A_1, %get3A_374, %dot_general3A_375 {dimension_numbers = #tpu.dot_dimension_numbers<[1], [0], [0], [1], [0, 0, 1, 1], [], []>, transpose_lhs_hint = false} : vector<36x32xf32>, vector<32x128xf32>, vector<36x128xf32> -> vector<36x128xf32>
    %slice3A_377 = vector.extract_strided_slice %dot_general3A_376 {offsets = [0, 0], sizes = [36, 64], strides = [1, 1]} : vector<36x128xf32> to vector<36x64xf32>
    %convert_element_type3A_378 = arith.truncf %slice3A_377 : vector<36x64xf32> to vector<36x64xbf16>
    %bitcast_convert_type3A_379 = tpu.bitcast %convert_element_type3A_378 : vector<36x64xbf16> -> vector<36x64xi16>
    %convert_element_type3A_380 = arith.extui %bitcast_convert_type3A_379 : vector<36x64xi16> to vector<36x64xi32>
    %slice3A_381 = vector.extract_strided_slice %dot_general3A_376 {offsets = [0, 64], sizes = [36, 64], strides = [1, 1]} : vector<36x128xf32> to vector<36x64xf32>
    %convert_element_type3A_382 = arith.truncf %slice3A_381 : vector<36x64xf32> to vector<36x64xbf16>
    %bitcast_convert_type3A_383 = tpu.bitcast %convert_element_type3A_382 : vector<36x64xbf16> -> vector<36x64xi16>
    %convert_element_type3A_384 = arith.extui %bitcast_convert_type3A_383 : vector<36x64xi16> to vector<36x64xi32>
    %shift_left3A_385 = arith.constant 16 : i32
    %shift_left3A_386 = vector.broadcast %shift_left3A_385 : i32 to vector<36x64xi32>
    %shift_left3A_387 = arith.shli %convert_element_type3A_384, %shift_left3A_386 : vector<36x64xi32>
    %or3A_388 = arith.ori %convert_element_type3A_380, %shift_left3A_387 : vector<36x64xi32>
    %bitcast_convert_type3A_389 = tpu.bitcast %or3A_388 : vector<36x64xi32> -> vector<36x64xi32>
    %slice3A_390 = vector.extract_strided_slice %bitcast_convert_type3A_389 {offsets = [0, 0], sizes = [1, 64], strides = [1, 1]} : vector<36x64xi32> to vector<1x64xi32>
    %slice3A_391 = vector.extract_strided_slice %bitcast_convert_type3A_389 {offsets = [1, 0], sizes = [1, 64], strides = [1, 1]} : vector<36x64xi32> to vector<1x64xi32>
    %concatenate3A_392 = tpu.concatenate %slice3A_390, %slice3A_391 in 1 : vector<1x64xi32>, vector<1x64xi32> -> vector<1x128xi32>
    %swap3A_393 = arith.constant 54 : index
    %swap3A_394 = arith.constant 0 : index
    %swap3A_395 = vector.load %arg3[%swap3A_393, %swap3A_394] : memref<128x128xi32, #tpu.memory_space<vmem>>, vector<1x128xi32>
    tpu.vector_store %arg3[%swap3A_393, %swap3A_394], %concatenate3A_392 {strides = array<i32>} : memref<128x128xi32, #tpu.memory_space<vmem>>, vector<1x128xi32>,
    %slice3A_396 = vector.extract_strided_slice %bitcast_convert_type3A_389 {offsets = [2, 0], sizes = [1, 64], strides = [1, 1]} : vector<36x64xi32> to vector<1x64xi32>
    %slice3A_397 = vector.extract_strided_slice %bitcast_convert_type3A_389 {offsets = [3, 0], sizes = [1, 64], strides = [1, 1]} : vector<36x64xi32> to vector<1x64xi32>
    %concatenate3A_398 = tpu.concatenate %slice3A_396, %slice3A_397 in 1 : vector<1x64xi32>, vector<1x64xi32> -> vector<1x128xi32>
    %swap3A_399 = arith.constant 55 : index
    %swap3A_400 = arith.constant 0 : index
    %swap3A_401 = vector.load %arg3[%swap3A_399, %swap3A_400] : memref<128x128xi32, #tpu.memory_space<vmem>>, vector<1x128xi32>
    tpu.vector_store %arg3[%swap3A_399, %swap3A_400], %concatenate3A_398 {strides = array<i32>} : memref<128x128xi32, #tpu.memory_space<vmem>>, vector<1x128xi32>,
    %slice3A_402 = vector.extract_strided_slice %bitcast_convert_type3A_389 {offsets = [4, 0], sizes = [1, 64], strides = [1, 1]} : vector<36x64xi32> to vector<1x64xi32>
    %slice3A_403 = vector.extract_strided_slice %bitcast_convert_type3A_389 {offsets = [5, 0], sizes = [1, 64], strides = [1, 1]} : vector<36x64xi32> to vector<1x64xi32>
    %concatenate3A_404 = tpu.concatenate %slice3A_402, %slice3A_403 in 1 : vector<1x64xi32>, vector<1x64xi32> -> vector<1x128xi32>
    %swap3A_405 = arith.constant 56 : index
    %swap3A_406 = arith.constant 0 : index
    %swap3A_407 = vector.load %arg3[%swap3A_405, %swap3A_406] : memref<128x128xi32, #tpu.memory_space<vmem>>, vector<1x128xi32>
    tpu.vector_store %arg3[%swap3A_405, %swap3A_406], %concatenate3A_404 {strides = array<i32>} : memref<128x128xi32, #tpu.memory_space<vmem>>, vector<1x128xi32>,
    %slice3A_408 = vector.extract_strided_slice %bitcast_convert_type3A_389 {offsets = [6, 0], sizes = [1, 64], strides = [1, 1]} : vector<36x64xi32> to vector<1x64xi32>
    %slice3A_409 = vector.extract_strided_slice %bitcast_convert_type3A_389 {offsets = [7, 0], sizes = [1, 64], strides = [1, 1]} : vector<36x64xi32> to vector<1x64xi32>
    %concatenate3A_410 = tpu.concatenate %slice3A_408, %slice3A_409 in 1 : vector<1x64xi32>, vector<1x64xi32> -> vector<1x128xi32>
    %swap3A_411 = arith.constant 57 : index
    %swap3A_412 = arith.constant 0 : index
    %swap3A_413 = vector.load %arg3[%swap3A_411, %swap3A_412] : memref<128x128xi32, #tpu.memory_space<vmem>>, vector<1x128xi32>
    tpu.vector_store %arg3[%swap3A_411, %swap3A_412], %concatenate3A_410 {strides = array<i32>} : memref<128x128xi32, #tpu.memory_space<vmem>>, vector<1x128xi32>,
    %slice3A_414 = vector.extract_strided_slice %bitcast_convert_type3A_389 {offsets = [8, 0], sizes = [1, 64], strides = [1, 1]} : vector<36x64xi32> to vector<1x64xi32>
    %slice3A_415 = vector.extract_strided_slice %bitcast_convert_type3A_389 {offsets = [9, 0], sizes = [1, 64], strides = [1, 1]} : vector<36x64xi32> to vector<1x64xi32>
    %concatenate3A_416 = tpu.concatenate %slice3A_414, %slice3A_415 in 1 : vector<1x64xi32>, vector<1x64xi32> -> vector<1x128xi32>
    %swap3A_417 = arith.constant 58 : index
    %swap3A_418 = arith.constant 0 : index
    %swap3A_419 = vector.load %arg3[%swap3A_417, %swap3A_418] : memref<128x128xi32, #tpu.memory_space<vmem>>, vector<1x128xi32>
    tpu.vector_store %arg3[%swap3A_417, %swap3A_418], %concatenate3A_416 {strides = array<i32>} : memref<128x128xi32, #tpu.memory_space<vmem>>, vector<1x128xi32>,
    %slice3A_420 = vector.extract_strided_slice %bitcast_convert_type3A_389 {offsets = [10, 0], sizes = [1, 64], strides = [1, 1]} : vector<36x64xi32> to vector<1x64xi32>
    %slice3A_421 = vector.extract_strided_slice %bitcast_convert_type3A_389 {offsets = [11, 0], sizes = [1, 64], strides = [1, 1]} : vector<36x64xi32> to vector<1x64xi32>
    %concatenate3A_422 = tpu.concatenate %slice3A_420, %slice3A_421 in 1 : vector<1x64xi32>, vector<1x64xi32> -> vector<1x128xi32>
    %swap3A_423 = arith.constant 59 : index
    %swap3A_424 = arith.constant 0 : index
    %swap3A_425 = vector.load %arg3[%swap3A_423, %swap3A_424] : memref<128x128xi32, #tpu.memory_space<vmem>>, vector<1x128xi32>
    tpu.vector_store %arg3[%swap3A_423, %swap3A_424], %concatenate3A_422 {strides = array<i32>} : memref<128x128xi32, #tpu.memory_space<vmem>>, vector<1x128xi32>,
    %slice3A_426 = vector.extract_strided_slice %bitcast_convert_type3A_389 {offsets = [12, 0], sizes = [1, 64], strides = [1, 1]} : vector<36x64xi32> to vector<1x64xi32>
    %slice3A_427 = vector.extract_strided_slice %bitcast_convert_type3A_389 {offsets = [13, 0], sizes = [1, 64], strides = [1, 1]} : vector<36x64xi32> to vector<1x64xi32>
    %concatenate3A_428 = tpu.concatenate %slice3A_426, %slice3A_427 in 1 : vector<1x64xi32>, vector<1x64xi32> -> vector<1x128xi32>
    %swap3A_429 = arith.constant 60 : index
    %swap3A_430 = arith.constant 0 : index
    %swap3A_431 = vector.load %arg3[%swap3A_429, %swap3A_430] : memref<128x128xi32, #tpu.memory_space<vmem>>, vector<1x128xi32>
    tpu.vector_store %arg3[%swap3A_429, %swap3A_430], %concatenate3A_428 {strides = array<i32>} : memref<128x128xi32, #tpu.memory_space<vmem>>, vector<1x128xi32>,
    %slice3A_432 = vector.extract_strided_slice %bitcast_convert_type3A_389 {offsets = [14, 0], sizes = [1, 64], strides = [1, 1]} : vector<36x64xi32> to vector<1x64xi32>
    %slice3A_433 = vector.extract_strided_slice %bitcast_convert_type3A_389 {offsets = [15, 0], sizes = [1, 64], strides = [1, 1]} : vector<36x64xi32> to vector<1x64xi32>
    %concatenate3A_434 = tpu.concatenate %slice3A_432, %slice3A_433 in 1 : vector<1x64xi32>, vector<1x64xi32> -> vector<1x128xi32>
    %swap3A_435 = arith.constant 61 : index
    %swap3A_436 = arith.constant 0 : index
    %swap3A_437 = vector.load %arg3[%swap3A_435, %swap3A_436] : memref<128x128xi32, #tpu.memory_space<vmem>>, vector<1x128xi32>
    tpu.vector_store %arg3[%swap3A_435, %swap3A_436], %concatenate3A_434 {strides = array<i32>} : memref<128x128xi32, #tpu.memory_space<vmem>>, vector<1x128xi32>,
    %slice3A_438 = vector.extract_strided_slice %bitcast_convert_type3A_389 {offsets = [16, 0], sizes = [1, 64], strides = [1, 1]} : vector<36x64xi32> to vector<1x64xi32>
    %slice3A_439 = vector.extract_strided_slice %bitcast_convert_type3A_389 {offsets = [17, 0], sizes = [1, 64], strides = [1, 1]} : vector<36x64xi32> to vector<1x64xi32>
    %concatenate3A_440 = tpu.concatenate %slice3A_438, %slice3A_439 in 1 : vector<1x64xi32>, vector<1x64xi32> -> vector<1x128xi32>
    %swap3A_441 = arith.constant 62 : index
    %swap3A_442 = arith.constant 0 : index
    %swap3A_443 = vector.load %arg3[%swap3A_441, %swap3A_442] : memref<128x128xi32, #tpu.memory_space<vmem>>, vector<1x128xi32>
    tpu.vector_store %arg3[%swap3A_441, %swap3A_442], %concatenate3A_440 {strides = array<i32>} : memref<128x128xi32, #tpu.memory_space<vmem>>, vector<1x128xi32>,
    %slice3A_444 = vector.extract_strided_slice %bitcast_convert_type3A_389 {offsets = [18, 0], sizes = [1, 64], strides = [1, 1]} : vector<36x64xi32> to vector<1x64xi32>
    %slice3A_445 = vector.extract_strided_slice %bitcast_convert_type3A_389 {offsets = [19, 0], sizes = [1, 64], strides = [1, 1]} : vector<36x64xi32> to vector<1x64xi32>
    %concatenate3A_446 = tpu.concatenate %slice3A_444, %slice3A_445 in 1 : vector<1x64xi32>, vector<1x64xi32> -> vector<1x128xi32>
    %swap3A_447 = arith.constant 63 : index
    %swap3A_448 = arith.constant 0 : index
    %swap3A_449 = vector.load %arg3[%swap3A_447, %swap3A_448] : memref<128x128xi32, #tpu.memory_space<vmem>>, vector<1x128xi32>
    tpu.vector_store %arg3[%swap3A_447, %swap3A_448], %concatenate3A_446 {strides = array<i32>} : memref<128x128xi32, #tpu.memory_space<vmem>>, vector<1x128xi32>,
    %slice3A_450 = vector.extract_strided_slice %bitcast_convert_type3A_389 {offsets = [20, 0], sizes = [1, 64], strides = [1, 1]} : vector<36x64xi32> to vector<1x64xi32>
    %slice3A_451 = vector.extract_strided_slice %bitcast_convert_type3A_389 {offsets = [21, 0], sizes = [1, 64], strides = [1, 1]} : vector<36x64xi32> to vector<1x64xi32>
    %concatenate3A_452 = tpu.concatenate %slice3A_450, %slice3A_451 in 1 : vector<1x64xi32>, vector<1x64xi32> -> vector<1x128xi32>
    %swap3A_453 = arith.constant 64 : index
    %swap3A_454 = arith.constant 0 : index
    %swap3A_455 = vector.load %arg3[%swap3A_453, %swap3A_454] : memref<128x128xi32, #tpu.memory_space<vmem>>, vector<1x128xi32>
    tpu.vector_store %arg3[%swap3A_453, %swap3A_454], %concatenate3A_452 {strides = array<i32>} : memref<128x128xi32, #tpu.memory_space<vmem>>, vector<1x128xi32>,
    %slice3A_456 = vector.extract_strided_slice %bitcast_convert_type3A_389 {offsets = [22, 0], sizes = [1, 64], strides = [1, 1]} : vector<36x64xi32> to vector<1x64xi32>
    %slice3A_457 = vector.extract_strided_slice %bitcast_convert_type3A_389 {offsets = [23, 0], sizes = [1, 64], strides = [1, 1]} : vector<36x64xi32> to vector<1x64xi32>
    %concatenate3A_458 = tpu.concatenate %slice3A_456, %slice3A_457 in 1 : vector<1x64xi32>, vector<1x64xi32> -> vector<1x128xi32>
    %swap3A_459 = arith.constant 65 : index
    %swap3A_460 = arith.constant 0 : index
    %swap3A_461 = vector.load %arg3[%swap3A_459, %swap3A_460] : memref<128x128xi32, #tpu.memory_space<vmem>>, vector<1x128xi32>
    tpu.vector_store %arg3[%swap3A_459, %swap3A_460], %concatenate3A_458 {strides = array<i32>} : memref<128x128xi32, #tpu.memory_space<vmem>>, vector<1x128xi32>,
    %slice3A_462 = vector.extract_strided_slice %bitcast_convert_type3A_389 {offsets = [24, 0], sizes = [1, 64], strides = [1, 1]} : vector<36x64xi32> to vector<1x64xi32>
    %slice3A_463 = vector.extract_strided_slice %bitcast_convert_type3A_389 {offsets = [25, 0], sizes = [1, 64], strides = [1, 1]} : vector<36x64xi32> to vector<1x64xi32>
    %concatenate3A_464 = tpu.concatenate %slice3A_462, %slice3A_463 in 1 : vector<1x64xi32>, vector<1x64xi32> -> vector<1x128xi32>
    %swap3A_465 = arith.constant 66 : index
    %swap3A_466 = arith.constant 0 : index
    %swap3A_467 = vector.load %arg3[%swap3A_465, %swap3A_466] : memref<128x128xi32, #tpu.memory_space<vmem>>, vector<1x128xi32>
    tpu.vector_store %arg3[%swap3A_465, %swap3A_466], %concatenate3A_464 {strides = array<i32>} : memref<128x128xi32, #tpu.memory_space<vmem>>, vector<1x128xi32>,
    %slice3A_468 = vector.extract_strided_slice %bitcast_convert_type3A_389 {offsets = [26, 0], sizes = [1, 64], strides = [1, 1]} : vector<36x64xi32> to vector<1x64xi32>
    %slice3A_469 = vector.extract_strided_slice %bitcast_convert_type3A_389 {offsets = [27, 0], sizes = [1, 64], strides = [1, 1]} : vector<36x64xi32> to vector<1x64xi32>
    %concatenate3A_470 = tpu.concatenate %slice3A_468, %slice3A_469 in 1 : vector<1x64xi32>, vector<1x64xi32> -> vector<1x128xi32>
    %swap3A_471 = arith.constant 67 : index
    %swap3A_472 = arith.constant 0 : index
    %swap3A_473 = vector.load %arg3[%swap3A_471, %swap3A_472] : memref<128x128xi32, #tpu.memory_space<vmem>>, vector<1x128xi32>
    tpu.vector_store %arg3[%swap3A_471, %swap3A_472], %concatenate3A_470 {strides = array<i32>} : memref<128x128xi32, #tpu.memory_space<vmem>>, vector<1x128xi32>,
    %slice3A_474 = vector.extract_strided_slice %bitcast_convert_type3A_389 {offsets = [28, 0], sizes = [1, 64], strides = [1, 1]} : vector<36x64xi32> to vector<1x64xi32>
    %slice3A_475 = vector.extract_strided_slice %bitcast_convert_type3A_389 {offsets = [29, 0], sizes = [1, 64], strides = [1, 1]} : vector<36x64xi32> to vector<1x64xi32>
    %concatenate3A_476 = tpu.concatenate %slice3A_474, %slice3A_475 in 1 : vector<1x64xi32>, vector<1x64xi32> -> vector<1x128xi32>
    %swap3A_477 = arith.constant 68 : index
    %swap3A_478 = arith.constant 0 : index
    %swap3A_479 = vector.load %arg3[%swap3A_477, %swap3A_478] : memref<128x128xi32, #tpu.memory_space<vmem>>, vector<1x128xi32>
    tpu.vector_store %arg3[%swap3A_477, %swap3A_478], %concatenate3A_476 {strides = array<i32>} : memref<128x128xi32, #tpu.memory_space<vmem>>, vector<1x128xi32>,
    %slice3A_480 = vector.extract_strided_slice %bitcast_convert_type3A_389 {offsets = [30, 0], sizes = [1, 64], strides = [1, 1]} : vector<36x64xi32> to vector<1x64xi32>
    %slice3A_481 = vector.extract_strided_slice %bitcast_convert_type3A_389 {offsets = [31, 0], sizes = [1, 64], strides = [1, 1]} : vector<36x64xi32> to vector<1x64xi32>
    %concatenate3A_482 = tpu.concatenate %slice3A_480, %slice3A_481 in 1 : vector<1x64xi32>, vector<1x64xi32> -> vector<1x128xi32>
    %swap3A_483 = arith.constant 69 : index
    %swap3A_484 = arith.constant 0 : index
    %swap3A_485 = vector.load %arg3[%swap3A_483, %swap3A_484] : memref<128x128xi32, #tpu.memory_space<vmem>>, vector<1x128xi32>
    tpu.vector_store %arg3[%swap3A_483, %swap3A_484], %concatenate3A_482 {strides = array<i32>} : memref<128x128xi32, #tpu.memory_space<vmem>>, vector<1x128xi32>,
    %slice3A_486 = vector.extract_strided_slice %bitcast_convert_type3A_389 {offsets = [32, 0], sizes = [1, 64], strides = [1, 1]} : vector<36x64xi32> to vector<1x64xi32>
    %slice3A_487 = vector.extract_strided_slice %bitcast_convert_type3A_389 {offsets = [33, 0], sizes = [1, 64], strides = [1, 1]} : vector<36x64xi32> to vector<1x64xi32>
    %concatenate3A_488 = tpu.concatenate %slice3A_486, %slice3A_487 in 1 : vector<1x64xi32>, vector<1x64xi32> -> vector<1x128xi32>
    %swap3A_489 = arith.constant 70 : index
    %swap3A_490 = arith.constant 0 : index
    %swap3A_491 = vector.load %arg3[%swap3A_489, %swap3A_490] : memref<128x128xi32, #tpu.memory_space<vmem>>, vector<1x128xi32>
    tpu.vector_store %arg3[%swap3A_489, %swap3A_490], %concatenate3A_488 {strides = array<i32>} : memref<128x128xi32, #tpu.memory_space<vmem>>, vector<1x128xi32>,
    %slice3A_492 = vector.extract_strided_slice %bitcast_convert_type3A_389 {offsets = [34, 0], sizes = [1, 64], strides = [1, 1]} : vector<36x64xi32> to vector<1x64xi32>
    %slice3A_493 = vector.extract_strided_slice %bitcast_convert_type3A_389 {offsets = [35, 0], sizes = [1, 64], strides = [1, 1]} : vector<36x64xi32> to vector<1x64xi32>
    %concatenate3A_494 = tpu.concatenate %slice3A_492, %slice3A_493 in 1 : vector<1x64xi32>, vector<1x64xi32> -> vector<1x128xi32>
    %swap3A_495 = arith.constant 71 : index
    %swap3A_496 = arith.constant 0 : index
    %swap3A_497 = vector.load %arg3[%swap3A_495, %swap3A_496] : memref<128x128xi32, #tpu.memory_space<vmem>>, vector<1x128xi32>
    tpu.vector_store %arg3[%swap3A_495, %swap3A_496], %concatenate3A_494 {strides = array<i32>} : memref<128x128xi32, #tpu.memory_space<vmem>>, vector<1x128xi32>,
    %get3A_498 = arith.constant 128 : index
    %get3A_499 = arith.constant 0 : index
    %get3A_500 = vector.load %arg1[%get3A_498, %get3A_499] : memref<224x128xf32, #tpu.memory_space<vmem>>, vector<32x128xf32>
    %dot_general3A_501 = arith.constant dense<0.000000e+00> : vector<36x128xf32>
    %dot_general3A_502 = tpu.matmul %get3A_1, %get3A_500, %dot_general3A_501 {dimension_numbers = #tpu.dot_dimension_numbers<[1], [0], [0], [1], [0, 0, 1, 1], [], []>, transpose_lhs_hint = false} : vector<36x32xf32>, vector<32x128xf32>, vector<36x128xf32> -> vector<36x128xf32>
    %slice3A_503 = vector.extract_strided_slice %dot_general3A_502 {offsets = [0, 0], sizes = [36, 64], strides = [1, 1]} : vector<36x128xf32> to vector<36x64xf32>
    %convert_element_type3A_504 = arith.truncf %slice3A_503 : vector<36x64xf32> to vector<36x64xbf16>
    %bitcast_convert_type3A_505 = tpu.bitcast %convert_element_type3A_504 : vector<36x64xbf16> -> vector<36x64xi16>
    %convert_element_type3A_506 = arith.extui %bitcast_convert_type3A_505 : vector<36x64xi16> to vector<36x64xi32>
    %slice3A_507 = vector.extract_strided_slice %dot_general3A_502 {offsets = [0, 64], sizes = [36, 64], strides = [1, 1]} : vector<36x128xf32> to vector<36x64xf32>
    %convert_element_type3A_508 = arith.truncf %slice3A_507 : vector<36x64xf32> to vector<36x64xbf16>
    %bitcast_convert_type3A_509 = tpu.bitcast %convert_element_type3A_508 : vector<36x64xbf16> -> vector<36x64xi16>
    %convert_element_type3A_510 = arith.extui %bitcast_convert_type3A_509 : vector<36x64xi16> to vector<36x64xi32>
    %shift_left3A_511 = arith.constant 16 : i32
    %shift_left3A_512 = vector.broadcast %shift_left3A_511 : i32 to vector<36x64xi32>
    %shift_left3A_513 = arith.shli %convert_element_type3A_510, %shift_left3A_512 : vector<36x64xi32>
    %or3A_514 = arith.ori %convert_element_type3A_506, %shift_left3A_513 : vector<36x64xi32>
    %bitcast_convert_type3A_515 = tpu.bitcast %or3A_514 : vector<36x64xi32> -> vector<36x64xi32>
    %slice3A_516 = vector.extract_strided_slice %bitcast_convert_type3A_515 {offsets = [0, 0], sizes = [1, 64], strides = [1, 1]} : vector<36x64xi32> to vector<1x64xi32>
    %slice3A_517 = vector.extract_strided_slice %bitcast_convert_type3A_515 {offsets = [1, 0], sizes = [1, 64], strides = [1, 1]} : vector<36x64xi32> to vector<1x64xi32>
    %concatenate3A_518 = tpu.concatenate %slice3A_516, %slice3A_517 in 1 : vector<1x64xi32>, vector<1x64xi32> -> vector<1x128xi32>
    %swap3A_519 = arith.constant 72 : index
    %swap3A_520 = arith.constant 0 : index
    %swap3A_521 = vector.load %arg3[%swap3A_519, %swap3A_520] : memref<128x128xi32, #tpu.memory_space<vmem>>, vector<1x128xi32>
    tpu.vector_store %arg3[%swap3A_519, %swap3A_520], %concatenate3A_518 {strides = array<i32>} : memref<128x128xi32, #tpu.memory_space<vmem>>, vector<1x128xi32>,
    %slice3A_522 = vector.extract_strided_slice %bitcast_convert_type3A_515 {offsets = [2, 0], sizes = [1, 64], strides = [1, 1]} : vector<36x64xi32> to vector<1x64xi32>
    %slice3A_523 = vector.extract_strided_slice %bitcast_convert_type3A_515 {offsets = [3, 0], sizes = [1, 64], strides = [1, 1]} : vector<36x64xi32> to vector<1x64xi32>
    %concatenate3A_524 = tpu.concatenate %slice3A_522, %slice3A_523 in 1 : vector<1x64xi32>, vector<1x64xi32> -> vector<1x128xi32>
    %swap3A_525 = arith.constant 73 : index
    %swap3A_526 = arith.constant 0 : index
    %swap3A_527 = vector.load %arg3[%swap3A_525, %swap3A_526] : memref<128x128xi32, #tpu.memory_space<vmem>>, vector<1x128xi32>
    tpu.vector_store %arg3[%swap3A_525, %swap3A_526], %concatenate3A_524 {strides = array<i32>} : memref<128x128xi32, #tpu.memory_space<vmem>>, vector<1x128xi32>,
    %slice3A_528 = vector.extract_strided_slice %bitcast_convert_type3A_515 {offsets = [4, 0], sizes = [1, 64], strides = [1, 1]} : vector<36x64xi32> to vector<1x64xi32>
    %slice3A_529 = vector.extract_strided_slice %bitcast_convert_type3A_515 {offsets = [5, 0], sizes = [1, 64], strides = [1, 1]} : vector<36x64xi32> to vector<1x64xi32>
    %concatenate3A_530 = tpu.concatenate %slice3A_528, %slice3A_529 in 1 : vector<1x64xi32>, vector<1x64xi32> -> vector<1x128xi32>
    %swap3A_531 = arith.constant 74 : index
    %swap3A_532 = arith.constant 0 : index
    %swap3A_533 = vector.load %arg3[%swap3A_531, %swap3A_532] : memref<128x128xi32, #tpu.memory_space<vmem>>, vector<1x128xi32>
    tpu.vector_store %arg3[%swap3A_531, %swap3A_532], %concatenate3A_530 {strides = array<i32>} : memref<128x128xi32, #tpu.memory_space<vmem>>, vector<1x128xi32>,
    %slice3A_534 = vector.extract_strided_slice %bitcast_convert_type3A_515 {offsets = [6, 0], sizes = [1, 64], strides = [1, 1]} : vector<36x64xi32> to vector<1x64xi32>
    %slice3A_535 = vector.extract_strided_slice %bitcast_convert_type3A_515 {offsets = [7, 0], sizes = [1, 64], strides = [1, 1]} : vector<36x64xi32> to vector<1x64xi32>
    %concatenate3A_536 = tpu.concatenate %slice3A_534, %slice3A_535 in 1 : vector<1x64xi32>, vector<1x64xi32> -> vector<1x128xi32>
    %swap3A_537 = arith.constant 75 : index
    %swap3A_538 = arith.constant 0 : index
    %swap3A_539 = vector.load %arg3[%swap3A_537, %swap3A_538] : memref<128x128xi32, #tpu.memory_space<vmem>>, vector<1x128xi32>
    tpu.vector_store %arg3[%swap3A_537, %swap3A_538], %concatenate3A_536 {strides = array<i32>} : memref<128x128xi32, #tpu.memory_space<vmem>>, vector<1x128xi32>,
    %slice3A_540 = vector.extract_strided_slice %bitcast_convert_type3A_515 {offsets = [8, 0], sizes = [1, 64], strides = [1, 1]} : vector<36x64xi32> to vector<1x64xi32>
    %slice3A_541 = vector.extract_strided_slice %bitcast_convert_type3A_515 {offsets = [9, 0], sizes = [1, 64], strides = [1, 1]} : vector<36x64xi32> to vector<1x64xi32>
    %concatenate3A_542 = tpu.concatenate %slice3A_540, %slice3A_541 in 1 : vector<1x64xi32>, vector<1x64xi32> -> vector<1x128xi32>
    %swap3A_543 = arith.constant 76 : index
    %swap3A_544 = arith.constant 0 : index
    %swap3A_545 = vector.load %arg3[%swap3A_543, %swap3A_544] : memref<128x128xi32, #tpu.memory_space<vmem>>, vector<1x128xi32>
    tpu.vector_store %arg3[%swap3A_543, %swap3A_544], %concatenate3A_542 {strides = array<i32>} : memref<128x128xi32, #tpu.memory_space<vmem>>, vector<1x128xi32>,
    %slice3A_546 = vector.extract_strided_slice %bitcast_convert_type3A_515 {offsets = [10, 0], sizes = [1, 64], strides = [1, 1]} : vector<36x64xi32> to vector<1x64xi32>
    %slice3A_547 = vector.extract_strided_slice %bitcast_convert_type3A_515 {offsets = [11, 0], sizes = [1, 64], strides = [1, 1]} : vector<36x64xi32> to vector<1x64xi32>
    %concatenate3A_548 = tpu.concatenate %slice3A_546, %slice3A_547 in 1 : vector<1x64xi32>, vector<1x64xi32> -> vector<1x128xi32>
    %swap3A_549 = arith.constant 77 : index
    %swap3A_550 = arith.constant 0 : index
    %swap3A_551 = vector.load %arg3[%swap3A_549, %swap3A_550] : memref<128x128xi32, #tpu.memory_space<vmem>>, vector<1x128xi32>
    tpu.vector_store %arg3[%swap3A_549, %swap3A_550], %concatenate3A_548 {strides = array<i32>} : memref<128x128xi32, #tpu.memory_space<vmem>>, vector<1x128xi32>,
    %slice3A_552 = vector.extract_strided_slice %bitcast_convert_type3A_515 {offsets = [12, 0], sizes = [1, 64], strides = [1, 1]} : vector<36x64xi32> to vector<1x64xi32>
    %slice3A_553 = vector.extract_strided_slice %bitcast_convert_type3A_515 {offsets = [13, 0], sizes = [1, 64], strides = [1, 1]} : vector<36x64xi32> to vector<1x64xi32>
    %concatenate3A_554 = tpu.concatenate %slice3A_552, %slice3A_553 in 1 : vector<1x64xi32>, vector<1x64xi32> -> vector<1x128xi32>
    %swap3A_555 = arith.constant 78 : index
    %swap3A_556 = arith.constant 0 : index
    %swap3A_557 = vector.load %arg3[%swap3A_555, %swap3A_556] : memref<128x128xi32, #tpu.memory_space<vmem>>, vector<1x128xi32>
    tpu.vector_store %arg3[%swap3A_555, %swap3A_556], %concatenate3A_554 {strides = array<i32>} : memref<128x128xi32, #tpu.memory_space<vmem>>, vector<1x128xi32>,
    %slice3A_558 = vector.extract_strided_slice %bitcast_convert_type3A_515 {offsets = [14, 0], sizes = [1, 64], strides = [1, 1]} : vector<36x64xi32> to vector<1x64xi32>
    %slice3A_559 = vector.extract_strided_slice %bitcast_convert_type3A_515 {offsets = [15, 0], sizes = [1, 64], strides = [1, 1]} : vector<36x64xi32> to vector<1x64xi32>
    %concatenate3A_560 = tpu.concatenate %slice3A_558, %slice3A_559 in 1 : vector<1x64xi32>, vector<1x64xi32> -> vector<1x128xi32>
    %swap3A_561 = arith.constant 79 : index
    %swap3A_562 = arith.constant 0 : index
    %swap3A_563 = vector.load %arg3[%swap3A_561, %swap3A_562] : memref<128x128xi32, #tpu.memory_space<vmem>>, vector<1x128xi32>
    tpu.vector_store %arg3[%swap3A_561, %swap3A_562], %concatenate3A_560 {strides = array<i32>} : memref<128x128xi32, #tpu.memory_space<vmem>>, vector<1x128xi32>,
    %slice3A_564 = vector.extract_strided_slice %bitcast_convert_type3A_515 {offsets = [16, 0], sizes = [1, 64], strides = [1, 1]} : vector<36x64xi32> to vector<1x64xi32>
    %slice3A_565 = vector.extract_strided_slice %bitcast_convert_type3A_515 {offsets = [17, 0], sizes = [1, 64], strides = [1, 1]} : vector<36x64xi32> to vector<1x64xi32>
    %concatenate3A_566 = tpu.concatenate %slice3A_564, %slice3A_565 in 1 : vector<1x64xi32>, vector<1x64xi32> -> vector<1x128xi32>
    %swap3A_567 = arith.constant 80 : index
    %swap3A_568 = arith.constant 0 : index
    %swap3A_569 = vector.load %arg3[%swap3A_567, %swap3A_568] : memref<128x128xi32, #tpu.memory_space<vmem>>, vector<1x128xi32>
    tpu.vector_store %arg3[%swap3A_567, %swap3A_568], %concatenate3A_566 {strides = array<i32>} : memref<128x128xi32, #tpu.memory_space<vmem>>, vector<1x128xi32>,
    %slice3A_570 = vector.extract_strided_slice %bitcast_convert_type3A_515 {offsets = [18, 0], sizes = [1, 64], strides = [1, 1]} : vector<36x64xi32> to vector<1x64xi32>
    %slice3A_571 = vector.extract_strided_slice %bitcast_convert_type3A_515 {offsets = [19, 0], sizes = [1, 64], strides = [1, 1]} : vector<36x64xi32> to vector<1x64xi32>
    %concatenate3A_572 = tpu.concatenate %slice3A_570, %slice3A_571 in 1 : vector<1x64xi32>, vector<1x64xi32> -> vector<1x128xi32>
    %swap3A_573 = arith.constant 81 : index
    %swap3A_574 = arith.constant 0 : index
    %swap3A_575 = vector.load %arg3[%swap3A_573, %swap3A_574] : memref<128x128xi32, #tpu.memory_space<vmem>>, vector<1x128xi32>
    tpu.vector_store %arg3[%swap3A_573, %swap3A_574], %concatenate3A_572 {strides = array<i32>} : memref<128x128xi32, #tpu.memory_space<vmem>>, vector<1x128xi32>,
    %slice3A_576 = vector.extract_strided_slice %bitcast_convert_type3A_515 {offsets = [20, 0], sizes = [1, 64], strides = [1, 1]} : vector<36x64xi32> to vector<1x64xi32>
    %slice3A_577 = vector.extract_strided_slice %bitcast_convert_type3A_515 {offsets = [21, 0], sizes = [1, 64], strides = [1, 1]} : vector<36x64xi32> to vector<1x64xi32>
    %concatenate3A_578 = tpu.concatenate %slice3A_576, %slice3A_577 in 1 : vector<1x64xi32>, vector<1x64xi32> -> vector<1x128xi32>
    %swap3A_579 = arith.constant 82 : index
    %swap3A_580 = arith.constant 0 : index
    %swap3A_581 = vector.load %arg3[%swap3A_579, %swap3A_580] : memref<128x128xi32, #tpu.memory_space<vmem>>, vector<1x128xi32>
    tpu.vector_store %arg3[%swap3A_579, %swap3A_580], %concatenate3A_578 {strides = array<i32>} : memref<128x128xi32, #tpu.memory_space<vmem>>, vector<1x128xi32>,
    %slice3A_582 = vector.extract_strided_slice %bitcast_convert_type3A_515 {offsets = [22, 0], sizes = [1, 64], strides = [1, 1]} : vector<36x64xi32> to vector<1x64xi32>
    %slice3A_583 = vector.extract_strided_slice %bitcast_convert_type3A_515 {offsets = [23, 0], sizes = [1, 64], strides = [1, 1]} : vector<36x64xi32> to vector<1x64xi32>
    %concatenate3A_584 = tpu.concatenate %slice3A_582, %slice3A_583 in 1 : vector<1x64xi32>, vector<1x64xi32> -> vector<1x128xi32>
    %swap3A_585 = arith.constant 83 : index
    %swap3A_586 = arith.constant 0 : index
    %swap3A_587 = vector.load %arg3[%swap3A_585, %swap3A_586] : memref<128x128xi32, #tpu.memory_space<vmem>>, vector<1x128xi32>
    tpu.vector_store %arg3[%swap3A_585, %swap3A_586], %concatenate3A_584 {strides = array<i32>} : memref<128x128xi32, #tpu.memory_space<vmem>>, vector<1x128xi32>,
    %slice3A_588 = vector.extract_strided_slice %bitcast_convert_type3A_515 {offsets = [24, 0], sizes = [1, 64], strides = [1, 1]} : vector<36x64xi32> to vector<1x64xi32>
    %slice3A_589 = vector.extract_strided_slice %bitcast_convert_type3A_515 {offsets = [25, 0], sizes = [1, 64], strides = [1, 1]} : vector<36x64xi32> to vector<1x64xi32>
    %concatenate3A_590 = tpu.concatenate %slice3A_588, %slice3A_589 in 1 : vector<1x64xi32>, vector<1x64xi32> -> vector<1x128xi32>
    %swap3A_591 = arith.constant 84 : index
    %swap3A_592 = arith.constant 0 : index
    %swap3A_593 = vector.load %arg3[%swap3A_591, %swap3A_592] : memref<128x128xi32, #tpu.memory_space<vmem>>, vector<1x128xi32>
    tpu.vector_store %arg3[%swap3A_591, %swap3A_592], %concatenate3A_590 {strides = array<i32>} : memref<128x128xi32, #tpu.memory_space<vmem>>, vector<1x128xi32>,
    %slice3A_594 = vector.extract_strided_slice %bitcast_convert_type3A_515 {offsets = [26, 0], sizes = [1, 64], strides = [1, 1]} : vector<36x64xi32> to vector<1x64xi32>
    %slice3A_595 = vector.extract_strided_slice %bitcast_convert_type3A_515 {offsets = [27, 0], sizes = [1, 64], strides = [1, 1]} : vector<36x64xi32> to vector<1x64xi32>
    %concatenate3A_596 = tpu.concatenate %slice3A_594, %slice3A_595 in 1 : vector<1x64xi32>, vector<1x64xi32> -> vector<1x128xi32>
    %swap3A_597 = arith.constant 85 : index
    %swap3A_598 = arith.constant 0 : index
    %swap3A_599 = vector.load %arg3[%swap3A_597, %swap3A_598] : memref<128x128xi32, #tpu.memory_space<vmem>>, vector<1x128xi32>
    tpu.vector_store %arg3[%swap3A_597, %swap3A_598], %concatenate3A_596 {strides = array<i32>} : memref<128x128xi32, #tpu.memory_space<vmem>>, vector<1x128xi32>,
    %slice3A_600 = vector.extract_strided_slice %bitcast_convert_type3A_515 {offsets = [28, 0], sizes = [1, 64], strides = [1, 1]} : vector<36x64xi32> to vector<1x64xi32>
    %slice3A_601 = vector.extract_strided_slice %bitcast_convert_type3A_515 {offsets = [29, 0], sizes = [1, 64], strides = [1, 1]} : vector<36x64xi32> to vector<1x64xi32>
    %concatenate3A_602 = tpu.concatenate %slice3A_600, %slice3A_601 in 1 : vector<1x64xi32>, vector<1x64xi32> -> vector<1x128xi32>
    %swap3A_603 = arith.constant 86 : index
    %swap3A_604 = arith.constant 0 : index
    %swap3A_605 = vector.load %arg3[%swap3A_603, %swap3A_604] : memref<128x128xi32, #tpu.memory_space<vmem>>, vector<1x128xi32>
    tpu.vector_store %arg3[%swap3A_603, %swap3A_604], %concatenate3A_602 {strides = array<i32>} : memref<128x128xi32, #tpu.memory_space<vmem>>, vector<1x128xi32>,
    %slice3A_606 = vector.extract_strided_slice %bitcast_convert_type3A_515 {offsets = [30, 0], sizes = [1, 64], strides = [1, 1]} : vector<36x64xi32> to vector<1x64xi32>
    %slice3A_607 = vector.extract_strided_slice %bitcast_convert_type3A_515 {offsets = [31, 0], sizes = [1, 64], strides = [1, 1]} : vector<36x64xi32> to vector<1x64xi32>
    %concatenate3A_608 = tpu.concatenate %slice3A_606, %slice3A_607 in 1 : vector<1x64xi32>, vector<1x64xi32> -> vector<1x128xi32>
    %swap3A_609 = arith.constant 87 : index
    %swap3A_610 = arith.constant 0 : index
    %swap3A_611 = vector.load %arg3[%swap3A_609, %swap3A_610] : memref<128x128xi32, #tpu.memory_space<vmem>>, vector<1x128xi32>
    tpu.vector_store %arg3[%swap3A_609, %swap3A_610], %concatenate3A_608 {strides = array<i32>} : memref<128x128xi32, #tpu.memory_space<vmem>>, vector<1x128xi32>,
    %slice3A_612 = vector.extract_strided_slice %bitcast_convert_type3A_515 {offsets = [32, 0], sizes = [1, 64], strides = [1, 1]} : vector<36x64xi32> to vector<1x64xi32>
    %slice3A_613 = vector.extract_strided_slice %bitcast_convert_type3A_515 {offsets = [33, 0], sizes = [1, 64], strides = [1, 1]} : vector<36x64xi32> to vector<1x64xi32>
    %concatenate3A_614 = tpu.concatenate %slice3A_612, %slice3A_613 in 1 : vector<1x64xi32>, vector<1x64xi32> -> vector<1x128xi32>
    %swap3A_615 = arith.constant 88 : index
    %swap3A_616 = arith.constant 0 : index
    %swap3A_617 = vector.load %arg3[%swap3A_615, %swap3A_616] : memref<128x128xi32, #tpu.memory_space<vmem>>, vector<1x128xi32>
    tpu.vector_store %arg3[%swap3A_615, %swap3A_616], %concatenate3A_614 {strides = array<i32>} : memref<128x128xi32, #tpu.memory_space<vmem>>, vector<1x128xi32>,
    %slice3A_618 = vector.extract_strided_slice %bitcast_convert_type3A_515 {offsets = [34, 0], sizes = [1, 64], strides = [1, 1]} : vector<36x64xi32> to vector<1x64xi32>
    %slice3A_619 = vector.extract_strided_slice %bitcast_convert_type3A_515 {offsets = [35, 0], sizes = [1, 64], strides = [1, 1]} : vector<36x64xi32> to vector<1x64xi32>
    %concatenate3A_620 = tpu.concatenate %slice3A_618, %slice3A_619 in 1 : vector<1x64xi32>, vector<1x64xi32> -> vector<1x128xi32>
    %swap3A_621 = arith.constant 89 : index
    %swap3A_622 = arith.constant 0 : index
    %swap3A_623 = vector.load %arg3[%swap3A_621, %swap3A_622] : memref<128x128xi32, #tpu.memory_space<vmem>>, vector<1x128xi32>
    tpu.vector_store %arg3[%swap3A_621, %swap3A_622], %concatenate3A_620 {strides = array<i32>} : memref<128x128xi32, #tpu.memory_space<vmem>>, vector<1x128xi32>,
    %get3A_624 = arith.constant 160 : index
    %get3A_625 = arith.constant 0 : index
    %get3A_626 = vector.load %arg1[%get3A_624, %get3A_625] : memref<224x128xf32, #tpu.memory_space<vmem>>, vector<32x128xf32>
    %dot_general3A_627 = arith.constant dense<0.000000e+00> : vector<36x128xf32>
    %dot_general3A_628 = tpu.matmul %get3A_1, %get3A_626, %dot_general3A_627 {dimension_numbers = #tpu.dot_dimension_numbers<[1], [0], [0], [1], [0, 0, 1, 1], [], []>, transpose_lhs_hint = false} : vector<36x32xf32>, vector<32x128xf32>, vector<36x128xf32> -> vector<36x128xf32>
    %slice3A_629 = vector.extract_strided_slice %dot_general3A_628 {offsets = [0, 0], sizes = [36, 64], strides = [1, 1]} : vector<36x128xf32> to vector<36x64xf32>
    %convert_element_type3A_630 = arith.truncf %slice3A_629 : vector<36x64xf32> to vector<36x64xbf16>
    %bitcast_convert_type3A_631 = tpu.bitcast %convert_element_type3A_630 : vector<36x64xbf16> -> vector<36x64xi16>
    %convert_element_type3A_632 = arith.extui %bitcast_convert_type3A_631 : vector<36x64xi16> to vector<36x64xi32>
    %slice3A_633 = vector.extract_strided_slice %dot_general3A_628 {offsets = [0, 64], sizes = [36, 64], strides = [1, 1]} : vector<36x128xf32> to vector<36x64xf32>
    %convert_element_type3A_634 = arith.truncf %slice3A_633 : vector<36x64xf32> to vector<36x64xbf16>
    %bitcast_convert_type3A_635 = tpu.bitcast %convert_element_type3A_634 : vector<36x64xbf16> -> vector<36x64xi16>
    %convert_element_type3A_636 = arith.extui %bitcast_convert_type3A_635 : vector<36x64xi16> to vector<36x64xi32>
    %shift_left3A_637 = arith.constant 16 : i32
    %shift_left3A_638 = vector.broadcast %shift_left3A_637 : i32 to vector<36x64xi32>
    %shift_left3A_639 = arith.shli %convert_element_type3A_636, %shift_left3A_638 : vector<36x64xi32>
    %or3A_640 = arith.ori %convert_element_type3A_632, %shift_left3A_639 : vector<36x64xi32>
    %bitcast_convert_type3A_641 = tpu.bitcast %or3A_640 : vector<36x64xi32> -> vector<36x64xi32>
    %slice3A_642 = vector.extract_strided_slice %bitcast_convert_type3A_641 {offsets = [0, 0], sizes = [1, 64], strides = [1, 1]} : vector<36x64xi32> to vector<1x64xi32>
    %slice3A_643 = vector.extract_strided_slice %bitcast_convert_type3A_641 {offsets = [1, 0], sizes = [1, 64], strides = [1, 1]} : vector<36x64xi32> to vector<1x64xi32>
    %concatenate3A_644 = tpu.concatenate %slice3A_642, %slice3A_643 in 1 : vector<1x64xi32>, vector<1x64xi32> -> vector<1x128xi32>
    %swap3A_645 = arith.constant 90 : index
    %swap3A_646 = arith.constant 0 : index
    %swap3A_647 = vector.load %arg3[%swap3A_645, %swap3A_646] : memref<128x128xi32, #tpu.memory_space<vmem>>, vector<1x128xi32>
    tpu.vector_store %arg3[%swap3A_645, %swap3A_646], %concatenate3A_644 {strides = array<i32>} : memref<128x128xi32, #tpu.memory_space<vmem>>, vector<1x128xi32>,
    %slice3A_648 = vector.extract_strided_slice %bitcast_convert_type3A_641 {offsets = [2, 0], sizes = [1, 64], strides = [1, 1]} : vector<36x64xi32> to vector<1x64xi32>
    %slice3A_649 = vector.extract_strided_slice %bitcast_convert_type3A_641 {offsets = [3, 0], sizes = [1, 64], strides = [1, 1]} : vector<36x64xi32> to vector<1x64xi32>
    %concatenate3A_650 = tpu.concatenate %slice3A_648, %slice3A_649 in 1 : vector<1x64xi32>, vector<1x64xi32> -> vector<1x128xi32>
    %swap3A_651 = arith.constant 91 : index
    %swap3A_652 = arith.constant 0 : index
    %swap3A_653 = vector.load %arg3[%swap3A_651, %swap3A_652] : memref<128x128xi32, #tpu.memory_space<vmem>>, vector<1x128xi32>
    tpu.vector_store %arg3[%swap3A_651, %swap3A_652], %concatenate3A_650 {strides = array<i32>} : memref<128x128xi32, #tpu.memory_space<vmem>>, vector<1x128xi32>,
    %slice3A_654 = vector.extract_strided_slice %bitcast_convert_type3A_641 {offsets = [4, 0], sizes = [1, 64], strides = [1, 1]} : vector<36x64xi32> to vector<1x64xi32>
    %slice3A_655 = vector.extract_strided_slice %bitcast_convert_type3A_641 {offsets = [5, 0], sizes = [1, 64], strides = [1, 1]} : vector<36x64xi32> to vector<1x64xi32>
    %concatenate3A_656 = tpu.concatenate %slice3A_654, %slice3A_655 in 1 : vector<1x64xi32>, vector<1x64xi32> -> vector<1x128xi32>
    %swap3A_657 = arith.constant 92 : index
    %swap3A_658 = arith.constant 0 : index
    %swap3A_659 = vector.load %arg3[%swap3A_657, %swap3A_658] : memref<128x128xi32, #tpu.memory_space<vmem>>, vector<1x128xi32>
    tpu.vector_store %arg3[%swap3A_657, %swap3A_658], %concatenate3A_656 {strides = array<i32>} : memref<128x128xi32, #tpu.memory_space<vmem>>, vector<1x128xi32>,
    %slice3A_660 = vector.extract_strided_slice %bitcast_convert_type3A_641 {offsets = [6, 0], sizes = [1, 64], strides = [1, 1]} : vector<36x64xi32> to vector<1x64xi32>
    %slice3A_661 = vector.extract_strided_slice %bitcast_convert_type3A_641 {offsets = [7, 0], sizes = [1, 64], strides = [1, 1]} : vector<36x64xi32> to vector<1x64xi32>
    %concatenate3A_662 = tpu.concatenate %slice3A_660, %slice3A_661 in 1 : vector<1x64xi32>, vector<1x64xi32> -> vector<1x128xi32>
    %swap3A_663 = arith.constant 93 : index
    %swap3A_664 = arith.constant 0 : index
    %swap3A_665 = vector.load %arg3[%swap3A_663, %swap3A_664] : memref<128x128xi32, #tpu.memory_space<vmem>>, vector<1x128xi32>
    tpu.vector_store %arg3[%swap3A_663, %swap3A_664], %concatenate3A_662 {strides = array<i32>} : memref<128x128xi32, #tpu.memory_space<vmem>>, vector<1x128xi32>,
    %slice3A_666 = vector.extract_strided_slice %bitcast_convert_type3A_641 {offsets = [8, 0], sizes = [1, 64], strides = [1, 1]} : vector<36x64xi32> to vector<1x64xi32>
    %slice3A_667 = vector.extract_strided_slice %bitcast_convert_type3A_641 {offsets = [9, 0], sizes = [1, 64], strides = [1, 1]} : vector<36x64xi32> to vector<1x64xi32>
    %concatenate3A_668 = tpu.concatenate %slice3A_666, %slice3A_667 in 1 : vector<1x64xi32>, vector<1x64xi32> -> vector<1x128xi32>
    %swap3A_669 = arith.constant 94 : index
    %swap3A_670 = arith.constant 0 : index
    %swap3A_671 = vector.load %arg3[%swap3A_669, %swap3A_670] : memref<128x128xi32, #tpu.memory_space<vmem>>, vector<1x128xi32>
    tpu.vector_store %arg3[%swap3A_669, %swap3A_670], %concatenate3A_668 {strides = array<i32>} : memref<128x128xi32, #tpu.memory_space<vmem>>, vector<1x128xi32>,
    %slice3A_672 = vector.extract_strided_slice %bitcast_convert_type3A_641 {offsets = [10, 0], sizes = [1, 64], strides = [1, 1]} : vector<36x64xi32> to vector<1x64xi32>
    %slice3A_673 = vector.extract_strided_slice %bitcast_convert_type3A_641 {offsets = [11, 0], sizes = [1, 64], strides = [1, 1]} : vector<36x64xi32> to vector<1x64xi32>
    %concatenate3A_674 = tpu.concatenate %slice3A_672, %slice3A_673 in 1 : vector<1x64xi32>, vector<1x64xi32> -> vector<1x128xi32>
    %swap3A_675 = arith.constant 95 : index
    %swap3A_676 = arith.constant 0 : index
    %swap3A_677 = vector.load %arg3[%swap3A_675, %swap3A_676] : memref<128x128xi32, #tpu.memory_space<vmem>>, vector<1x128xi32>
    tpu.vector_store %arg3[%swap3A_675, %swap3A_676], %concatenate3A_674 {strides = array<i32>} : memref<128x128xi32, #tpu.memory_space<vmem>>, vector<1x128xi32>,
    %slice3A_678 = vector.extract_strided_slice %bitcast_convert_type3A_641 {offsets = [12, 0], sizes = [1, 64], strides = [1, 1]} : vector<36x64xi32> to vector<1x64xi32>
    %slice3A_679 = vector.extract_strided_slice %bitcast_convert_type3A_641 {offsets = [13, 0], sizes = [1, 64], strides = [1, 1]} : vector<36x64xi32> to vector<1x64xi32>
    %concatenate3A_680 = tpu.concatenate %slice3A_678, %slice3A_679 in 1 : vector<1x64xi32>, vector<1x64xi32> -> vector<1x128xi32>
    %swap3A_681 = arith.constant 96 : index
    %swap3A_682 = arith.constant 0 : index
    %swap3A_683 = vector.load %arg3[%swap3A_681, %swap3A_682] : memref<128x128xi32, #tpu.memory_space<vmem>>, vector<1x128xi32>
    tpu.vector_store %arg3[%swap3A_681, %swap3A_682], %concatenate3A_680 {strides = array<i32>} : memref<128x128xi32, #tpu.memory_space<vmem>>, vector<1x128xi32>,
    %slice3A_684 = vector.extract_strided_slice %bitcast_convert_type3A_641 {offsets = [14, 0], sizes = [1, 64], strides = [1, 1]} : vector<36x64xi32> to vector<1x64xi32>
    %slice3A_685 = vector.extract_strided_slice %bitcast_convert_type3A_641 {offsets = [15, 0], sizes = [1, 64], strides = [1, 1]} : vector<36x64xi32> to vector<1x64xi32>
    %concatenate3A_686 = tpu.concatenate %slice3A_684, %slice3A_685 in 1 : vector<1x64xi32>, vector<1x64xi32> -> vector<1x128xi32>
    %swap3A_687 = arith.constant 97 : index
    %swap3A_688 = arith.constant 0 : index
    %swap3A_689 = vector.load %arg3[%swap3A_687, %swap3A_688] : memref<128x128xi32, #tpu.memory_space<vmem>>, vector<1x128xi32>
    tpu.vector_store %arg3[%swap3A_687, %swap3A_688], %concatenate3A_686 {strides = array<i32>} : memref<128x128xi32, #tpu.memory_space<vmem>>, vector<1x128xi32>,
    %slice3A_690 = vector.extract_strided_slice %bitcast_convert_type3A_641 {offsets = [16, 0], sizes = [1, 64], strides = [1, 1]} : vector<36x64xi32> to vector<1x64xi32>
    %slice3A_691 = vector.extract_strided_slice %bitcast_convert_type3A_641 {offsets = [17, 0], sizes = [1, 64], strides = [1, 1]} : vector<36x64xi32> to vector<1x64xi32>
    %concatenate3A_692 = tpu.concatenate %slice3A_690, %slice3A_691 in 1 : vector<1x64xi32>, vector<1x64xi32> -> vector<1x128xi32>
    %swap3A_693 = arith.constant 98 : index
    %swap3A_694 = arith.constant 0 : index
    %swap3A_695 = vector.load %arg3[%swap3A_693, %swap3A_694] : memref<128x128xi32, #tpu.memory_space<vmem>>, vector<1x128xi32>
    tpu.vector_store %arg3[%swap3A_693, %swap3A_694], %concatenate3A_692 {strides = array<i32>} : memref<128x128xi32, #tpu.memory_space<vmem>>, vector<1x128xi32>,
    %slice3A_696 = vector.extract_strided_slice %bitcast_convert_type3A_641 {offsets = [18, 0], sizes = [1, 64], strides = [1, 1]} : vector<36x64xi32> to vector<1x64xi32>
    %slice3A_697 = vector.extract_strided_slice %bitcast_convert_type3A_641 {offsets = [19, 0], sizes = [1, 64], strides = [1, 1]} : vector<36x64xi32> to vector<1x64xi32>
    %concatenate3A_698 = tpu.concatenate %slice3A_696, %slice3A_697 in 1 : vector<1x64xi32>, vector<1x64xi32> -> vector<1x128xi32>
    %swap3A_699 = arith.constant 99 : index
    %swap3A_700 = arith.constant 0 : index
    %swap3A_701 = vector.load %arg3[%swap3A_699, %swap3A_700] : memref<128x128xi32, #tpu.memory_space<vmem>>, vector<1x128xi32>
    tpu.vector_store %arg3[%swap3A_699, %swap3A_700], %concatenate3A_698 {strides = array<i32>} : memref<128x128xi32, #tpu.memory_space<vmem>>, vector<1x128xi32>,
    %slice3A_702 = vector.extract_strided_slice %bitcast_convert_type3A_641 {offsets = [20, 0], sizes = [1, 64], strides = [1, 1]} : vector<36x64xi32> to vector<1x64xi32>
    %slice3A_703 = vector.extract_strided_slice %bitcast_convert_type3A_641 {offsets = [21, 0], sizes = [1, 64], strides = [1, 1]} : vector<36x64xi32> to vector<1x64xi32>
    %concatenate3A_704 = tpu.concatenate %slice3A_702, %slice3A_703 in 1 : vector<1x64xi32>, vector<1x64xi32> -> vector<1x128xi32>
    %swap3A_705 = arith.constant 100 : index
    %swap3A_706 = arith.constant 0 : index
    %swap3A_707 = vector.load %arg3[%swap3A_705, %swap3A_706] : memref<128x128xi32, #tpu.memory_space<vmem>>, vector<1x128xi32>
    tpu.vector_store %arg3[%swap3A_705, %swap3A_706], %concatenate3A_704 {strides = array<i32>} : memref<128x128xi32, #tpu.memory_space<vmem>>, vector<1x128xi32>,
    %slice3A_708 = vector.extract_strided_slice %bitcast_convert_type3A_641 {offsets = [22, 0], sizes = [1, 64], strides = [1, 1]} : vector<36x64xi32> to vector<1x64xi32>
    %slice3A_709 = vector.extract_strided_slice %bitcast_convert_type3A_641 {offsets = [23, 0], sizes = [1, 64], strides = [1, 1]} : vector<36x64xi32> to vector<1x64xi32>
    %concatenate3A_710 = tpu.concatenate %slice3A_708, %slice3A_709 in 1 : vector<1x64xi32>, vector<1x64xi32> -> vector<1x128xi32>
    %swap3A_711 = arith.constant 101 : index
    %swap3A_712 = arith.constant 0 : index
    %swap3A_713 = vector.load %arg3[%swap3A_711, %swap3A_712] : memref<128x128xi32, #tpu.memory_space<vmem>>, vector<1x128xi32>
    tpu.vector_store %arg3[%swap3A_711, %swap3A_712], %concatenate3A_710 {strides = array<i32>} : memref<128x128xi32, #tpu.memory_space<vmem>>, vector<1x128xi32>,
    %slice3A_714 = vector.extract_strided_slice %bitcast_convert_type3A_641 {offsets = [24, 0], sizes = [1, 64], strides = [1, 1]} : vector<36x64xi32> to vector<1x64xi32>
    %slice3A_715 = vector.extract_strided_slice %bitcast_convert_type3A_641 {offsets = [25, 0], sizes = [1, 64], strides = [1, 1]} : vector<36x64xi32> to vector<1x64xi32>
    %concatenate3A_716 = tpu.concatenate %slice3A_714, %slice3A_715 in 1 : vector<1x64xi32>, vector<1x64xi32> -> vector<1x128xi32>
    %swap3A_717 = arith.constant 102 : index
    %swap3A_718 = arith.constant 0 : index
    %swap3A_719 = vector.load %arg3[%swap3A_717, %swap3A_718] : memref<128x128xi32, #tpu.memory_space<vmem>>, vector<1x128xi32>
    tpu.vector_store %arg3[%swap3A_717, %swap3A_718], %concatenate3A_716 {strides = array<i32>} : memref<128x128xi32, #tpu.memory_space<vmem>>, vector<1x128xi32>,
    %slice3A_720 = vector.extract_strided_slice %bitcast_convert_type3A_641 {offsets = [26, 0], sizes = [1, 64], strides = [1, 1]} : vector<36x64xi32> to vector<1x64xi32>
    %slice3A_721 = vector.extract_strided_slice %bitcast_convert_type3A_641 {offsets = [27, 0], sizes = [1, 64], strides = [1, 1]} : vector<36x64xi32> to vector<1x64xi32>
    %concatenate3A_722 = tpu.concatenate %slice3A_720, %slice3A_721 in 1 : vector<1x64xi32>, vector<1x64xi32> -> vector<1x128xi32>
    %swap3A_723 = arith.constant 103 : index
    %swap3A_724 = arith.constant 0 : index
    %swap3A_725 = vector.load %arg3[%swap3A_723, %swap3A_724] : memref<128x128xi32, #tpu.memory_space<vmem>>, vector<1x128xi32>
    tpu.vector_store %arg3[%swap3A_723, %swap3A_724], %concatenate3A_722 {strides = array<i32>} : memref<128x128xi32, #tpu.memory_space<vmem>>, vector<1x128xi32>,
    %slice3A_726 = vector.extract_strided_slice %bitcast_convert_type3A_641 {offsets = [28, 0], sizes = [1, 64], strides = [1, 1]} : vector<36x64xi32> to vector<1x64xi32>
    %slice3A_727 = vector.extract_strided_slice %bitcast_convert_type3A_641 {offsets = [29, 0], sizes = [1, 64], strides = [1, 1]} : vector<36x64xi32> to vector<1x64xi32>
    %concatenate3A_728 = tpu.concatenate %slice3A_726, %slice3A_727 in 1 : vector<1x64xi32>, vector<1x64xi32> -> vector<1x128xi32>
    %swap3A_729 = arith.constant 104 : index
    %swap3A_730 = arith.constant 0 : index
    %swap3A_731 = vector.load %arg3[%swap3A_729, %swap3A_730] : memref<128x128xi32, #tpu.memory_space<vmem>>, vector<1x128xi32>
    tpu.vector_store %arg3[%swap3A_729, %swap3A_730], %concatenate3A_728 {strides = array<i32>} : memref<128x128xi32, #tpu.memory_space<vmem>>, vector<1x128xi32>,
    %slice3A_732 = vector.extract_strided_slice %bitcast_convert_type3A_641 {offsets = [30, 0], sizes = [1, 64], strides = [1, 1]} : vector<36x64xi32> to vector<1x64xi32>
    %slice3A_733 = vector.extract_strided_slice %bitcast_convert_type3A_641 {offsets = [31, 0], sizes = [1, 64], strides = [1, 1]} : vector<36x64xi32> to vector<1x64xi32>
    %concatenate3A_734 = tpu.concatenate %slice3A_732, %slice3A_733 in 1 : vector<1x64xi32>, vector<1x64xi32> -> vector<1x128xi32>
    %swap3A_735 = arith.constant 105 : index
    %swap3A_736 = arith.constant 0 : index
    %swap3A_737 = vector.load %arg3[%swap3A_735, %swap3A_736] : memref<128x128xi32, #tpu.memory_space<vmem>>, vector<1x128xi32>
    tpu.vector_store %arg3[%swap3A_735, %swap3A_736], %concatenate3A_734 {strides = array<i32>} : memref<128x128xi32, #tpu.memory_space<vmem>>, vector<1x128xi32>,
    %slice3A_738 = vector.extract_strided_slice %bitcast_convert_type3A_641 {offsets = [32, 0], sizes = [1, 64], strides = [1, 1]} : vector<36x64xi32> to vector<1x64xi32>
    %slice3A_739 = vector.extract_strided_slice %bitcast_convert_type3A_641 {offsets = [33, 0], sizes = [1, 64], strides = [1, 1]} : vector<36x64xi32> to vector<1x64xi32>
    %concatenate3A_740 = tpu.concatenate %slice3A_738, %slice3A_739 in 1 : vector<1x64xi32>, vector<1x64xi32> -> vector<1x128xi32>
    %swap3A_741 = arith.constant 106 : index
    %swap3A_742 = arith.constant 0 : index
    %swap3A_743 = vector.load %arg3[%swap3A_741, %swap3A_742] : memref<128x128xi32, #tpu.memory_space<vmem>>, vector<1x128xi32>
    tpu.vector_store %arg3[%swap3A_741, %swap3A_742], %concatenate3A_740 {strides = array<i32>} : memref<128x128xi32, #tpu.memory_space<vmem>>, vector<1x128xi32>,
    %slice3A_744 = vector.extract_strided_slice %bitcast_convert_type3A_641 {offsets = [34, 0], sizes = [1, 64], strides = [1, 1]} : vector<36x64xi32> to vector<1x64xi32>
    %slice3A_745 = vector.extract_strided_slice %bitcast_convert_type3A_641 {offsets = [35, 0], sizes = [1, 64], strides = [1, 1]} : vector<36x64xi32> to vector<1x64xi32>
    %concatenate3A_746 = tpu.concatenate %slice3A_744, %slice3A_745 in 1 : vector<1x64xi32>, vector<1x64xi32> -> vector<1x128xi32>
    %swap3A_747 = arith.constant 107 : index
    %swap3A_748 = arith.constant 0 : index
    %swap3A_749 = vector.load %arg3[%swap3A_747, %swap3A_748] : memref<128x128xi32, #tpu.memory_space<vmem>>, vector<1x128xi32>
    tpu.vector_store %arg3[%swap3A_747, %swap3A_748], %concatenate3A_746 {strides = array<i32>} : memref<128x128xi32, #tpu.memory_space<vmem>>, vector<1x128xi32>,
    %get3A_750 = arith.constant 192 : index
    %get3A_751 = arith.constant 0 : index
    %get3A_752 = vector.load %arg1[%get3A_750, %get3A_751] : memref<224x128xf32, #tpu.memory_space<vmem>>, vector<32x128xf32>
    %dot_general3A_753 = arith.constant dense<0.000000e+00> : vector<36x128xf32>
    %dot_general3A_754 = tpu.matmul %get3A_1, %get3A_752, %dot_general3A_753 {dimension_numbers = #tpu.dot_dimension_numbers<[1], [0], [0], [1], [0, 0, 1, 1], [], []>, transpose_lhs_hint = false} : vector<36x32xf32>, vector<32x128xf32>, vector<36x128xf32> -> vector<36x128xf32>
    %get3A_755 = arith.constant 0 : index
    %get3A_756 = arith.constant 0 : index
    %get3A_757 = vector.load %arg2[%get3A_755, %get3A_756] : memref<1x128xf32, #tpu.memory_space<vmem>>, vector<1x128xf32>
    %add3A = vector.broadcast %get3A_757 : vector<1x128xf32> to vector<36x128xf32>
    %add3A_758 = arith.addf %dot_general3A_754, %add3A : vector<36x128xf32>
    %slice3A_759 = vector.extract_strided_slice %add3A_758 {offsets = [0, 0], sizes = [36, 64], strides = [1, 1]} : vector<36x128xf32> to vector<36x64xf32>
    %convert_element_type3A_760 = arith.truncf %slice3A_759 : vector<36x64xf32> to vector<36x64xbf16>
    %bitcast_convert_type3A_761 = tpu.bitcast %convert_element_type3A_760 : vector<36x64xbf16> -> vector<36x64xi16>
    %convert_element_type3A_762 = arith.extui %bitcast_convert_type3A_761 : vector<36x64xi16> to vector<36x64xi32>
    %slice3A_763 = vector.extract_strided_slice %add3A_758 {offsets = [0, 64], sizes = [36, 64], strides = [1, 1]} : vector<36x128xf32> to vector<36x64xf32>
    %convert_element_type3A_764 = arith.truncf %slice3A_763 : vector<36x64xf32> to vector<36x64xbf16>
    %bitcast_convert_type3A_765 = tpu.bitcast %convert_element_type3A_764 : vector<36x64xbf16> -> vector<36x64xi16>
    %convert_element_type3A_766 = arith.extui %bitcast_convert_type3A_765 : vector<36x64xi16> to vector<36x64xi32>
    %shift_left3A_767 = arith.constant 16 : i32
    %shift_left3A_768 = vector.broadcast %shift_left3A_767 : i32 to vector<36x64xi32>
    %shift_left3A_769 = arith.shli %convert_element_type3A_766, %shift_left3A_768 : vector<36x64xi32>
    %or3A_770 = arith.ori %convert_element_type3A_762, %shift_left3A_769 : vector<36x64xi32>
    %bitcast_convert_type3A_771 = tpu.bitcast %or3A_770 : vector<36x64xi32> -> vector<36x64xi32>
    %slice3A_772 = vector.extract_strided_slice %bitcast_convert_type3A_771 {offsets = [0, 0], sizes = [1, 64], strides = [1, 1]} : vector<36x64xi32> to vector<1x64xi32>
    %slice3A_773 = vector.extract_strided_slice %bitcast_convert_type3A_771 {offsets = [1, 0], sizes = [1, 64], strides = [1, 1]} : vector<36x64xi32> to vector<1x64xi32>
    %concatenate3A_774 = tpu.concatenate %slice3A_772, %slice3A_773 in 1 : vector<1x64xi32>, vector<1x64xi32> -> vector<1x128xi32>
    %swap3A_775 = arith.constant 108 : index
    %swap3A_776 = arith.constant 0 : index
    %swap3A_777 = vector.load %arg3[%swap3A_775, %swap3A_776] : memref<128x128xi32, #tpu.memory_space<vmem>>, vector<1x128xi32>
    tpu.vector_store %arg3[%swap3A_775, %swap3A_776], %concatenate3A_774 {strides = array<i32>} : memref<128x128xi32, #tpu.memory_space<vmem>>, vector<1x128xi32>,
    %slice3A_778 = vector.extract_strided_slice %bitcast_convert_type3A_771 {offsets = [2, 0], sizes = [1, 64], strides = [1, 1]} : vector<36x64xi32> to vector<1x64xi32>
    %slice3A_779 = vector.extract_strided_slice %bitcast_convert_type3A_771 {offsets = [3, 0], sizes = [1, 64], strides = [1, 1]} : vector<36x64xi32> to vector<1x64xi32>
    %concatenate3A_780 = tpu.concatenate %slice3A_778, %slice3A_779 in 1 : vector<1x64xi32>, vector<1x64xi32> -> vector<1x128xi32>
    %swap3A_781 = arith.constant 109 : index
    %swap3A_782 = arith.constant 0 : index
    %swap3A_783 = vector.load %arg3[%swap3A_781, %swap3A_782] : memref<128x128xi32, #tpu.memory_space<vmem>>, vector<1x128xi32>
    tpu.vector_store %arg3[%swap3A_781, %swap3A_782], %concatenate3A_780 {strides = array<i32>} : memref<128x128xi32, #tpu.memory_space<vmem>>, vector<1x128xi32>,
    %slice3A_784 = vector.extract_strided_slice %bitcast_convert_type3A_771 {offsets = [4, 0], sizes = [1, 64], strides = [1, 1]} : vector<36x64xi32> to vector<1x64xi32>
    %slice3A_785 = vector.extract_strided_slice %bitcast_convert_type3A_771 {offsets = [5, 0], sizes = [1, 64], strides = [1, 1]} : vector<36x64xi32> to vector<1x64xi32>
    %concatenate3A_786 = tpu.concatenate %slice3A_784, %slice3A_785 in 1 : vector<1x64xi32>, vector<1x64xi32> -> vector<1x128xi32>
    %swap3A_787 = arith.constant 110 : index
    %swap3A_788 = arith.constant 0 : index
    %swap3A_789 = vector.load %arg3[%swap3A_787, %swap3A_788] : memref<128x128xi32, #tpu.memory_space<vmem>>, vector<1x128xi32>
    tpu.vector_store %arg3[%swap3A_787, %swap3A_788], %concatenate3A_786 {strides = array<i32>} : memref<128x128xi32, #tpu.memory_space<vmem>>, vector<1x128xi32>,
    %slice3A_790 = vector.extract_strided_slice %bitcast_convert_type3A_771 {offsets = [6, 0], sizes = [1, 64], strides = [1, 1]} : vector<36x64xi32> to vector<1x64xi32>
    %slice3A_791 = vector.extract_strided_slice %bitcast_convert_type3A_771 {offsets = [7, 0], sizes = [1, 64], strides = [1, 1]} : vector<36x64xi32> to vector<1x64xi32>
    %concatenate3A_792 = tpu.concatenate %slice3A_790, %slice3A_791 in 1 : vector<1x64xi32>, vector<1x64xi32> -> vector<1x128xi32>
    %swap3A_793 = arith.constant 111 : index
    %swap3A_794 = arith.constant 0 : index
    %swap3A_795 = vector.load %arg3[%swap3A_793, %swap3A_794] : memref<128x128xi32, #tpu.memory_space<vmem>>, vector<1x128xi32>
    tpu.vector_store %arg3[%swap3A_793, %swap3A_794], %concatenate3A_792 {strides = array<i32>} : memref<128x128xi32, #tpu.memory_space<vmem>>, vector<1x128xi32>,
    %slice3A_796 = vector.extract_strided_slice %bitcast_convert_type3A_771 {offsets = [8, 0], sizes = [1, 64], strides = [1, 1]} : vector<36x64xi32> to vector<1x64xi32>
    %slice3A_797 = vector.extract_strided_slice %bitcast_convert_type3A_771 {offsets = [9, 0], sizes = [1, 64], strides = [1, 1]} : vector<36x64xi32> to vector<1x64xi32>
    %concatenate3A_798 = tpu.concatenate %slice3A_796, %slice3A_797 in 1 : vector<1x64xi32>, vector<1x64xi32> -> vector<1x128xi32>
    %swap3A_799 = arith.constant 112 : index
    %swap3A_800 = arith.constant 0 : index
    %swap3A_801 = vector.load %arg3[%swap3A_799, %swap3A_800] : memref<128x128xi32, #tpu.memory_space<vmem>>, vector<1x128xi32>
    tpu.vector_store %arg3[%swap3A_799, %swap3A_800], %concatenate3A_798 {strides = array<i32>} : memref<128x128xi32, #tpu.memory_space<vmem>>, vector<1x128xi32>,
    %slice3A_802 = vector.extract_strided_slice %bitcast_convert_type3A_771 {offsets = [10, 0], sizes = [1, 64], strides = [1, 1]} : vector<36x64xi32> to vector<1x64xi32>
    %slice3A_803 = vector.extract_strided_slice %bitcast_convert_type3A_771 {offsets = [11, 0], sizes = [1, 64], strides = [1, 1]} : vector<36x64xi32> to vector<1x64xi32>
    %concatenate3A_804 = tpu.concatenate %slice3A_802, %slice3A_803 in 1 : vector<1x64xi32>, vector<1x64xi32> -> vector<1x128xi32>
    %swap3A_805 = arith.constant 113 : index
    %swap3A_806 = arith.constant 0 : index
    %swap3A_807 = vector.load %arg3[%swap3A_805, %swap3A_806] : memref<128x128xi32, #tpu.memory_space<vmem>>, vector<1x128xi32>
    tpu.vector_store %arg3[%swap3A_805, %swap3A_806], %concatenate3A_804 {strides = array<i32>} : memref<128x128xi32, #tpu.memory_space<vmem>>, vector<1x128xi32>,
    %slice3A_808 = vector.extract_strided_slice %bitcast_convert_type3A_771 {offsets = [12, 0], sizes = [1, 64], strides = [1, 1]} : vector<36x64xi32> to vector<1x64xi32>
    %slice3A_809 = vector.extract_strided_slice %bitcast_convert_type3A_771 {offsets = [13, 0], sizes = [1, 64], strides = [1, 1]} : vector<36x64xi32> to vector<1x64xi32>
    %concatenate3A_810 = tpu.concatenate %slice3A_808, %slice3A_809 in 1 : vector<1x64xi32>, vector<1x64xi32> -> vector<1x128xi32>
    %swap3A_811 = arith.constant 114 : index
    %swap3A_812 = arith.constant 0 : index
    %swap3A_813 = vector.load %arg3[%swap3A_811, %swap3A_812] : memref<128x128xi32, #tpu.memory_space<vmem>>, vector<1x128xi32>
    tpu.vector_store %arg3[%swap3A_811, %swap3A_812], %concatenate3A_810 {strides = array<i32>} : memref<128x128xi32, #tpu.memory_space<vmem>>, vector<1x128xi32>,
    %slice3A_814 = vector.extract_strided_slice %bitcast_convert_type3A_771 {offsets = [14, 0], sizes = [1, 64], strides = [1, 1]} : vector<36x64xi32> to vector<1x64xi32>
    %slice3A_815 = vector.extract_strided_slice %bitcast_convert_type3A_771 {offsets = [15, 0], sizes = [1, 64], strides = [1, 1]} : vector<36x64xi32> to vector<1x64xi32>
    %concatenate3A_816 = tpu.concatenate %slice3A_814, %slice3A_815 in 1 : vector<1x64xi32>, vector<1x64xi32> -> vector<1x128xi32>
    %swap3A_817 = arith.constant 115 : index
    %swap3A_818 = arith.constant 0 : index
    %swap3A_819 = vector.load %arg3[%swap3A_817, %swap3A_818] : memref<128x128xi32, #tpu.memory_space<vmem>>, vector<1x128xi32>
    tpu.vector_store %arg3[%swap3A_817, %swap3A_818], %concatenate3A_816 {strides = array<i32>} : memref<128x128xi32, #tpu.memory_space<vmem>>, vector<1x128xi32>,
    %slice3A_820 = vector.extract_strided_slice %bitcast_convert_type3A_771 {offsets = [16, 0], sizes = [1, 64], strides = [1, 1]} : vector<36x64xi32> to vector<1x64xi32>
    %slice3A_821 = vector.extract_strided_slice %bitcast_convert_type3A_771 {offsets = [17, 0], sizes = [1, 64], strides = [1, 1]} : vector<36x64xi32> to vector<1x64xi32>
    %concatenate3A_822 = tpu.concatenate %slice3A_820, %slice3A_821 in 1 : vector<1x64xi32>, vector<1x64xi32> -> vector<1x128xi32>
    %swap3A_823 = arith.constant 116 : index
    %swap3A_824 = arith.constant 0 : index
    %swap3A_825 = vector.load %arg3[%swap3A_823, %swap3A_824] : memref<128x128xi32, #tpu.memory_space<vmem>>, vector<1x128xi32>
    tpu.vector_store %arg3[%swap3A_823, %swap3A_824], %concatenate3A_822 {strides = array<i32>} : memref<128x128xi32, #tpu.memory_space<vmem>>, vector<1x128xi32>,
    %slice3A_826 = vector.extract_strided_slice %bitcast_convert_type3A_771 {offsets = [18, 0], sizes = [1, 64], strides = [1, 1]} : vector<36x64xi32> to vector<1x64xi32>
    %slice3A_827 = vector.extract_strided_slice %bitcast_convert_type3A_771 {offsets = [19, 0], sizes = [1, 64], strides = [1, 1]} : vector<36x64xi32> to vector<1x64xi32>
    %concatenate3A_828 = tpu.concatenate %slice3A_826, %slice3A_827 in 1 : vector<1x64xi32>, vector<1x64xi32> -> vector<1x128xi32>
    %swap3A_829 = arith.constant 117 : index
    %swap3A_830 = arith.constant 0 : index
    %swap3A_831 = vector.load %arg3[%swap3A_829, %swap3A_830] : memref<128x128xi32, #tpu.memory_space<vmem>>, vector<1x128xi32>
    tpu.vector_store %arg3[%swap3A_829, %swap3A_830], %concatenate3A_828 {strides = array<i32>} : memref<128x128xi32, #tpu.memory_space<vmem>>, vector<1x128xi32>,
    %slice3A_832 = vector.extract_strided_slice %bitcast_convert_type3A_771 {offsets = [20, 0], sizes = [1, 64], strides = [1, 1]} : vector<36x64xi32> to vector<1x64xi32>
    %slice3A_833 = vector.extract_strided_slice %bitcast_convert_type3A_771 {offsets = [21, 0], sizes = [1, 64], strides = [1, 1]} : vector<36x64xi32> to vector<1x64xi32>
    %concatenate3A_834 = tpu.concatenate %slice3A_832, %slice3A_833 in 1 : vector<1x64xi32>, vector<1x64xi32> -> vector<1x128xi32>
    %swap3A_835 = arith.constant 118 : index
    %swap3A_836 = arith.constant 0 : index
    %swap3A_837 = vector.load %arg3[%swap3A_835, %swap3A_836] : memref<128x128xi32, #tpu.memory_space<vmem>>, vector<1x128xi32>
    tpu.vector_store %arg3[%swap3A_835, %swap3A_836], %concatenate3A_834 {strides = array<i32>} : memref<128x128xi32, #tpu.memory_space<vmem>>, vector<1x128xi32>,
    %slice3A_838 = vector.extract_strided_slice %bitcast_convert_type3A_771 {offsets = [22, 0], sizes = [1, 64], strides = [1, 1]} : vector<36x64xi32> to vector<1x64xi32>
    %slice3A_839 = vector.extract_strided_slice %bitcast_convert_type3A_771 {offsets = [23, 0], sizes = [1, 64], strides = [1, 1]} : vector<36x64xi32> to vector<1x64xi32>
    %concatenate3A_840 = tpu.concatenate %slice3A_838, %slice3A_839 in 1 : vector<1x64xi32>, vector<1x64xi32> -> vector<1x128xi32>
    %swap3A_841 = arith.constant 119 : index
    %swap3A_842 = arith.constant 0 : index
    %swap3A_843 = vector.load %arg3[%swap3A_841, %swap3A_842] : memref<128x128xi32, #tpu.memory_space<vmem>>, vector<1x128xi32>
    tpu.vector_store %arg3[%swap3A_841, %swap3A_842], %concatenate3A_840 {strides = array<i32>} : memref<128x128xi32, #tpu.memory_space<vmem>>, vector<1x128xi32>,
    %slice3A_844 = vector.extract_strided_slice %bitcast_convert_type3A_771 {offsets = [24, 0], sizes = [1, 64], strides = [1, 1]} : vector<36x64xi32> to vector<1x64xi32>
    %slice3A_845 = vector.extract_strided_slice %bitcast_convert_type3A_771 {offsets = [25, 0], sizes = [1, 64], strides = [1, 1]} : vector<36x64xi32> to vector<1x64xi32>
    %concatenate3A_846 = tpu.concatenate %slice3A_844, %slice3A_845 in 1 : vector<1x64xi32>, vector<1x64xi32> -> vector<1x128xi32>
    %swap3A_847 = arith.constant 120 : index
    %swap3A_848 = arith.constant 0 : index
    %swap3A_849 = vector.load %arg3[%swap3A_847, %swap3A_848] : memref<128x128xi32, #tpu.memory_space<vmem>>, vector<1x128xi32>
    tpu.vector_store %arg3[%swap3A_847, %swap3A_848], %concatenate3A_846 {strides = array<i32>} : memref<128x128xi32, #tpu.memory_space<vmem>>, vector<1x128xi32>,
    %slice3A_850 = vector.extract_strided_slice %bitcast_convert_type3A_771 {offsets = [26, 0], sizes = [1, 64], strides = [1, 1]} : vector<36x64xi32> to vector<1x64xi32>
    %slice3A_851 = vector.extract_strided_slice %bitcast_convert_type3A_771 {offsets = [27, 0], sizes = [1, 64], strides = [1, 1]} : vector<36x64xi32> to vector<1x64xi32>
    %concatenate3A_852 = tpu.concatenate %slice3A_850, %slice3A_851 in 1 : vector<1x64xi32>, vector<1x64xi32> -> vector<1x128xi32>
    %swap3A_853 = arith.constant 121 : index
    %swap3A_854 = arith.constant 0 : index
    %swap3A_855 = vector.load %arg3[%swap3A_853, %swap3A_854] : memref<128x128xi32, #tpu.memory_space<vmem>>, vector<1x128xi32>
    tpu.vector_store %arg3[%swap3A_853, %swap3A_854], %concatenate3A_852 {strides = array<i32>} : memref<128x128xi32, #tpu.memory_space<vmem>>, vector<1x128xi32>,
    %slice3A_856 = vector.extract_strided_slice %bitcast_convert_type3A_771 {offsets = [28, 0], sizes = [1, 64], strides = [1, 1]} : vector<36x64xi32> to vector<1x64xi32>
    %slice3A_857 = vector.extract_strided_slice %bitcast_convert_type3A_771 {offsets = [29, 0], sizes = [1, 64], strides = [1, 1]} : vector<36x64xi32> to vector<1x64xi32>
    %concatenate3A_858 = tpu.concatenate %slice3A_856, %slice3A_857 in 1 : vector<1x64xi32>, vector<1x64xi32> -> vector<1x128xi32>
    %swap3A_859 = arith.constant 122 : index
    %swap3A_860 = arith.constant 0 : index
    %swap3A_861 = vector.load %arg3[%swap3A_859, %swap3A_860] : memref<128x128xi32, #tpu.memory_space<vmem>>, vector<1x128xi32>
    tpu.vector_store %arg3[%swap3A_859, %swap3A_860], %concatenate3A_858 {strides = array<i32>} : memref<128x128xi32, #tpu.memory_space<vmem>>, vector<1x128xi32>,
    %slice3A_862 = vector.extract_strided_slice %bitcast_convert_type3A_771 {offsets = [30, 0], sizes = [1, 64], strides = [1, 1]} : vector<36x64xi32> to vector<1x64xi32>
    %slice3A_863 = vector.extract_strided_slice %bitcast_convert_type3A_771 {offsets = [31, 0], sizes = [1, 64], strides = [1, 1]} : vector<36x64xi32> to vector<1x64xi32>
    %concatenate3A_864 = tpu.concatenate %slice3A_862, %slice3A_863 in 1 : vector<1x64xi32>, vector<1x64xi32> -> vector<1x128xi32>
    %swap3A_865 = arith.constant 123 : index
    %swap3A_866 = arith.constant 0 : index
    %swap3A_867 = vector.load %arg3[%swap3A_865, %swap3A_866] : memref<128x128xi32, #tpu.memory_space<vmem>>, vector<1x128xi32>
    tpu.vector_store %arg3[%swap3A_865, %swap3A_866], %concatenate3A_864 {strides = array<i32>} : memref<128x128xi32, #tpu.memory_space<vmem>>, vector<1x128xi32>,
    %slice3A_868 = vector.extract_strided_slice %bitcast_convert_type3A_771 {offsets = [32, 0], sizes = [1, 64], strides = [1, 1]} : vector<36x64xi32> to vector<1x64xi32>
    %slice3A_869 = vector.extract_strided_slice %bitcast_convert_type3A_771 {offsets = [33, 0], sizes = [1, 64], strides = [1, 1]} : vector<36x64xi32> to vector<1x64xi32>
    %concatenate3A_870 = tpu.concatenate %slice3A_868, %slice3A_869 in 1 : vector<1x64xi32>, vector<1x64xi32> -> vector<1x128xi32>
    %swap3A_871 = arith.constant 124 : index
    %swap3A_872 = arith.constant 0 : index
    %swap3A_873 = vector.load %arg3[%swap3A_871, %swap3A_872] : memref<128x128xi32, #tpu.memory_space<vmem>>, vector<1x128xi32>
    tpu.vector_store %arg3[%swap3A_871, %swap3A_872], %concatenate3A_870 {strides = array<i32>} : memref<128x128xi32, #tpu.memory_space<vmem>>, vector<1x128xi32>,
    %slice3A_874 = vector.extract_strided_slice %bitcast_convert_type3A_771 {offsets = [34, 0], sizes = [1, 64], strides = [1, 1]} : vector<36x64xi32> to vector<1x64xi32>
    %slice3A_875 = vector.extract_strided_slice %bitcast_convert_type3A_771 {offsets = [35, 0], sizes = [1, 64], strides = [1, 1]} : vector<36x64xi32> to vector<1x64xi32>
    %concatenate3A_876 = tpu.concatenate %slice3A_874, %slice3A_875 in 1 : vector<1x64xi32>, vector<1x64xi32> -> vector<1x128xi32>
    %swap3A_877 = arith.constant 125 : index
    %swap3A_878 = arith.constant 0 : index
    %swap3A_879 = vector.load %arg3[%swap3A_877, %swap3A_878] : memref<128x128xi32, #tpu.memory_space<vmem>>, vector<1x128xi32>
    tpu.vector_store %arg3[%swap3A_877, %swap3A_878], %concatenate3A_876 {strides = array<i32>} : memref<128x128xi32, #tpu.memory_space<vmem>>, vector<1x128xi32>,
    return
  }
}

</mosaic_0001>

<sc_bundles>
// kernel: kernel.4.cloned.1.call-start
scs
__scs_entry_jumppad:
0x0: {  	(pc) =	sbr.rel $0x88, $3  }
0x1: {  	(tag) =	ssettag $0x0;
	lr =	simm.s32 $0x1  }
0x2: {  	[smem:$0x3F9D] =	sst lr;
	_ =	strace $0xD0000000  }
0x3: {  	_ = 	snop  }
0x4: {  	_ = 	snop  }
0x5: {  	_ = 	snop  }
0x6: {  	_ = 	snop  }
0x7: {  	_ = 	snop  }
__scs_overlays_trampoline_lowered:
0x8: {  	[smem:$0x3FAC] =	sst s0  }
0x9: {  	[smem:$0x3FAD] =	sst s1  }
0xa: {  	[smem:$0x3FAE] =	sst s2  }
0xb: {  	[smem:$0x3FAF] =	sst s3  }
0xc: {  	[smem:$0x3FB0] =	sst s4  }
0xd: {  	[smem:$0x3FB1] =	sst s5  }
0xe: {  	[smem:$0x3FB2] =	sst s6  }
0xf: {  	[smem:$0x3FB3] =	sst s7  }
0x10: {  	[smem:$0x3FB4] =	sst s8  }
0x11: {  	[smem:$0x3FB5] =	sst s9;
	s0 =	simm.s32 @!p0 $0x0  }
0x12: {  	s1 =	sld [smem:$0x3F9B];
	s0 =	simm.s32 @p0 $0x1  }
0x13: {  	[smem:$0x3FB6] =	sst s0;
	s0 =	simm.s32 @!p1 $0x0  }
0x14: {  	s2 =	sld [smem:$0x3F9A];
	s0 =	simm.s32 @p1 $0x1  }
0x15: {  	[smem:$0x3FB7] =	sst s0;
	s0 =	simm.s32 @!p2 $0x0  }
0x16: {  	s3 =	sld [smem:$0x3FDB];
	s0 =	simm.s32 @p2 $0x1  }
0x17: {  	s4 =	simm.s32 $0x1BF5;
	[smem:$0x3FB9] =	sst s0  }
0x18: {  	s0 =	sld [smem:$0x3F9C];
	_ =	swait.ge [sflag:s4], $0x0  }
0x19: {  	s7 =	sld [smem:$0x3F9D]  }
0x1a: {  	s8 =	sadd.s32 $0xFFFFE003, lr  }
0x1b: {  	s9 =	sadd.s32 $0xFFFFFEF7, lr;
	s5 =	simm.s32 $0xFFFFFFFF;
	p2 =	slt.u32 s8, $0xFFFFF086  }
0x1c: {  	p1 =	slt.u32 s9, $0xF7A;
	s5 =	simm.s32 @!p2 $0x0  }
0x1d: {  	s5 =	simm.s32 @p1 $0x1;
	p0 =	seq.s32 s7, s2  }
0x1e: {  	s7 =	smul.u32 @!p0 $0xF7A, s2;
	p2 =	seq.s32 @!p0 s5, $0x0  }
0x1f: {  	s9 =	smul.u32 $0xF7A, s1;
	s8 =	simm.s32 @!p0 $0x1BF5;
	p2 =	por !p2, p0  }
0x20: {  	[sflag:s8] =	ssyncset.s32 @!p0 $0xFFFFF086;
	s6 =	sadd.s32 @!p0 s3, s7;
	s7 =	simm.s32 @!p0 $0x108  }
0x21: {  	s3 =	sadd.s32 s3, s9;
	s6 =	sadd.s32 @!p0 $0x88, s6;
	s7 =	simm.s32 @p2 $0x1082  }
0x22: {  	[simem:s7], [sflag:s8] =	dma.local @!p0 [hbm:s6], $0xF7A  }
0x23: {  	s9 =	sor.u32 $0xD0000000, s2;
	s6 =	simm.s32 $0x108;
	_ =	swait.ge @!p0 [sflag:s8], $0x0  }
0x24: {  	s3 =	sadd.s32 $0x88, s3;
	s6 =	simm.s32 @!p1 $0x1082;
	[sflag:s4] =	ssyncset.s32 $0xFFFFF086  }
0x25: {  	[simem:s6], [sflag:s4] =	dma.local [hbm:s3], $0xF7A  }
0x26: {  	[smem:$0x3F9D] =	sst s1;
	(tag) =	ssettag s2;
	_ =	strace s9  }
0x27: {  	s1 =	sld [smem:$0x3FAD]  }
0x28: {  	s2 =	sld [smem:$0x3FAE]  }
0x29: {  	s4 =	sld [smem:$0x3FB0]  }
0x2a: {  	p0 =	seq.s32 s5, $0x0;
	s5 =	sld [smem:$0x3FB1]  }
0x2b: {  	s6 =	sld [smem:$0x3FB2]  }
0x2c: {  	s7 =	sld [smem:$0x3FB3]  }
0x2d: {  	s3 =	simm.s32 $0x108;
	s8 =	sld [smem:$0x3FB4]  }
0x2e: {  	s3 =	simm.s32 @!p0 $0x1082;
	s9 =	sld [smem:$0x3FB5]  }
0x2f: {  	lr =	sadd.s32 s0, s3;
	s0 =	sld [smem:$0x3FAC]  }
0x30: {  	s3 =	sld [smem:$0x3FAF]  }
0x31: {  	[smem:$0x3FB8] =	sst s10  }
0x32: {  	s10 =	sld [smem:$0x3FB6];
	_ =	sdelay $0x3  }
0x33: {  	p0 =	seq.s32 s10, $0x1;
	s10 =	sld [smem:$0x3FB8];
	_ =	sdelay $0x3  }
0x34: {  	[smem:$0x3FB8] =	sst s10  }
0x35: {  	s10 =	sld [smem:$0x3FB7];
	_ =	sdelay $0x3  }
0x36: {  	p1 =	seq.s32 s10, $0x1;
	s10 =	sld [smem:$0x3FB8];
	_ =	sdelay $0x3  }
0x37: {  	[smem:$0x3FB8] =	sst s10  }
0x38: {  	s10 =	sld [smem:$0x3FB9]  }
0x39: {  	_ = 	snop;
	(pc) =	sbr.ind lr, $3  }
0x3a: {  	_ = 	snop  }
0x3b: {  	_ = 	snop  }
0x3c: {  	p2 =	seq.s32 s10, $0x1;
	s10 =	sld [smem:$0x3FB8]  }
0x3d: {  	_ =	shalt  }
0x3e: {  	_ =	shalt  }
0x3f: {  	_ =	shalt  }
0x40: {  	_ =	shalt  }
0x41: {  	_ =	shalt  }
0x42: {  	_ =	shalt  }
0x43: {  	_ =	shalt  }
0x44: {  	_ =	shalt  }
0x45: {  	_ =	shalt  }
0x46: {  	_ =	shalt  }
0x47: {  	_ =	shalt  }
0x48: {  	_ =	shalt  }
0x49: {  	_ =	shalt  }
0x4a: {  	_ =	shalt  }
0x4b: {  	_ =	shalt  }
0x4c: {  	_ =	shalt  }
0x4d: {  	_ =	shalt  }
0x4e: {  	_ =	shalt  }
0x4f: {  	_ =	shalt  }
0x50: {  	_ =	shalt  }
0x51: {  	_ =	shalt  }
0x52: {  	_ =	shalt  }
0x53: {  	_ =	shalt  }
0x54: {  	_ =	shalt  }
0x55: {  	_ =	shalt  }
0x56: {  	_ =	shalt  }
0x57: {  	_ =	shalt  }
0x58: {  	_ =	shalt  }
0x59: {  	_ =	shalt  }
0x5a: {  	_ =	shalt  }
0x5b: {  	_ =	shalt  }
0x5c: {  	_ =	shalt  }
0x5d: {  	_ =	shalt  }
0x5e: {  	_ =	shalt  }
0x5f: {  	_ =	shalt  }
0x60: {  	_ =	shalt  }
0x61: {  	_ =	shalt  }
0x62: {  	_ =	shalt  }
0x63: {  	_ =	shalt  }
0x64: {  	_ =	shalt  }
0x65: {  	_ =	shalt  }
0x66: {  	_ =	shalt  }
0x67: {  	_ =	shalt  }
0x68: {  	_ =	shalt  }
0x69: {  	_ =	shalt  }
0x6a: {  	_ =	shalt  }
0x6b: {  	_ =	shalt  }
0x6c: {  	_ =	shalt  }
0x6d: {  	_ =	shalt  }
0x6e: {  	_ =	shalt  }
0x6f: {  	_ =	shalt  }
0x70: {  	_ =	shalt  }
0x71: {  	_ =	shalt  }
0x72: {  	_ =	shalt  }
0x73: {  	_ =	shalt  }
0x74: {  	_ =	shalt  }
0x75: {  	_ =	shalt  }
0x76: {  	_ =	shalt  }
0x77: {  	_ =	shalt  }
0x78: {  	_ =	shalt  }
0x79: {  	_ =	shalt  }
0x7a: {  	_ =	shalt  }
0x7b: {  	_ =	shalt  }
0x7c: {  	_ =	shalt  }
0x7d: {  	_ =	shalt  }
0x7e: {  	_ =	shalt  }
0x7f: {  	_ =	shalt  }
0x80: {  	_ =	shalt  }
0x81: {  	_ =	shalt  }
0x82: {  	_ =	shalt  }
0x83: {  	_ =	shalt  }
0x84: {  	_ =	shalt  }
0x85: {  	_ =	shalt  }
0x86: {  	_ =	shalt  }
0x87: {  	_ =	shalt  }
.Lfunc_end0:
.L_simem_size_0:
called_computation_lowered:
.L_overlay_start_0:
0x88: {  	s2 =	sld [smem:$0x3FD9]  }
0x89: {  	s3 =	sld [smem:$0x3FFE];
	_ =	sdelay $0x1  }
0x8a: {  	s1 =	srdreg.scid  }
0x8b: {  	s0 =	sand.u32 $0x1, s1  }
0x8c: {  	s17 =	sshll.u32 s0, $0xA;
	s2 =	sadd.s32 s3, s2  }
0x8d: {  	s2 =	sadd.s32 s2, s17  }
0x8e: {  	[smem:$0x3FC4] =	sst s2  }
0x8f: {  	_ = 	snop  }
0x90: {  	s2 =	sld [smem:$0x3FD0];
	(tm) =	ssettm $0x1  }
0x91: {  	s18 =	sld [smem:$0x3FFB];
	_ =	sdelay $0x3  }
0x92: {  	_ =	strace s18  }
0x93: {  	s3 =	sld [smem:$0x3FFC];
	_ =	sdelay $0x3  }
0x94: {  	_ =	strace s3  }
0x95: {  	s3 =	sld [smem:$0x3FFD];
	_ =	sdelay $0x3  }
0x96: {  	_ =	strace s3  }
0x97: {  	_ =	strace $0x8FFFFFFF  }
0x98: {  	s19 =	sld [smem:$0x3FDB];
	_ =	sdelay $0x1  }
0x99: {  	s4 =	simm.s32 $_scs_section_size  }
0x9a: {  	s5 =	simm.s32 $_size__tile_overlayer_lowered;
	s6 =	simm.s32 $_tile_overlayer_lowered  }
0x9b: {  	s22 =	simm.s32 $0x1BFF;
	s21 =	sshll.u32 s6, $0x1;
	s3 =	sadd.s32 s4, s19  }
0x9c: {  	s7 =	simm.s32 $0x0;
	s20 =	sshll.u32 s5, $0x1;
	s5 =	sadd.s32 s21, s3  }
0x9d: {  	[timem:s7], [sflag:s22] =	dma.local [hbm:s5], s20  }
0x9e: {  	_ =	swait.ge [sflag:s22], s20  }
0x9f: {  	s4 =	ssub.s32 $0x0, s20;
	[sflag:s22] =	ssyncset.done $0x0  }
0xa0: {  	[sflag:s22] =	ssyncadd.s32 s4;
	_ =	sdelay $0x1  }
0xa1: {  	s23 =	simm.s32 $0x1B8B  }
0xa2: {  	_ =	swait.ge [sflag:s23], $0x1  }
0xa3: {  	[sflag:s23] =	ssyncset.done $0x0  }
0xa4: {  	s25 =	simm.s32 $0x1B8E;
	s24 =	sld [smem:$0x3FFE];
	[sflag:s23] =	ssyncadd.s32 $0xFFFFFFFF  }
0xa5: {  	s26 =	simm.s32 $execute0_lowered;
	[smem:$0x3FD2] =	sst s25  }
0xa6: {  	s5 =	sshll.u32 s26, $0x1;
	_ =	strace $0x80000046;
	[dreg:$0x1] =	wrdreg $0xFFFFFFFF  }
0xa7: {  	s28 =	simm.s32 $_size_execute0_lowered;
	s3 =	sadd.s32 s3, s5;
	[dreg:$0x0] =	wrdreg $0x0  }
0xa8: {  	s5 =	sshll.u32 s28, $0x1;
	[dreg:$0x2] =	wrdreg s3  }
0xa9: {  	[dreg:$0x3] =	wrdreg s5  }
0xaa: {  	[dreg:$0x4] =	wrdreg $0xC0  }
0xab: {  	_ =	task [dreg:s7], $0x5FFFF  }
0xac: {  	[dreg:$0x1] =	wrdreg $0xFFFFFFFF  }
0xad: {  	[dreg:$0x0] =	wrdreg $0x60  }
0xae: {  	[dreg:$0x2] =	wrdreg s24  }
0xaf: {  	[dreg:$0x3] =	wrdreg s2  }
0xb0: {  	[dreg:$0x4] =	wrdreg $0x9  }
0xb1: {  	_ =	task.clear_ibuf [dreg:s7], $0x5FFFF;
	_ =	strace $0x90000046  }
0xb2: {  	s29 =	simm.s32 $0x9;
	_ =	strace $0x80000048  }
0xb3: {  	_ =	swait.ge [sflag:s29], $0x1  }
0xb4: {  	[sflag:s29] =	ssyncadd.s32 $0xFFFFFFFF  }
0xb5: {  	_ =	strace $0x90000048  }
0xb6: {  	_ =	sfence  }
0xb7: {  	s30 =	sld [smem:$0x0];
	_ =	sdelay $0x2  }
0xb8: {  	s31 =	sshll.u32 s1, $0xD;
	s1 =	sshrl.u32 s1, $0x2  }
0xb9: {  	s3 =	sand.u32 $0x4000, s31;
	s1 =	sadd.s32 s1, s30  }
0xba: {  	s0 =	sor.u32 s3, s0;
	s1 =	sshll.u32 s1, $0x11  }
0xbb: {  	s0 =	sor.u32 s1, s0  }
0xbc: {  	s0 =	sadd.s32 $0x8F2B, s0  }
0xbd: {  	[sflag:s0] =	ssyncadd.remote.s32 $0x1  }
0xbe: {  	_ =	sfence.sel $0xFFFF  }
0xbf: {  	[dreg:$0x0] =	wrdreg $0xFFFFFFFF;
	(pc) =	sbr.abs _section_cstart, $3  }
0xc0: {  	[dreg:$0x1] =	wrdreg $0xFFFFFFFF  }
0xc1: {  	_ =	task.clear_ibuf [dreg:s7], $0x2FFFF;
	_ =	strace $0x9FFFFFFF  }
0xc2: {  	(tm) =	ssettm $0x7FFFFFFF  }
0xc3: {  	_ =	shalt  }
tec
execute0_lowered:
.L_overlay_start_1:
0x0: {  	(tag) =	ssettag $0x1  }
0x1: {  	s0 =	srdreg.scid;
	s1 =	stileid.u32  }
0x2: {  	s2 =	rddreg [dreg:$0x0];
	s0 =	sand.u32 $0x1, s0;
	s1 =	sshll.u32 s1, $0x1  }
0x3: {  	s3 =	rddreg [dreg:$0x1];
	s5 =	simm.s32 $0x0;
	s1 =	sor.u32 s0, s1  }
0x4: {  	[smem:$0x7FF] =	sst s5;
	s6 =	sadd.s32 $0x4200, s2;
	s4 =	smul.u32 $0xE00, s1  }
0x5: {  	s8 =	sshll.u32 s0, $0x9;
	_ =	strace $0x80000047;
	s0 =	ssub.s32 $0x2, s0  }
0x6: {  	[smem:$0x7F9] =	sst s6;
	s31 =	sshrl.u32 s0, $0x1;
	s4 =	ssub.s32 s4, s8  }
0x7: {  	s1 =	sshll.u32 s1, $0xD;
	[smem:$0x7FD] =	sst s8;
	s4 =	sshrl.u32 s4, $0x3  }
0x8: {  	s0 =	ssub.s32 s0, s31;
	s1 =	sadd.s32 s3, s1;
	s4 =	sand.u32 $0x1FFFFF80, s4  }
0x9: {  	[smem:$0x7FB] =	sst s1;
	s0 =	smax.u32 s0, $0x1;
	s2 =	sadd.s32 s4, s2  }
0xa: {  	s9 =	simm.s32 $0x5000;
	[smem:$0x7FC] =	sst s0;
	s2 =	sadd.s32 $0xA00, s2  }
0xb: {  	v0 =	vlaneseq.u32;
	s1 =	simm.s32 $0x0;
	s4 =	simm.s32 $0x1;
	[smem:$0x7FA] =	sst s2  }
.LBB2_1:
0xc: {  	s0 =	sld [smem:$0x7F9];
	_ =	sdelay $0x1  }
0xd: {  	[smem:$0x7F8] =	sst s1  }
0xe: {  	[tilespmem:s5], [sflag:$0x1] =	stream.linear.gather [hbm4b:s0+s5], $0x4000, $0x38;
	[tilespmem:$0x16000] =	vst v63  }
0xf: {  	_ =	swait.ge [sflag:s4], $0x4000  }
0x10: {  	s24 =	sld [smem:$0x7FA]  }
0x11: {  	s25 =	simm.s32 $0x4000;
	s26 =	simm.s32 $0x30;
	[sflag:s4] =	ssyncset.done $0x0  }
0x12: {  	s28 =	simm.s32 $0x10;
	s3 =	sadd.s32 $0x0, s8;
	[sflag:s4] =	ssyncadd.s32 $0xFFFFC000  }
0x13: {  	v1 =	vor.u32 s5, v0;
	[tilespmem:s25], [sflag:$0x1] =	stream.linear.gather [hbm4b:s24+s5], $0x1000, $0x38;
	[tilespmem:$0x16000] =	vst v63  }
0x14: {  	s2 =	simm.s32 $0x20;
	v2 =	vmul.u32 $0x2493, v1;
	v3 =	vor.u32 s26, v0;
	s3 =	sand.u32 $0x1F80, s3;
	_ =	swait.ge [sflag:s4], $0x1000  }
0x15: {  	v7 =	vor.u32 s2, v0;
	v5 =	vmul.u32 $0x2493, v3;
	s3 =	sor.u32 $0x4000, s3;
	s0 =	sand.u32 $0x70, s26;
	[sflag:s4] =	ssyncset.done $0x0  }
0x16: {  	v4 =	vor.u32 s28, v0;
	v8 =	vmul.u32 $0x2493, v7;
	v2 =	vshrl.u32 v2, $0x10;
	s0 =	sor.u32 s0, s3;
	[sflag:s4] =	ssyncadd.s32 $0xFFFFF000  }
0x17: {  	v6 =	vmul.u32 $0x2493, v4;
	v9 =	vmul.u32 $0xFFFFFFF9, v2;
	v5 =	vshrl.u32 v5, $0x10;
	v12 =	vld [tilespmem:s0+$0x0]  }
0x18: {  	v8 =	vshrl.u32 v8, $0x10;
	v10 =	vmul.u32 $0xFFFFFFF9, v5  }
0x19: {  	s29 =	sand.u32 $0x40, s5;
	v6 =	vshrl.u32 v6, $0x10;
	v9 =	vadd.s32 v1, v9;
	v1 =	vmul.u32 $0xFFFFFFF9, v8  }
0x1a: {  	s1 =	sand.u32 $0x50, s28;
	v11 =	vmul.u32 $0xFFFFFFF9, v6;
	v10 =	vadd.s32 v3, v10;
	v3 =	vshll.u32 v5, $0x3;
	s4 =	sor.u32 s29, s3  }
0x1b: {  	s31 =	sand.u32 $0x60, s2;
	s30 =	sor.u32 s1, s3;
	v5 =	vshll.u32 v6, $0x3;
	v6 =	vadd.s32 v7, v1;
	v7 =	vmul.u32 $0x900, v10;
	v13 =	vld [tilespmem:s4+$0x0]  }
0x1c: {  	v4 =	vadd.s32 v4, v11;
	v14 =	vadd.s32 v3, v10;
	v11 =	vld [tilespmem:s30+$0x0];
	s0 =	sor.u32 s31, s3;
	v10 =	vshll.u32 v12, $0x6  }
0x1d: {  	v10 =	vadd.s32 v7, v10;
	v7 =	vld [tilespmem:s0+$0x0]  }
0x1e: {  	v2 =	vshll.u32 v2, $0x3;
	v5 =	vadd.s32 v5, v4  }
0x1f: {  	v15 =	vmul.u32 $0x900, v9;
	v3 =	vmul.u32 $0x900, v4;
	v4 =	vadd.s32 v2, v9  }
0x20: {  	s10 =	simm.s32 $0x6200;
	v8 =	vshll.u32 v8, $0x3;
	v1 =	vmul.u32 $0x900, v6;
	v9 =	vshll.u32 v13, $0x6  }
0x21: {  	s2 =	simm.s32 $0x40;
	s1 =	simm.s32 $0x0;
	v2 =	vadd.s32 v8, v6;
	v8 =	vshll.u32 v11, $0x6;
	v6 =	vadd.s32 v15, v9;
	s0 =	simm.s32 $0x5020;
	[tilespmem:v14+s9+$0x0] =	vst.idx.msk $0xffff, v10  }
.LBB2_2:
0x22: {  	v9 =	vor.u32 s2, v0;
	s3 =	sadd.s32 $0x10, s2;
	s4 =	sadd.s32 $0x30, s2;
	s1 =	sadd.s32 $0x4, s1;
	v3 =	vadd.s32 v3, v8;
	v7 =	vshll.u32 v7, $0x6  }
0x23: {  	s5 =	sadd.s32 $0x20, s2;
	v8 =	vmul.u32 $0x2493, v9;
	v10 =	vor.u32 s3, v0;
	s3 =	sand.u32 $0x50, s3;
	v11 =	vor.u32 s4, v0;
	p0 =	slt.u32 s1, $0xDC;
	[tilespmem:v5+s9+$0x0] =	vst.idx.msk $0xffff, v3  }
0x24: {  	s6 =	sadd.s32 s2, s8;
	s7 =	sand.u32 $0x40, s2;
	v5 =	vor.u32 s5, v0;
	s5 =	sand.u32 $0x60, s5;
	v3 =	vmul.u32 $0x2493, v10;
	v12 =	vmul.u32 $0x2493, v11;
	[tilespmem:v4+s9+$0x0] =	vst.idx.msk $0xffff, v6  }
0x25: {  	s6 =	sand.u32 $0x1F80, s6;
	v1 =	vadd.s32 v1, v7;
	v6 =	vmul.u32 $0x2493, v5;
	v4 =	vshrl.u32 v8, $0x10  }
0x26: {  	s4 =	sand.u32 $0x70, s4;
	s6 =	sor.u32 $0x4000, s6;
	v7 =	vmul.u32 $0xFFFFFFF9, v4;
	v3 =	vshrl.u32 v3, $0x10;
	v8 =	vshrl.u32 v12, $0x10;
	[tilespmem:v2+s9+$0x0] =	vst.idx.msk $0xffff, v1  }
0x27: {  	s7 =	sor.u32 s7, s6;
	s3 =	sor.u32 s3, s6;
	s4 =	sor.u32 s4, s6;
	v2 =	vshrl.u32 v6, $0x10;
	v1 =	vmul.u32 $0xFFFFFFF9, v3;
	v6 =	vmul.u32 $0xFFFFFFF9, v8  }
0x28: {  	s5 =	sor.u32 s5, s6;
	v12 =	vshll.u32 v3, $0x3;
	v9 =	vadd.s32 v9, v7;
	v7 =	vmul.u32 $0xFFFFFFF9, v2;
	v13 =	vld [tilespmem:s4+$0x0]  }
0x29: {  	v14 =	vld [tilespmem:s7+$0x0];
	v10 =	vadd.s32 v10, v1;
	v6 =	vadd.s32 v11, v6;
	v1 =	vshll.u32 v8, $0x3  }
0x2a: {  	v8 =	vld [tilespmem:s3+$0x0];
	v3 =	vmul.u32 $0x900, v10;
	v11 =	vadd.s32 v5, v7;
	v15 =	vadd.s32 v1, v6  }
.Ltmp0:
0x2b: {  	v2 =	vshll.u32 v2, $0x3;
	v16 =	vmul.u32 $0x900, v9;
	v7 =	vld [tilespmem:s5+$0x0];
	v1 =	vmul.u32 $0x900, v11;
	(pc) =	sbr.rel @p0 .LBB2_2-.Ltmp0, $4  }
0x2c: {  	v4 =	vshll.u32 v4, $0x3;
	v5 =	vadd.s32 v12, v10;
	v6 =	vmul.u32 $0x900, v6  }
0x2d: {  	v4 =	vadd.s32 v4, v9;
	v2 =	vadd.s32 v2, v11;
	v9 =	vshll.u32 v13, $0x6  }
0x2e: {  	v10 =	vshll.u32 v14, $0x6;
	v9 =	vadd.s32 v6, v9  }
0x2f: {  	s2 =	sadd.s32 $0x40, s2;
	v6 =	vadd.s32 v16, v10;
	v8 =	vshll.u32 v8, $0x6;
	[tilespmem:v15+s9+$0x0] =	vst.idx.msk $0xffff, v9  }
0x30: {  	_ =	sdelay $0x3  }
0x31: {  	v3 =	vadd.s32 v3, v8;
	v7 =	vshll.u32 v7, $0x6;
	[tilespmem:v4+s9+$0x0] =	vst.idx.msk $0xffff, v6  }
0x32: {  	[tilespmem:v5+s9+$0x0] =	vst.idx.msk $0xffff, v3;
	v1 =	vadd.s32 v1, v7  }
0x33: {  	[tilespmem:v2+s9+$0x0] =	vst.idx.msk $0xffff, v1  }
0x34: {  	v1 =	vld [tilespmem:s0+$0x10];
	_ =	sdelay $0x1  }
0x35: {  	v2 =	vld [tilespmem:s0+$0xFFFFFFF0];
	_ =	sdelay $0x1  }
0x36: {  	v4 =	vld [tilespmem:s0+$0xFFFFFFE0]  }
0x37: {  	(v2sf) =	vpush v1, $0x0  }
0x38: {  	(v2sf) =	vpush v1, $0x1  }
0x39: {  	(v2sf) =	vpush v2, $0x0  }
0x3a: {  	(v2sf) =	vpush v1, $0x2  }
0x3b: {  	(v2sf) =	vpush v4, $0x0  }
0x3c: {  	v3 =	vld [tilespmem:s0+$0x0];
	(v2sf) =	vpush v1, $0x3  }
0x3d: {  	(v2sf) =	vpush v4, $0x1  }
0x3e: {  	(v2sf) =	vpush v1, $0x4  }
0x3f: {  	(v2sf) =	vpush v2, $0x1  }
0x40: {  	(v2sf) =	vpush v1, $0x5  }
0x41: {  	(v2sf) =	vpush v3, $0x0  }
0x42: {  	(v2sf) =	vpush v1, $0x6;
	_ =	sdelay $0x3  }
0x43: {  	s25 =	spop (v2sf)  }
0x44: {  	v5 =	vld [tilespmem:s25+$0x0];
	s7 =	spop (v2sf)  }
0x45: {  	v6 =	vld [tilespmem:s7+$0x0];
	s1 =	spop (v2sf)  }
0x46: {  	s14 =	spop (v2sf)  }
0x47: {  	v7 =	vld [tilespmem:s14+$0x0];
	s9 =	spop (v2sf)  }
0x48: {  	s20 =	spop (v2sf)  }
0x49: {  	v8 =	vld [tilespmem:s20+$0x0];
	s8 =	spop (v2sf)  }
0x4a: {  	v5 =	vadd.bf16 v6, v5;
	s24 =	spop (v2sf)  }
0x4b: {  	v6 =	vld [tilespmem:s24+$0x0];
	s4 =	spop (v2sf)  }
0x4c: {  	v5 =	vadd.bf16 v7, v5;
	s2 =	spop (v2sf)  }
0x4d: {  	v7 =	vld [tilespmem:s2+$0x0];
	s28 =	spop (v2sf)  }
0x4e: {  	v5 =	vadd.bf16 v8, v5;
	s3 =	spop (v2sf)  }
0x4f: {  	v8 =	vld [tilespmem:s3+$0x0]  }
0x50: {  	v5 =	vadd.bf16 v6, v5;
	_ =	sdelay $0x1  }
0x51: {  	v5 =	vadd.bf16 v7, v5;
	_ =	sdelay $0x1  }
0x52: {  	v5 =	vadd.bf16 v8, v5;
	_ =	sdelay $0x1  }
0x53: {  	v6 =	vunpack.i.l.bf16.f32 v5  }
0x54: {  	(v2sf) =	vpush v3, $0x1;
	v5 =	vunpack.i.u.bf16.f32 v5;
	[tilespmem:s10+$0x100] =	vst v6  }
0x55: {  	(v2sf) =	vpush v4, $0x2;
	[tilespmem:s10+$0x140] =	vst v5  }
0x56: {  	(v2sf) =	vpush v2, $0x2;
	v5 =	vld [tilespmem:s25+$0x10]  }
0x57: {  	(v2sf) =	vpush v3, $0x2;
	v6 =	vld [tilespmem:s7+$0x10]  }
0x58: {  	(v2sf) =	vpush v4, $0x3  }
0x59: {  	(v2sf) =	vpush v2, $0x3;
	v7 =	vld [tilespmem:s14+$0x10];
	_ =	sdelay $0x1  }
0x5a: {  	v8 =	vld [tilespmem:s20+$0x10]  }
0x5b: {  	v5 =	vadd.bf16 v6, v5  }
0x5c: {  	v6 =	vld [tilespmem:s24+$0x10]  }
0x5d: {  	v5 =	vadd.bf16 v7, v5  }
0x5e: {  	v7 =	vld [tilespmem:s2+$0x10]  }
0x5f: {  	v5 =	vadd.bf16 v8, v5  }
0x60: {  	v8 =	vld [tilespmem:s3+$0x10]  }
0x61: {  	(v2sf) =	vpush v3, $0x3;
	v5 =	vadd.bf16 v6, v5  }
0x62: {  	(v2sf) =	vpush v4, $0x4;
	s13 =	spop (v2sf)  }
0x63: {  	v9 =	vld [tilespmem:s4+$0x0];
	(v2sf) =	vpush v2, $0x4;
	s15 =	spop (v2sf);
	v5 =	vadd.bf16 v7, v5  }
0x64: {  	v11 =	vld [tilespmem:s28+$0x0];
	(v2sf) =	vpush v3, $0x4;
	s19 =	spop (v2sf)  }
0x65: {  	(v2sf) =	vpush v4, $0x5;
	v13 =	vld [tilespmem:s15+$0x0];
	s21 =	spop (v2sf);
	v5 =	vadd.bf16 v8, v5  }
0x66: {  	(v2sf) =	vpush v2, $0x5;
	v15 =	vld [tilespmem:s19+$0x0];
	s16 =	spop (v2sf)  }
0x67: {  	(v2sf) =	vpush v3, $0x5;
	v17 =	vld [tilespmem:s16+$0x0];
	s17 =	spop (v2sf);
	v10 =	vunpack.i.l.bf16.f32 v5  }
0x68: {  	(v2sf) =	vpush v4, $0x6;
	v18 =	vld [tilespmem:s17+$0x0];
	v5 =	vunpack.i.u.bf16.f32 v5;
	[tilespmem:s10+$0x110] =	vst v10  }
0x69: {  	v6 =	vld [tilespmem:s1+$0x0];
	[tilespmem:s10+$0x150] =	vst v5  }
0x6a: {  	(v2sf) =	vpush v2, $0x6;
	v5 =	vld [tilespmem:s25+$0x20]  }
0x6b: {  	v12 =	vld [tilespmem:s7+$0x20]  }
0x6c: {  	v7 =	vld [tilespmem:s9+$0x0]  }
0x6d: {  	v14 =	vld [tilespmem:s14+$0x20]  }
0x6e: {  	v8 =	vld [tilespmem:s8+$0x0]  }
0x6f: {  	v16 =	vld [tilespmem:s20+$0x20]  }
0x70: {  	s18 =	spop (v2sf);
	v10 =	vld [tilespmem:s13+$0x0];
	v5 =	vadd.bf16 v12, v5  }
0x71: {  	(v2sf) =	vpush v3, $0x6;
	s22 =	spop (v2sf);
	v12 =	vld [tilespmem:s24+$0x20]  }
0x72: {  	s23 =	spop (v2sf);
	v6 =	vadd.bf16 v9, v6;
	v9 =	vld [tilespmem:s3+$0x20];
	v5 =	vadd.bf16 v14, v5  }
0x73: {  	s12 =	spop (v2sf);
	v7 =	vadd.bf16 v8, v7;
	v8 =	vld [tilespmem:s2+$0x20]  }
0x74: {  	s11 =	spop (v2sf);
	v14 =	vld [tilespmem:s22+$0x0];
	v5 =	vadd.bf16 v16, v5  }
0x75: {  	(v2sf) =	vpush v4, $0x8;
	s29 =	spop (v2sf);
	v7 =	vadd.bf16 v13, v7;
	v13 =	vld [tilespmem:s23+$0x0]  }
0x76: {  	(v2sf) =	vpush v4, $0x9;
	s10 =	spop (v2sf);
	v5 =	vadd.bf16 v12, v5;
	v12 =	vld [tilespmem:s11+$0x0]  }
0x77: {  	v6 =	vadd.bf16 v15, v6;
	v15 =	vld [tilespmem:s29+$0x0];
	s26 =	spop (v2sf);
	v7 =	vadd.bf16 v17, v7  }
0x78: {  	(v2sf) =	vpush v2, $0x8;
	v5 =	vadd.bf16 v8, v5;
	v8 =	vld [tilespmem:s26+$0x0]  }
0x79: {  	v53 =	vld [tilespmem:s21+$0x0];
	v6 =	vadd.bf16 v18, v6;
	s6 =	spop (v2sf);
	v7 =	vadd.bf16 v14, v7  }
0x7a: {  	(v2sf) =	vpush v2, $0x9;
	v5 =	vadd.bf16 v9, v5;
	v9 =	vld [tilespmem:s6+$0x0]  }
0x7b: {  	v6 =	vadd.bf16 v13, v6;
	v14 =	vld [tilespmem:s18+$0x0];
	v7 =	vadd.bf16 v12, v7  }
0x7c: {  	s0 =	simm.s32 $0x6200;
	(v2sf) =	vpush v3, $0x8;
	v10 =	vadd.bf16 v10, v11;
	v12 =	vunpack.i.l.bf16.f32 v5  }
0x7d: {  	v11 =	vld [tilespmem:s12+$0x0];
	v6 =	vadd.bf16 v15, v6;
	v5 =	vunpack.i.u.bf16.f32 v5;
	[tilespmem:s0+$0x120] =	vst v12;
	v7 =	vadd.bf16 v8, v7  }
0x7e: {  	(v2sf) =	vpush v3, $0x9;
	[tilespmem:s0+$0x160] =	vst v5;
	v8 =	vadd.bf16 v53, v10;
	v10 =	vld [tilespmem:s10+$0x0]  }
0x7f: {  	(v2sf) =	vpush v4, $0xA;
	v5 =	vld [tilespmem:s25+$0x30];
	v12 =	vunpack.i.l.bf16.f32 v7;
	v6 =	vadd.bf16 v9, v6  }
0x80: {  	(v2sf) =	vpush v2, $0xA;
	v8 =	vadd.bf16 v14, v8;
	v9 =	vld [tilespmem:s7+$0x30];
	s7 =	spop (v2sf);
	v7 =	vunpack.i.u.bf16.f32 v7;
	[tilespmem:s0+$0xFFFFFE00] =	vst v12  }
0x81: {  	(v2sf) =	vpush v3, $0xA;
	v12 =	vld [tilespmem:s7+$0x0];
	[tilespmem:s0+$0xFFFFFE40] =	vst v7;
	v13 =	vunpack.i.l.bf16.f32 v6  }
0x82: {  	(v2sf) =	vpush v4, $0xB;
	v7 =	vadd.bf16 v11, v8;
	v6 =	vunpack.i.u.bf16.f32 v6;
	v8 =	vld [tilespmem:s9+$0x10];
	[tilespmem:s0+$0xFFFFFF00] =	vst v13  }
0x83: {  	(v2sf) =	vpush v2, $0xB;
	[tilespmem:s0+$0xFFFFFF40] =	vst v6;
	v6 =	vld [tilespmem:s8+$0x10]  }
0x84: {  	(v2sf) =	vpush v3, $0xB;
	v7 =	vadd.bf16 v10, v7;
	v10 =	vld [tilespmem:s1+$0x10]  }
0x85: {  	(v2sf) =	vpush v4, $0xC;
	s5 =	spop (v2sf);
	v11 =	vld [tilespmem:s4+$0x10]  }
0x86: {  	(v2sf) =	vpush v2, $0xC;
	s25 =	spop (v2sf);
	v7 =	vadd.bf16 v12, v7;
	v12 =	vld [tilespmem:s14+$0x30];
	[smem:$0x7DC] =	sst s5  }
0x87: {  	s30 =	spop (v2sf);
	v13 =	vld [tilespmem:s20+$0x30];
	[smem:$0x7DD] =	sst s25  }
0x88: {  	(v2sf) =	vpush v3, $0xC;
	v14 =	vunpack.i.l.bf16.f32 v7;
	v15 =	vld [tilespmem:s24+$0x30];
	[smem:$0x7EA] =	sst s30  }
0x89: {  	(v2sf) =	vpush v4, $0xD;
	s14 =	spop (v2sf);
	[tilespmem:s0+$0x0] =	vst v14  }
0x8a: {  	(v2sf) =	vpush v2, $0xD;
	v7 =	vunpack.i.u.bf16.f32 v7;
	v14 =	vld [tilespmem:s2+$0x30];
	[smem:$0x7EB] =	sst s14  }
0x8b: {  	(v2sf) =	vpush v3, $0xD;
	s20 =	spop (v2sf);
	[tilespmem:s0+$0x40] =	vst v7  }
0x8c: {  	(v2sf) =	vpush v4, $0xE;
	v4 =	vld [tilespmem:s3+$0x30];
	[smem:$0x7EC] =	sst s20  }
0x8d: {  	(v2sf) =	vpush v2, $0xE;
	s24 =	spop (v2sf);
	v2 =	vld [tilespmem:s28+$0x10]  }
0x8e: {  	(v2sf) =	vpush v3, $0xE;
	s25 =	spop (v2sf);
	v3 =	vld [tilespmem:s15+$0x10];
	[smem:$0x7DE] =	sst s24  }
0x8f: {  	s30 =	spop (v2sf);
	v7 =	vld [tilespmem:s13+$0x10];
	[smem:$0x7ED] =	sst s25  }
0x90: {  	s3 =	spop (v2sf);
	v54 =	vld [tilespmem:s16+$0x10];
	[smem:$0x7EE] =	sst s30  }
0x91: {  	v5 =	vadd.bf16 v9, v5;
	v6 =	vadd.bf16 v6, v8;
	s5 =	spop (v2sf);
	v8 =	vld [tilespmem:s19+$0x10];
	[smem:$0x7F3] =	sst s3  }
0x92: {  	(v2sf) =	vpush v1, $0x8;
	s14 =	spop (v2sf);
	v9 =	vld [tilespmem:s22+$0x10];
	[smem:$0x7F4] =	sst s5  }
0x93: {  	v10 =	vadd.bf16 v11, v10;
	v5 =	vadd.bf16 v12, v5;
	s20 =	spop (v2sf);
	v11 =	vld [tilespmem:s17+$0x10];
	[smem:$0x7F5] =	sst s14  }
0x94: {  	(v2sf) =	vpush v1, $0x9;
	s24 =	spop (v2sf);
	v3 =	vadd.bf16 v3, v6;
	v6 =	vld [tilespmem:s11+$0x10];
	[smem:$0x7F6] =	sst s20  }
0x95: {  	(v2sf) =	vpush v1, $0xA;
	v5 =	vadd.bf16 v13, v5;
	s25 =	spop (v2sf);
	v12 =	vld [tilespmem:s21+$0x10];
	[smem:$0x7F7] =	sst s24  }
0x96: {  	v2 =	vadd.bf16 v7, v2;
	v3 =	vadd.bf16 v54, v3;
	v7 =	vld [tilespmem:s23+$0x10];
	[smem:$0x7D7] =	sst s25  }
0x97: {  	(v2sf) =	vpush v1, $0xB;
	v5 =	vadd.bf16 v15, v5;
	s30 =	spop (v2sf);
	[smem:$0x7CD] =	sst s26  }
0x98: {  	s3 =	spop (v2sf);
	v8 =	vadd.bf16 v8, v10;
	v3 =	vadd.bf16 v9, v3;
	v9 =	vld [tilespmem:s26+$0x10];
	[dreg:$0x9] =	wrdreg s30  }
0x99: {  	(v2sf) =	vpush v1, $0xC;
	s14 =	spop (v2sf);
	v10 =	vld [tilespmem:s18+$0x10];
	[dreg:$0xc] =	wrdreg s3  }
0x9a: {  	v5 =	vadd.bf16 v14, v5;
	s20 =	spop (v2sf);
	v8 =	vadd.bf16 v11, v8;
	v11 =	vld [tilespmem:s29+$0x10];
	[dreg:$0xb] =	wrdreg s14  }
0x9b: {  	v3 =	vadd.bf16 v6, v3;
	v6 =	vld [tilespmem:s12+$0x10];
	[dreg:$0xf] =	wrdreg s20  }
0x9c: {  	(v2sf) =	vpush v1, $0xD;
	v4 =	vadd.bf16 v4, v5;
	s24 =	spop (v2sf);
	[smem:$0x7CF] =	sst s6  }
0x9d: {  	(v2sf) =	vpush v1, $0xE;
	s25 =	spop (v2sf);
	v1 =	vadd.bf16 v12, v2;
	v2 =	vld [tilespmem:s6+$0x10];
	[dreg:$0xe] =	wrdreg s24  }
0x9e: {  	v5 =	vadd.bf16 v7, v8;
	v7 =	vunpack.i.l.bf16.f32 v4;
	[dreg:$0xd] =	wrdreg s25  }
0x9f: {  	s5 =	smov.u32 s26;
	s26 =	spop (v2sf);
	[tilespmem:s0+$0x130] =	vst v7  }
0xa0: {  	v8 =	vld [tilespmem:s10+$0x10];
	[dreg:$0xa] =	wrdreg s26  }
0xa1: {  	v4 =	vunpack.i.u.bf16.f32 v4;
	v3 =	vadd.bf16 v9, v3;
	v7 =	vld [tilespmem:s7+$0x10];
	[smem:$0x7D0] =	sst s7  }
0xa2: {  	s20 =	spop (v2sf);
	v1 =	vadd.bf16 v10, v1;
	[tilespmem:s0+$0x170] =	vst v4  }
0xa3: {  	s26 =	spop (v2sf);
	v5 =	vadd.bf16 v11, v5;
	v9 =	vunpack.i.l.bf16.f32 v3;
	v3 =	vunpack.i.u.bf16.f32 v3;
	v4 =	vld [tilespmem:s20+$0x0]  }
0xa4: {  	v1 =	vadd.bf16 v6, v1;
	[tilespmem:s0+$0xFFFFFE50] =	vst v3;
	v3 =	vld [tilespmem:s26+$0x0]  }
0xa5: {  	s3 =	spop (v2sf);
	v2 =	vadd.bf16 v2, v5  }
0xa6: {  	[tilespmem:s0+$0xFFFFFE10] =	vst v9;
	v1 =	vadd.bf16 v8, v1;
	v8 =	vld [tilespmem:s3+$0x0]  }
0xa7: {  	s2 =	spop (v2sf);
	v5 =	vld [tilespmem:s9+$0x20];
	v6 =	vunpack.i.l.bf16.f32 v2;
	v2 =	vunpack.i.u.bf16.f32 v2  }
0xa8: {  	v1 =	vadd.bf16 v7, v1;
	[tilespmem:s0+$0xFFFFFF50] =	vst v2;
	v2 =	vld [tilespmem:s2+$0x0]  }
0xa9: {  	s14 =	spop (v2sf);
	v12 =	vld [tilespmem:s16+$0x20];
	v3 =	vadd.bf16 v3, v4  }
0xaa: {  	v9 =	vunpack.i.l.bf16.f32 v1;
	v4 =	vld [tilespmem:s14+$0x0];
	v1 =	vunpack.i.u.bf16.f32 v1  }
0xab: {  	v15 =	vld [tilespmem:s22+$0x20];
	s25 =	spop (v2sf);
	[tilespmem:s0+$0x50] =	vst v1;
	v1 =	vadd.bf16 v8, v3  }
0xac: {  	v3 =	vld [tilespmem:s25+$0x0]  }
0xad: {  	[tilespmem:s0+$0xFFFFFF10] =	vst v6;
	v6 =	vld [tilespmem:s8+$0x20];
	s30 =	spop (v2sf);
	v1 =	vadd.bf16 v2, v1  }
0xae: {  	v2 =	vld [tilespmem:s30+$0x0]  }
0xaf: {  	v7 =	vld [tilespmem:s1+$0x20];
	v1 =	vadd.bf16 v4, v1  }
0xb0: {  	v11 =	vld [tilespmem:s19+$0x20]  }
0xb1: {  	[tilespmem:s0+$0x10] =	vst v9;
	v9 =	vld [tilespmem:s4+$0x20];
	v1 =	vadd.bf16 v3, v1  }
0xb2: {  	v8 =	vld [tilespmem:s28+$0x20]  }
0xb3: {  	v4 =	vld [tilespmem:s15+$0x20];
	v1 =	vadd.bf16 v2, v1  }
0xb4: {  	v10 =	vld [tilespmem:s13+$0x20]  }
0xb5: {  	v13 =	vld [tilespmem:s18+$0x20];
	v14 =	vunpack.i.l.bf16.f32 v1  }
0xb6: {  	v5 =	vadd.bf16 v6, v5;
	v2 =	vld [tilespmem:s17+$0x20];
	v1 =	vunpack.i.u.bf16.f32 v1;
	[tilespmem:s0+$0x180] =	vst v14  }
0xb7: {  	[tilespmem:s0+$0x1C0] =	vst v1;
	v14 =	vld [tilespmem:s11+$0x20]  }
0xb8: {  	v4 =	vadd.bf16 v4, v5;
	v1 =	vld [tilespmem:s20+$0x10]  }
0xb9: {  	v5 =	vld [tilespmem:s26+$0x10]  }
0xba: {  	v4 =	vadd.bf16 v12, v4;
	v12 =	vld [tilespmem:s5+$0x20]  }
0xbb: {  	v7 =	vadd.bf16 v9, v7;
	v9 =	vld [tilespmem:s3+$0x10]  }
0xbc: {  	v6 =	vld [tilespmem:s23+$0x20];
	v4 =	vadd.bf16 v15, v4  }
0xbd: {  	v7 =	vadd.bf16 v11, v7;
	v11 =	vld [tilespmem:s2+$0x10]  }
0xbe: {  	v3 =	vld [tilespmem:s21+$0x20];
	v4 =	vadd.bf16 v14, v4;
	v1 =	vadd.bf16 v5, v1  }
0xbf: {  	v15 =	vld [tilespmem:s29+$0x20];
	v2 =	vadd.bf16 v2, v7  }
0xc0: {  	v7 =	vld [tilespmem:s6+$0x20];
	v4 =	vadd.bf16 v12, v4;
	v1 =	vadd.bf16 v9, v1  }
0xc1: {  	v5 =	vld [tilespmem:s14+$0x10]  }
0xc2: {  	v2 =	vadd.bf16 v6, v2;
	v6 =	vld [tilespmem:s25+$0x10];
	[smem:$0x7CE] =	sst s30;
	v1 =	vadd.bf16 v11, v1;
	v11 =	vunpack.i.l.bf16.f32 v4  }
0xc3: {  	v4 =	vunpack.i.u.bf16.f32 v4;
	[tilespmem:s0+$0xFFFFFE20] =	vst v11  }
0xc4: {  	v9 =	vld [tilespmem:s30+$0x10];
	[tilespmem:s0+$0xFFFFFE60] =	vst v4  }
0xc5: {  	v14 =	vld [tilespmem:s9+$0x30]  }
0xc6: {  	v1 =	vadd.bf16 v5, v1;
	v5 =	vld [tilespmem:s12+$0x20]  }
0xc7: {  	v19 =	vld [tilespmem:s8+$0x30]  }
0xc8: {  	v28 =	vld [tilespmem:s15+$0x30]  }
0xc9: {  	v4 =	vadd.bf16 v10, v8;
	v25 =	vld [tilespmem:s16+$0x30]  }
0xca: {  	v18 =	vld [tilespmem:s11+$0x30]  }
0xcb: {  	v2 =	vadd.bf16 v15, v2;
	s9 =	simm.s32 $0x5060;
	v3 =	vadd.bf16 v3, v4;
	v4 =	vld [tilespmem:s10+$0x20]  }
0xcc: {  	v8 =	vld [tilespmem:s9+$0x10]  }
0xcd: {  	v2 =	vadd.bf16 v7, v2;
	v12 =	vld [tilespmem:s9+$0xFFFFFFF0]  }
0xce: {  	v16 =	vld [tilespmem:s9+$0xFFFFFFE0];
	v1 =	vadd.bf16 v6, v1  }
0xcf: {  	v15 =	vld [tilespmem:s9+$0x0];
	v6 =	vunpack.i.l.bf16.f32 v2  }
0xd0: {  	v2 =	vunpack.i.u.bf16.f32 v2;
	[tilespmem:s0+$0xFFFFFF20] =	vst v6;
	v6 =	vld [tilespmem:s7+$0x20];
	v1 =	vadd.bf16 v9, v1  }
0xd1: {  	[tilespmem:s0+$0xFFFFFF60] =	vst v2;
	v2 =	vadd.bf16 v13, v3;
	v13 =	vld [tilespmem:s22+$0x30]  }
0xd2: {  	v21 =	vld [tilespmem:s1+$0x30];
	v3 =	vunpack.i.l.bf16.f32 v1  }
0xd3: {  	v22 =	vld [tilespmem:s4+$0x30];
	v1 =	vunpack.i.u.bf16.f32 v1;
	(v2sf) =	vpush v8, $0x0;
	[tilespmem:s0+$0x190] =	vst v3  }
0xd4: {  	v26 =	vld [tilespmem:s19+$0x30];
	v2 =	vadd.bf16 v5, v2;
	[tilespmem:s0+$0x1D0] =	vst v1;
	(v2sf) =	vpush v8, $0x1  }
0xd5: {  	v1 =	vld [tilespmem:s20+$0x20];
	(v2sf) =	vpush v12, $0x0  }
0xd6: {  	v2 =	vadd.bf16 v4, v2;
	v3 =	vld [tilespmem:s26+$0x20];
	(v2sf) =	vpush v8, $0x2  }
0xd7: {  	v17 =	vld [tilespmem:s17+$0x30];
	(v2sf) =	vpush v16, $0x0  }
0xd8: {  	v4 =	vld [tilespmem:s3+$0x20];
	v2 =	vadd.bf16 v6, v2;
	(v2sf) =	vpush v8, $0x3  }
0xd9: {  	v11 =	vld [tilespmem:s23+$0x30];
	(v2sf) =	vpush v16, $0x1  }
0xda: {  	v6 =	vld [tilespmem:s2+$0x20];
	v5 =	vunpack.i.l.bf16.f32 v2;
	(v2sf) =	vpush v8, $0x4  }
0xdb: {  	v20 =	vld [tilespmem:s29+$0x30];
	v2 =	vunpack.i.u.bf16.f32 v2;
	[tilespmem:s0+$0x20] =	vst v5;
	v1 =	vadd.bf16 v3, v1;
	(v2sf) =	vpush v12, $0x1  }
0xdc: {  	[tilespmem:s0+$0x60] =	vst v2;
	v2 =	vld [tilespmem:s14+$0x20];
	(v2sf) =	vpush v8, $0x5  }
0xdd: {  	v23 =	vld [tilespmem:s28+$0x30];
	v1 =	vadd.bf16 v4, v1;
	(v2sf) =	vpush v15, $0x0  }
0xde: {  	v3 =	vld [tilespmem:s25+$0x20];
	(v2sf) =	vpush v8, $0x6  }
0xdf: {  	v24 =	vld [tilespmem:s13+$0x30];
	v1 =	vadd.bf16 v6, v1  }
0xe0: {  	v27 =	vld [tilespmem:s21+$0x30]  }
0xe1: {  	v4 =	vld [tilespmem:s30+$0x20];
	v1 =	vadd.bf16 v2, v1  }
0xe2: {  	v9 =	vld [tilespmem:s18+$0x30];
	s1 =	spop (v2sf)  }
0xe3: {  	v1 =	vadd.bf16 v3, v1;
	v3 =	vld [tilespmem:s1+$0x0];
	s7 =	spop (v2sf)  }
0xe4: {  	v5 =	vld [tilespmem:s7+$0x0];
	s24 =	spop (v2sf)  }
0xe5: {  	v10 =	vld [tilespmem:s12+$0x30];
	(v2sf) =	vpush v15, $0x1;
	s30 =	spop (v2sf)  }
0xe6: {  	(v2sf) =	vpush v16, $0x2;
	v1 =	vadd.bf16 v4, v1;
	v6 =	vld [tilespmem:s30+$0x0];
	s22 =	spop (v2sf)  }
0xe7: {  	(v2sf) =	vpush v12, $0x2;
	v55 =	vld [tilespmem:s24+$0x0];
	s31 =	spop (v2sf)  }
0xe8: {  	v2 =	vunpack.i.l.bf16.f32 v1;
	v7 =	vld [tilespmem:s31+$0x0];
	s16 =	spop (v2sf)  }
0xe9: {  	v1 =	vunpack.i.u.bf16.f32 v1;
	[tilespmem:s0+$0x1A0] =	vst v2;
	v31 =	vld [tilespmem:s22+$0x0];
	v5 =	vadd.bf16 v5, v3;
	s8 =	spop (v2sf)  }
0xea: {  	(v2sf) =	vpush v15, $0x2;
	[tilespmem:s0+$0x1E0] =	vst v1;
	v29 =	vld [tilespmem:s8+$0x0];
	s17 =	spop (v2sf)  }
0xeb: {  	(v2sf) =	vpush v16, $0x3;
	v1 =	vld [tilespmem:s20+$0x30];
	v5 =	vadd.bf16 v6, v5;
	s6 =	spop (v2sf)  }
0xec: {  	(v2sf) =	vpush v12, $0x3;
	v6 =	vld [tilespmem:s6+$0x0];
	s18 =	spop (v2sf)  }
0xed: {  	(v2sf) =	vpush v15, $0x3;
	v2 =	vld [tilespmem:s26+$0x30];
	v7 =	vadd.bf16 v7, v5;
	s5 =	spop (v2sf)  }
0xee: {  	(v2sf) =	vpush v16, $0x4;
	v30 =	vld [tilespmem:s5+$0x0]  }
0xef: {  	(v2sf) =	vpush v12, $0x4;
	v4 =	vld [tilespmem:s3+$0x30];
	v7 =	vadd.bf16 v29, v7  }
0xf0: {  	(v2sf) =	vpush v15, $0x4;
	v3 =	vld [tilespmem:s2+$0x30]  }
0xf1: {  	(v2sf) =	vpush v16, $0x5;
	v32 =	vld [tilespmem:s17+$0x0];
	v6 =	vadd.bf16 v6, v7  }
0xf2: {  	(v2sf) =	vpush v12, $0x5;
	v5 =	vld [tilespmem:s14+$0x30]  }
0xf3: {  	(v2sf) =	vpush v15, $0x5;
	v56 =	vld [tilespmem:s18+$0x0];
	v6 =	vadd.bf16 v30, v6  }
0xf4: {  	(v2sf) =	vpush v16, $0x6;
	s11 =	spop (v2sf);
	v7 =	vld [tilespmem:s16+$0x0]  }
0xf5: {  	s20 =	simm.s32 $0x6600;
	v33 =	vld [tilespmem:s11+$0x0];
	s26 =	spop (v2sf);
	v34 =	vunpack.i.l.bf16.f32 v6  }
0xf6: {  	v35 =	vld [tilespmem:s26+$0x0];
	s28 =	spop (v2sf);
	v6 =	vunpack.i.u.bf16.f32 v6;
	[tilespmem:s20+$0x100] =	vst v34  }
0xf7: {  	(v2sf) =	vpush v12, $0x6;
	v57 =	vld [tilespmem:s28+$0x0];
	[tilespmem:s20+$0x140] =	vst v6  }
0xf8: {  	v6 =	vld [tilespmem:s1+$0x10]  }
0xf9: {  	s9 =	spop (v2sf);
	v36 =	vld [tilespmem:s7+$0x10]  }
0xfa: {  	v37 =	vld [tilespmem:s9+$0x0]  }
0xfb: {  	s19 =	spop (v2sf);
	v38 =	vld [tilespmem:s30+$0x10]  }
0xfc: {  	(v2sf) =	vpush v15, $0x6;
	v39 =	vld [tilespmem:s19+$0x0]  }
0xfd: {  	s4 =	spop (v2sf);
	v40 =	vld [tilespmem:s31+$0x10]  }
0xfe: {  	s29 =	spop (v2sf);
	v41 =	vld [tilespmem:s4+$0x0];
	v6 =	vadd.bf16 v36, v6  }
0xff: {  	s2 =	spop (v2sf);
	v58 =	vld [tilespmem:s8+$0x10]  }
0x100: {  	v60 =	vld [tilespmem:s6+$0x10];
	s3 =	spop (v2sf);
	v6 =	vadd.bf16 v38, v6  }
0x101: {  	v7 =	vadd.bf16 v7, v31;
	v62 =	vld [tilespmem:s5+$0x10];
	s23 =	spop (v2sf)  }
0x102: {  	v29 =	vadd.bf16 v32, v55;
	v59 =	vld [tilespmem:s2+$0x0];
	s21 =	spop (v2sf);
	v6 =	vadd.bf16 v40, v6  }
0x103: {  	v7 =	vadd.bf16 v35, v7;
	v63 =	vld [tilespmem:s3+$0x0];
	s15 =	spop (v2sf)  }
0x104: {  	v29 =	vadd.bf16 v57, v29;
	v61 =	vld [tilespmem:s21+$0x0];
	s13 =	spop (v2sf);
	v6 =	vadd.bf16 v58, v6  }
0x105: {  	v7 =	vadd.bf16 v39, v7;
	v47 =	vld [tilespmem:s15+$0x0];
	s12 =	spop (v2sf)  }
0x106: {  	v46 =	vadd.bf16 v41, v29;
	v44 =	vld [tilespmem:s12+$0x0];
	s14 =	spop (v2sf);
	v6 =	vadd.bf16 v60, v6  }
0x107: {  	v7 =	vadd.bf16 v59, v7;
	v49 =	vld [tilespmem:s14+$0x0]  }
0x108: {  	v45 =	vld [tilespmem:s29+$0x0];
	v31 =	vadd.bf16 v63, v46;
	v6 =	vadd.bf16 v62, v6  }
0x109: {  	v48 =	vld [tilespmem:s23+$0x0];
	v7 =	vadd.bf16 v61, v7  }
0x10a: {  	v30 =	vadd.bf16 v33, v56;
	v29 =	vld [tilespmem:s10+$0x30];
	v31 =	vadd.bf16 v47, v31;
	v50 =	vunpack.i.l.bf16.f32 v6  }
0x10b: {  	v51 =	vld [tilespmem:s13+$0x0];
	s10 =	spop (v2sf);
	v7 =	vadd.bf16 v44, v7;
	v6 =	vunpack.i.u.bf16.f32 v6;
	[tilespmem:s20+$0x110] =	vst v50  }
0x10c: {  	v30 =	vadd.bf16 v37, v30;
	v52 =	vld [tilespmem:s10+$0x0];
	v31 =	vadd.bf16 v49, v31;
	[tilespmem:s20+$0x150] =	vst v6  }
0x10d: {  	v53 =	vunpack.i.l.bf16.f32 v7;
	v6 =	vunpack.i.u.bf16.f32 v7;
	v7 =	vld [tilespmem:s1+$0x20]  }
0x10e: {  	v30 =	vadd.bf16 v45, v30;
	v55 =	vunpack.i.l.bf16.f32 v31;
	[tilespmem:s20+$0xFFFFFE40] =	vst v6;
	v6 =	vld [tilespmem:s7+$0x20]  }
0x10f: {  	v31 =	vunpack.i.u.bf16.f32 v31;
	[tilespmem:s20+$0xFFFFFF00] =	vst v55;
	v56 =	vld [tilespmem:s30+$0x20]  }
0x110: {  	v30 =	vadd.bf16 v48, v30;
	[tilespmem:s20+$0xFFFFFF40] =	vst v31;
	v58 =	vld [tilespmem:s31+$0x20]  }
0x111: {  	v59 =	vld [tilespmem:s24+$0x10]  }
0x112: {  	v30 =	vadd.bf16 v51, v30;
	v61 =	vld [tilespmem:s8+$0x20]  }
0x113: {  	v62 =	vld [tilespmem:s17+$0x10]  }
0x114: {  	v30 =	vadd.bf16 v52, v30;
	v63 =	vld [tilespmem:s6+$0x20]  }
0x115: {  	v49 =	vld [tilespmem:s5+$0x20]  }
0x116: {  	[tilespmem:s20+$0xFFFFFE00] =	vst v53;
	v60 =	vunpack.i.l.bf16.f32 v30;
	v42 =	vld [tilespmem:s28+$0x10]  }
0x117: {  	v30 =	vunpack.i.u.bf16.f32 v30;
	[tilespmem:s20+$0x0] =	vst v60;
	v54 =	vld [tilespmem:s22+$0x10]  }
0x118: {  	[tilespmem:s20+$0x40] =	vst v30;
	v57 =	vld [tilespmem:s16+$0x10]  }
0x119: {  	v48 =	vld [tilespmem:s18+$0x10]  }
0x11a: {  	v50 =	vld [tilespmem:s11+$0x10]  }
0x11b: {  	v51 =	vld [tilespmem:s26+$0x10]  }
0x11c: {  	v43 =	vld [tilespmem:s9+$0x10]  }
0x11d: {  	v6 =	vadd.bf16 v6, v7;
	v7 =	vld [tilespmem:s19+$0x10];
	[smem:$0x7D1] =	sst s4  }
0x11e: {  	v44 =	vld [tilespmem:s4+$0x10]  }
0x11f: {  	v52 =	vld [tilespmem:s29+$0x10];
	[smem:$0x7D2] =	sst s29  }
0x120: {  	[smem:$0x7D3] =	sst s2  }
0x121: {  	v53 =	vld [tilespmem:s2+$0x10];
	[smem:$0x7D4] =	sst s3  }
0x122: {  	v32 =	vadd.bf16 v57, v54;
	v6 =	vadd.bf16 v56, v6;
	v54 =	vld [tilespmem:s3+$0x10]  }
0x123: {  	v55 =	vld [tilespmem:s23+$0x10];
	[smem:$0x7D9] =	sst s23  }
0x124: {  	v6 =	vadd.bf16 v58, v6;
	v57 =	vld [tilespmem:s21+$0x10];
	[smem:$0x7DA] =	sst s21  }
0x125: {  	v58 =	vld [tilespmem:s15+$0x10];
	[smem:$0x7DF] =	sst s15  }
0x126: {  	[smem:$0x7E4] =	sst s12;
	v6 =	vadd.bf16 v61, v6  }
0x127: {  	v33 =	vadd.bf16 v62, v59;
	v60 =	vld [tilespmem:s12+$0x10]  }
0x128: {  	v32 =	vadd.bf16 v51, v32;
	v62 =	vld [tilespmem:s13+$0x10];
	[smem:$0x7E1] =	sst s13;
	v6 =	vadd.bf16 v63, v6  }
0x129: {  	v56 =	vadd.bf16 v50, v48;
	v33 =	vadd.bf16 v42, v33;
	[smem:$0x7E7] =	sst s14  }
0x12a: {  	v7 =	vadd.bf16 v7, v32;
	v63 =	vadd.bf16 v49, v6;
	v6 =	vld [tilespmem:s25+$0x30];
	s25 =	sld [smem:$0x7CD]  }
0x12b: {  	v59 =	vadd.bf16 v43, v56;
	v42 =	vld [tilespmem:s14+$0x10]  }
0x12c: {  	v61 =	vadd.bf16 v44, v33;
	v7 =	vadd.bf16 v53, v7;
	v43 =	vld [tilespmem:s10+$0x10];
	[smem:$0x7E8] =	sst s10  }
0x12d: {  	v30 =	vadd.bf16 v52, v59;
	v32 =	vld [tilespmem:s25+$0x30];
	s25 =	sld [smem:$0x7CE]  }
0x12e: {  	v31 =	vadd.bf16 v54, v61;
	v7 =	vadd.bf16 v57, v7;
	v44 =	vunpack.i.l.bf16.f32 v63  }
0x12f: {  	v30 =	vadd.bf16 v55, v30;
	[tilespmem:s20+$0x120] =	vst v44  }
0x130: {  	v45 =	vadd.bf16 v58, v31;
	v37 =	vadd.bf16 v60, v7;
	v7 =	vld [tilespmem:s25+$0x30];
	s25 =	sld [smem:$0x7CF]  }
0x131: {  	v34 =	vunpack.i.u.bf16.f32 v63  }
0x132: {  	v33 =	vadd.bf16 v62, v30;
	v35 =	vadd.bf16 v42, v45;
	v46 =	vunpack.i.l.bf16.f32 v37;
	[tilespmem:s20+$0x160] =	vst v34  }
0x133: {  	v37 =	vunpack.i.u.bf16.f32 v37;
	v31 =	vld [tilespmem:s25+$0x30];
	s25 =	sld [smem:$0x7D0];
	[tilespmem:s20+$0xFFFFFE10] =	vst v46  }
0x134: {  	(v2sf) =	vpush v16, $0x8;
	v33 =	vadd.bf16 v43, v33;
	v47 =	vunpack.i.l.bf16.f32 v35;
	v34 =	vld [tilespmem:s1+$0x30];
	[tilespmem:s20+$0xFFFFFE50] =	vst v37  }
0x135: {  	(v2sf) =	vpush v16, $0x9;
	v35 =	vunpack.i.u.bf16.f32 v35;
	[tilespmem:s20+$0xFFFFFF10] =	vst v47;
	v48 =	vld [tilespmem:s22+$0x20]  }
0x136: {  	(v2sf) =	vpush v12, $0x8;
	v49 =	vunpack.i.l.bf16.f32 v33;
	[tilespmem:s20+$0xFFFFFF50] =	vst v35;
	v50 =	vld [tilespmem:s16+$0x20]  }
0x137: {  	(v2sf) =	vpush v12, $0x9;
	v33 =	vunpack.i.u.bf16.f32 v33;
	[tilespmem:s20+$0x10] =	vst v49;
	v51 =	vld [tilespmem:s24+$0x20]  }
0x138: {  	(v2sf) =	vpush v15, $0x8;
	[tilespmem:s20+$0x50] =	vst v33;
	v52 =	vld [tilespmem:s17+$0x20]  }
0x139: {  	(v2sf) =	vpush v15, $0x9;
	v53 =	vld [tilespmem:s18+$0x20]  }
0x13a: {  	(v2sf) =	vpush v16, $0xA;
	v54 =	vld [tilespmem:s11+$0x20]  }
0x13b: {  	(v2sf) =	vpush v12, $0xA;
	v55 =	vld [tilespmem:s26+$0x20]  }
0x13c: {  	(v2sf) =	vpush v15, $0xA;
	v56 =	vld [tilespmem:s28+$0x20]  }
0x13d: {  	(v2sf) =	vpush v16, $0xB;
	v57 =	vld [tilespmem:s9+$0x20]  }
0x13e: {  	(v2sf) =	vpush v12, $0xB;
	v58 =	vld [tilespmem:s19+$0x20]  }
0x13f: {  	(v2sf) =	vpush v15, $0xB;
	v59 =	vld [tilespmem:s4+$0x20]  }
0x140: {  	(v2sf) =	vpush v16, $0xC;
	v60 =	vld [tilespmem:s29+$0x20]  }
0x141: {  	(v2sf) =	vpush v12, $0xC;
	v61 =	vld [tilespmem:s2+$0x20]  }
0x142: {  	(v2sf) =	vpush v15, $0xC;
	v62 =	vld [tilespmem:s3+$0x20];
	v35 =	vadd.bf16 v50, v48  }
0x143: {  	v14 =	vadd.bf16 v19, v14;
	(v2sf) =	vpush v16, $0xD;
	v63 =	vld [tilespmem:s23+$0x20]  }
0x144: {  	(v2sf) =	vpush v12, $0xD;
	v41 =	vld [tilespmem:s21+$0x20];
	v19 =	vadd.bf16 v55, v35  }
0x145: {  	(v2sf) =	vpush v15, $0xD;
	v42 =	vld [tilespmem:s15+$0x20]  }
0x146: {  	v44 =	vld [tilespmem:s12+$0x20];
	v33 =	vadd.bf16 v52, v51;
	v19 =	vadd.bf16 v58, v19  }
0x147: {  	v21 =	vadd.bf16 v22, v21;
	(v2sf) =	vpush v16, $0xE;
	v45 =	vld [tilespmem:s13+$0x20];
	s15 =	spop (v2sf)  }
0x148: {  	s21 =	spop (v2sf);
	v30 =	vld [tilespmem:s25+$0x30];
	[smem:$0x7EF] =	sst s15;
	v22 =	vadd.bf16 v56, v33;
	v19 =	vadd.bf16 v61, v19  }
0x149: {  	(v2sf) =	vpush v12, $0xE;
	s23 =	spop (v2sf);
	v46 =	vld [tilespmem:s14+$0x20];
	[smem:$0x7F0] =	sst s21;
	v40 =	vadd.bf16 v54, v53  }
0x14a: {  	s25 =	spop (v2sf);
	v47 =	vld [tilespmem:s7+$0x30];
	[smem:$0x7E6] =	sst s23;
	v22 =	vadd.bf16 v59, v22;
	v19 =	vadd.bf16 v41, v19  }
0x14b: {  	(v2sf) =	vpush v15, $0xE;
	s2 =	spop (v2sf);
	v15 =	vld [tilespmem:s10+$0x20];
	[smem:$0x7E3] =	sst s25;
	v43 =	vadd.bf16 v57, v40  }
0x14c: {  	s21 =	spop (v2sf);
	v48 =	vld [tilespmem:s30+$0x30];
	[smem:$0x7F1] =	sst s2;
	v22 =	vadd.bf16 v62, v22;
	v19 =	vadd.bf16 v44, v19  }
0x14d: {  	v14 =	vadd.bf16 v28, v14;
	s3 =	spop (v2sf);
	v49 =	vld [tilespmem:s31+$0x30]  }
0x14e: {  	v50 =	vld [tilespmem:s8+$0x30];
	[smem:$0x7E9] =	sst s3;
	v12 =	vadd.bf16 v60, v43;
	v22 =	vadd.bf16 v42, v22;
	v51 =	vunpack.i.l.bf16.f32 v19  }
0x14f: {  	v14 =	vadd.bf16 v25, v14;
	v21 =	vadd.bf16 v26, v21;
	s25 =	rddreg [dreg:$0xf];
	s4 =	spop (v2sf);
	[tilespmem:s20+$0xFFFFFE20] =	vst v51  }
0x150: {  	v52 =	vld [tilespmem:s6+$0x30];
	v12 =	vadd.bf16 v63, v12;
	v16 =	vadd.bf16 v46, v22;
	v19 =	vunpack.i.u.bf16.f32 v19;
	[smem:$0x7D8] =	sst s4  }
0x151: {  	v14 =	vadd.bf16 v13, v14;
	s6 =	spop (v2sf);
	[tilespmem:s20+$0xFFFFFE60] =	vst v19  }
0x152: {  	v17 =	vadd.bf16 v17, v21;
	v12 =	vadd.bf16 v45, v12;
	v13 =	vunpack.i.l.bf16.f32 v16;
	v53 =	vld [tilespmem:s5+$0x30];
	[dreg:$0x8] =	wrdreg s6  }
0x153: {  	v18 =	vadd.bf16 v18, v14;
	v23 =	vadd.bf16 v24, v23;
	s7 =	spop (v2sf);
	[tilespmem:s20+$0xFFFFFF20] =	vst v13  }
0x154: {  	v17 =	vadd.bf16 v11, v17;
	v15 =	vadd.bf16 v15, v12;
	v16 =	vunpack.i.u.bf16.f32 v16;
	v12 =	vld [tilespmem:s22+$0x30];
	[dreg:$0x1f] =	wrdreg s7  }
0x155: {  	v23 =	vadd.bf16 v27, v23;
	(v2sf) =	vpush v8, $0x8;
	s8 =	spop (v2sf);
	[tilespmem:s20+$0xFFFFFF60] =	vst v16  }
0x156: {  	(v2sf) =	vpush v8, $0x9;
	v27 =	vadd.bf16 v47, v34;
	v14 =	vunpack.i.l.bf16.f32 v15;
	v13 =	vld [tilespmem:s16+$0x30];
	[dreg:$0x7] =	wrdreg s8  }
0x157: {  	v17 =	vadd.bf16 v20, v17;
	v56 =	vadd.bf16 v32, v18;
	v15 =	vunpack.i.u.bf16.f32 v15;
	s16 =	spop (v2sf);
	[tilespmem:s20+$0x20] =	vst v14  }
0x158: {  	v54 =	vadd.bf16 v48, v27;
	v14 =	vld [tilespmem:s17+$0x30];
	[tilespmem:s20+$0x60] =	vst v15;
	s17 =	spop (v2sf)  }
0x159: {  	v58 =	vadd.bf16 v31, v17;
	v59 =	vunpack.i.l.bf16.f32 v56;
	v15 =	vld [tilespmem:s18+$0x30];
	s18 =	spop (v2sf)  }
0x15a: {  	v55 =	vadd.bf16 v49, v54;
	v19 =	vunpack.i.u.bf16.f32 v56;
	v11 =	vld [tilespmem:s24+$0x30];
	[tilespmem:s0+$0xFFFFFE30] =	vst v59;
	s23 =	spop (v2sf)  }
0x15b: {  	v9 =	vadd.bf16 v9, v23;
	(v2sf) =	vpush v8, $0xA;
	v60 =	vunpack.i.l.bf16.f32 v58;
	v18 =	vld [tilespmem:s26+$0x30];
	[tilespmem:s0+$0xFFFFFE70] =	vst v19;
	s4 =	spop (v2sf)  }
0x15c: {  	(v2sf) =	vpush v8, $0xB;
	v57 =	vadd.bf16 v50, v55;
	v17 =	vld [tilespmem:s28+$0x30];
	[tilespmem:s0+$0xFFFFFF30] =	vst v60;
	s26 =	spop (v2sf)  }
0x15d: {  	v10 =	vadd.bf16 v10, v9;
	(v2sf) =	vpush v8, $0xC;
	v16 =	vld [tilespmem:s11+$0x30];
	s31 =	sld [smem:$0x7DC];
	s28 =	spop (v2sf)  }
0x15e: {  	v62 =	vunpack.i.u.bf16.f32 v58;
	v20 =	vadd.bf16 v52, v57;
	v9 =	vld [tilespmem:s9+$0x30];
	(v2sf) =	vpush v8, $0xD;
	s15 =	spop (v2sf)  }
0x15f: {  	[tilespmem:s0+$0xFFFFFF70] =	vst v62;
	(v2sf) =	vpush v8, $0xE;
	v8 =	vld [tilespmem:s19+$0x30];
	s9 =	spop (v2sf)  }
0x160: {  	v61 =	vadd.bf16 v53, v20;
	v63 =	vld [tilespmem:s31+$0x0];
	[smem:$0x7F2] =	sst s9  }
0x161: {  	s9 =	sld [smem:$0x7DD]  }
0x162: {  	v36 =	vunpack.i.l.bf16.f32 v61  }
0x163: {  	v10 =	vadd.bf16 v29, v10;
	v19 =	vunpack.i.u.bf16.f32 v61;
	s29 =	spop (v2sf);
	[tilespmem:s20+$0x130] =	vst v36  }
0x164: {  	s2 =	spop (v2sf);
	s8 =	sld [smem:$0x7EA];
	[tilespmem:s20+$0x170] =	vst v19;
	v37 =	vld [tilespmem:s9+$0x0]  }
0x165: {  	v10 =	vadd.bf16 v30, v10;
	s5 =	spop (v2sf);
	v19 =	vld [tilespmem:s2+$0x0]  }
0x166: {  	v40 =	vld [tilespmem:s5+$0x0]  }
0x167: {  	v39 =	vunpack.i.l.bf16.f32 v10;
	v38 =	vld [tilespmem:s8+$0x0];
	[smem:$0x7D5] =	sst s5  }
0x168: {  	v10 =	vunpack.i.u.bf16.f32 v10;
	[tilespmem:s0+$0x30] =	vst v39  }
0x169: {  	s7 =	sld [smem:$0x7EB];
	[tilespmem:s0+$0x70] =	vst v10  }
0x16a: {  	s10 =	spop (v2sf);
	s6 =	sld [smem:$0x7EC]  }
0x16b: {  	v10 =	vld [tilespmem:s10+$0x0];
	s24 =	sld [smem:$0x7DE]  }
0x16c: {  	v41 =	vld [tilespmem:s7+$0x0];
	[smem:$0x7D6] =	sst s10  }
0x16d: {  	s30 =	spop (v2sf);
	v42 =	vld [tilespmem:s6+$0x0]  }
0x16e: {  	v43 =	vld [tilespmem:s30+$0x0]  }
0x16f: {  	s22 =	spop (v2sf);
	v19 =	vadd.bf16 v40, v19;
	s11 =	sld [smem:$0x7F5];
	v44 =	vld [tilespmem:s24+$0x0]  }
0x170: {  	s3 =	sld [smem:$0x7EE];
	s19 =	spop (v2sf);
	v45 =	vld [tilespmem:s22+$0x0]  }
0x171: {  	v47 =	vld [tilespmem:s19+$0x0];
	v10 =	vadd.bf16 v10, v19  }
0x172: {  	v52 =	vld [tilespmem:s11+$0x0];
	s11 =	sld [smem:$0x7F6]  }
0x173: {  	s1 =	sld [smem:$0x7F3];
	v48 =	vld [tilespmem:s3+$0x0];
	s13 =	spop (v2sf);
	v10 =	vadd.bf16 v43, v10  }
0x174: {  	s14 =	sld [smem:$0x7F4];
	v49 =	vld [tilespmem:s13+$0x0]  }
0x175: {  	v53 =	vld [tilespmem:s11+$0x0];
	s11 =	sld [smem:$0x7F7];
	v10 =	vadd.bf16 v45, v10  }
0x176: {  	v50 =	vld [tilespmem:s1+$0x0]  }
0x177: {  	s0 =	smov.u32 s10;
	s10 =	sld [smem:$0x7ED];
	v51 =	vld [tilespmem:s14+$0x0];
	v10 =	vadd.bf16 v47, v10  }
0x178: {  	v54 =	vld [tilespmem:s11+$0x0];
	s11 =	sld [smem:$0x7D7]  }
0x179: {  	v62 =	vld [tilespmem:s25+$0x0];
	v10 =	vadd.bf16 v49, v10  }
0x17a: {  	v46 =	vld [tilespmem:s10+$0x0]  }
0x17b: {  	v55 =	vld [tilespmem:s11+$0x0];
	s11 =	rddreg [dreg:$0x9];
	v57 =	vunpack.i.l.bf16.f32 v10  }
0x17c: {  	v56 =	vld [tilespmem:s11+$0x0];
	s11 =	rddreg [dreg:$0xc];
	v10 =	vunpack.i.u.bf16.f32 v10;
	[tilespmem:s20+$0x180] =	vst v57  }
0x17d: {  	v58 =	vld [tilespmem:s11+$0x0];
	s11 =	rddreg [dreg:$0xb];
	[tilespmem:s20+$0x1C0] =	vst v10;
	v10 =	vadd.bf16 v37, v63  }
0x17e: {  	v59 =	vld [tilespmem:s11+$0x0]  }
0x17f: {  	v60 =	vld [tilespmem:s2+$0x10];
	v10 =	vadd.bf16 v46, v10  }
0x180: {  	v61 =	vld [tilespmem:s5+$0x10]  }
0x181: {  	v63 =	vld [tilespmem:s0+$0x10];
	s0 =	rddreg [dreg:$0xe];
	v10 =	vadd.bf16 v51, v10  }
0x182: {  	v20 =	vadd.bf16 v41, v38;
	s5 =	rddreg [dreg:$0xd];
	v36 =	vld [tilespmem:s0+$0x0]  }
0x183: {  	v25 =	vadd.bf16 v44, v42;
	v37 =	vld [tilespmem:s30+$0x10];
	[smem:$0x7DB] =	sst s30;
	v10 =	vadd.bf16 v54, v10  }
0x184: {  	v20 =	vadd.bf16 v48, v20;
	s11 =	rddreg [dreg:$0xa];
	v38 =	vld [tilespmem:s5+$0x0]  }
0x185: {  	v25 =	vadd.bf16 v50, v25;
	v39 =	vld [tilespmem:s22+$0x10];
	[smem:$0x7E0] =	sst s22;
	v40 =	vadd.bf16 v58, v10  }
0x186: {  	v20 =	vadd.bf16 v52, v20;
	s12 =	sld [smem:$0x7D1];
	v41 =	vld [tilespmem:s11+$0x0];
	v21 =	vadd.bf16 v61, v60  }
0x187: {  	v19 =	vadd.bf16 v53, v25;
	v42 =	vld [tilespmem:s19+$0x10];
	[smem:$0x7E2] =	sst s19;
	v25 =	vadd.bf16 v36, v40  }
0x188: {  	v20 =	vadd.bf16 v55, v20;
	s25 =	sld [smem:$0x7D3];
	v43 =	vld [tilespmem:s13+$0x10];
	v21 =	vadd.bf16 v63, v21  }
0x189: {  	v19 =	vadd.bf16 v56, v19;
	v10 =	vld [tilespmem:s12+$0x30];
	[smem:$0x7E5] =	sst s13;
	s12 =	simm.s32 $0x6200;
	v44 =	vunpack.i.l.bf16.f32 v25  }
0x18a: {  	s0 =	smov.u32 s22;
	s22 =	sld [smem:$0x7D2];
	v20 =	vadd.bf16 v59, v20;
	v21 =	vadd.bf16 v37, v21;
	[tilespmem:s12+$0xFFFFFE80] =	vst v44  }
0x18b: {  	v23 =	vadd.bf16 v62, v19;
	s11 =	sld [smem:$0x7D4]  }
0x18c: {  	v20 =	vadd.bf16 v38, v20;
	v22 =	vadd.bf16 v39, v21  }
0x18d: {  	v25 =	vunpack.i.u.bf16.f32 v25  }
0x18e: {  	v23 =	vadd.bf16 v41, v23;
	v45 =	vunpack.i.l.bf16.f32 v20;
	v22 =	vadd.bf16 v42, v22;
	v21 =	vld [tilespmem:s11+$0x30];
	s11 =	rddreg [dreg:$0x8];
	[tilespmem:s12+$0xFFFFFEC0] =	vst v25  }
0x18f: {  	v20 =	vunpack.i.u.bf16.f32 v20;
	[tilespmem:s12+$0xFFFFFF80] =	vst v45  }
0x190: {  	v19 =	vld [tilespmem:s22+$0x30];
	v46 =	vunpack.i.l.bf16.f32 v23;
	v48 =	vadd.bf16 v43, v22;
	[tilespmem:s12+$0xFFFFFFC0] =	vst v20  }
0x191: {  	v24 =	vld [tilespmem:s25+$0x30];
	v49 =	vunpack.i.u.bf16.f32 v23;
	[tilespmem:s12+$0x80] =	vst v46  }
0x192: {  	[tilespmem:s12+$0xC0] =	vst v49;
	v25 =	vld [tilespmem:s31+$0x10];
	v52 =	vunpack.i.l.bf16.f32 v48  }
0x193: {  	v47 =	vld [tilespmem:s9+$0x10];
	v20 =	vunpack.i.u.bf16.f32 v48;
	[tilespmem:s20+$0x190] =	vst v52  }
0x194: {  	v50 =	vld [tilespmem:s8+$0x10];
	[tilespmem:s20+$0x1D0] =	vst v20  }
0x195: {  	v51 =	vld [tilespmem:s7+$0x10];
	s22 =	sld [smem:$0x7D5]  }
0x196: {  	v53 =	vld [tilespmem:s6+$0x10]  }
0x197: {  	v20 =	vld [tilespmem:s2+$0x20];
	s7 =	sld [smem:$0x7D6]  }
0x198: {  	v55 =	vld [tilespmem:s22+$0x20]  }
0x199: {  	v54 =	vld [tilespmem:s24+$0x10]  }
0x19a: {  	v57 =	vld [tilespmem:s7+$0x20]  }
0x19b: {  	v56 =	vld [tilespmem:s10+$0x10]  }
0x19c: {  	v59 =	vld [tilespmem:s30+$0x20]  }
0x19d: {  	v58 =	vld [tilespmem:s3+$0x10];
	v20 =	vadd.bf16 v55, v20  }
0x19e: {  	v61 =	vld [tilespmem:s0+$0x20]  }
0x19f: {  	v62 =	vld [tilespmem:s14+$0x10];
	v20 =	vadd.bf16 v57, v20  }
0x1a0: {  	s30 =	smov.u32 s14;
	v63 =	vld [tilespmem:s19+$0x20];
	s14 =	sld [smem:$0x7F5]  }
0x1a1: {  	v60 =	vld [tilespmem:s1+$0x10];
	s31 =	smov.u32 s1;
	s1 =	sld [smem:$0x7F7];
	v20 =	vadd.bf16 v59, v20  }
0x1a2: {  	v41 =	vld [tilespmem:s13+$0x20];
	s0 =	rddreg [dreg:$0xc]  }
0x1a3: {  	s6 =	sld [smem:$0x7F6];
	v46 =	vld [tilespmem:s0+$0x10];
	v25 =	vadd.bf16 v47, v25;
	v20 =	vadd.bf16 v61, v20  }
0x1a4: {  	s13 =	rddreg [dreg:$0xe];
	v43 =	vld [tilespmem:s1+$0x10]  }
0x1a5: {  	s24 =	sld [smem:$0x7D7];
	v48 =	vld [tilespmem:s13+$0x10];
	v25 =	vadd.bf16 v56, v25;
	v20 =	vadd.bf16 v63, v20  }
0x1a6: {  	v40 =	vld [tilespmem:s14+$0x10];
	v23 =	vadd.bf16 v51, v50  }
0x1a7: {  	v42 =	vld [tilespmem:s6+$0x10];
	v25 =	vadd.bf16 v62, v25;
	v20 =	vadd.bf16 v41, v20  }
0x1a8: {  	s9 =	rddreg [dreg:$0x9];
	v44 =	vld [tilespmem:s24+$0x10];
	v22 =	vadd.bf16 v54, v53  }
0x1a9: {  	s3 =	rddreg [dreg:$0xb];
	v45 =	vld [tilespmem:s9+$0x10];
	v23 =	vadd.bf16 v58, v23;
	v25 =	vadd.bf16 v43, v25;
	v49 =	vunpack.i.l.bf16.f32 v20  }
0x1aa: {  	s25 =	rddreg [dreg:$0xf];
	v47 =	vld [tilespmem:s3+$0x10];
	v22 =	vadd.bf16 v60, v22;
	[tilespmem:s20+$0x1A0] =	vst v49  }
0x1ab: {  	v50 =	vld [tilespmem:s25+$0x10];
	v23 =	vadd.bf16 v40, v23;
	v54 =	vadd.bf16 v46, v25;
	v20 =	vunpack.i.u.bf16.f32 v20;
	s8 =	rddreg [dreg:$0xd]  }
0x1ac: {  	v51 =	vadd.bf16 v42, v22;
	[tilespmem:s20+$0x1E0] =	vst v20;
	v52 =	vld [tilespmem:s8+$0x10]  }
0x1ad: {  	v53 =	vadd.bf16 v44, v23;
	v56 =	vadd.bf16 v48, v54;
	s19 =	rddreg [dreg:$0xa]  }
0x1ae: {  	s10 =	sld [smem:$0x7D8];
	v55 =	vld [tilespmem:s19+$0x10]  }
0x1af: {  	v26 =	vadd.bf16 v45, v51;
	v58 =	vunpack.i.u.bf16.f32 v56;
	v20 =	vadd.bf16 v47, v53;
	v22 =	vld [tilespmem:s2+$0x30];
	s2 =	sld [smem:$0x7D9]  }
0x1b0: {  	s5 =	smov.u32 s13;
	v29 =	vunpack.i.l.bf16.f32 v56;
	v25 =	vld [tilespmem:s22+$0x30];
	s13 =	sld [smem:$0x7DA];
	[tilespmem:s12+$0xFFFFFED0] =	vst v58  }
0x1b1: {  	v26 =	vadd.bf16 v50, v26;
	v23 =	vld [tilespmem:s7+$0x30];
	s19 =	sld [smem:$0x7DB];
	[tilespmem:s12+$0xFFFFFE90] =	vst v29;
	v57 =	vadd.bf16 v52, v20  }
0x1b2: {  	v50 =	vld [tilespmem:s30+$0x20]  }
0x1b3: {  	v53 =	vld [tilespmem:s1+$0x20];
	v26 =	vadd.bf16 v55, v26;
	v59 =	vunpack.i.l.bf16.f32 v57  }
0x1b4: {  	v56 =	vld [tilespmem:s0+$0x20];
	v27 =	vunpack.i.u.bf16.f32 v57;
	[tilespmem:s12+$0xFFFFFF90] =	vst v59  }
0x1b5: {  	v31 =	vld [tilespmem:s13+$0x30];
	v61 =	vunpack.i.l.bf16.f32 v26;
	s13 =	sld [smem:$0x7DC];
	[tilespmem:s12+$0xFFFFFFD0] =	vst v27  }
0x1b6: {  	v20 =	vld [tilespmem:s19+$0x30];
	v26 =	vunpack.i.u.bf16.f32 v26;
	s19 =	sld [smem:$0x7DD];
	[tilespmem:s12+$0x90] =	vst v61  }
0x1b7: {  	v30 =	vld [tilespmem:s2+$0x30];
	s22 =	sld [smem:$0x7EA];
	[tilespmem:s12+$0xD0] =	vst v26  }
0x1b8: {  	v59 =	vld [tilespmem:s5+$0x20];
	s2 =	sld [smem:$0x7EB]  }
0x1b9: {  	v60 =	vld [tilespmem:s13+$0x20]  }
0x1ba: {  	v63 =	vld [tilespmem:s22+$0x20];
	s22 =	sld [smem:$0x7EC]  }
0x1bb: {  	v44 =	vld [tilespmem:s2+$0x20];
	s2 =	sld [smem:$0x7ED]  }
0x1bc: {  	v62 =	vld [tilespmem:s19+$0x20]  }
0x1bd: {  	s7 =	sld [smem:$0x7EE];
	v45 =	vld [tilespmem:s22+$0x20]  }
0x1be: {  	s22 =	sld [smem:$0x7DE];
	v47 =	vld [tilespmem:s2+$0x20]  }
0x1bf: {  	v51 =	vld [tilespmem:s14+$0x20]  }
0x1c0: {  	v48 =	vld [tilespmem:s7+$0x20]  }
0x1c1: {  	v27 =	vadd.bf16 v62, v60;
	v46 =	vld [tilespmem:s22+$0x20]  }
0x1c2: {  	v54 =	vld [tilespmem:s24+$0x20]  }
0x1c3: {  	v49 =	vld [tilespmem:s31+$0x20];
	v27 =	vadd.bf16 v47, v27  }
0x1c4: {  	v52 =	vld [tilespmem:s6+$0x20];
	v26 =	vadd.bf16 v44, v63  }
0x1c5: {  	v58 =	vld [tilespmem:s25+$0x20];
	s25 =	sld [smem:$0x7DF];
	v27 =	vadd.bf16 v50, v27  }
0x1c6: {  	v57 =	vld [tilespmem:s3+$0x20];
	s30 =	sld [smem:$0x7E0];
	v26 =	vadd.bf16 v48, v26;
	v32 =	vadd.bf16 v46, v45  }
0x1c7: {  	v12 =	vadd.bf16 v13, v12;
	v55 =	vld [tilespmem:s9+$0x20];
	s1 =	sld [smem:$0x7E1];
	v27 =	vadd.bf16 v53, v27  }
0x1c8: {  	s3 =	sld [smem:$0x7E2];
	v26 =	vadd.bf16 v51, v26;
	v32 =	vadd.bf16 v49, v32  }
0x1c9: {  	v11 =	vadd.bf16 v14, v11;
	v61 =	vld [tilespmem:s8+$0x20];
	s6 =	sld [smem:$0x7E5];
	v27 =	vadd.bf16 v56, v27  }
0x1ca: {  	s2 =	rddreg [dreg:$0xa];
	v26 =	vadd.bf16 v54, v26;
	v32 =	vadd.bf16 v52, v32  }
0x1cb: {  	v12 =	vadd.bf16 v18, v12;
	s7 =	smov.u32 s5;
	s5 =	sld [smem:$0x7E4];
	v62 =	vld [tilespmem:s2+$0x20];
	v27 =	vadd.bf16 v59, v27  }
0x1cc: {  	s0 =	sld [smem:$0x7E6];
	v38 =	vld [tilespmem:s30+$0x30];
	v26 =	vadd.bf16 v57, v26;
	v29 =	vadd.bf16 v55, v32  }
0x1cd: {  	v15 =	vadd.bf16 v16, v15;
	v8 =	vadd.bf16 v8, v12;
	s8 =	sld [smem:$0x7E7];
	v13 =	vld [tilespmem:s1+$0x30];
	v34 =	vunpack.i.l.bf16.f32 v27  }
0x1ce: {  	s1 =	sld [smem:$0x7E3];
	v14 =	vld [tilespmem:s5+$0x30];
	v63 =	vadd.bf16 v61, v26;
	v29 =	vadd.bf16 v58, v29;
	[tilespmem:s12+$0xFFFFFEA0] =	vst v34  }
0x1cf: {  	v9 =	vadd.bf16 v9, v15;
	v8 =	vadd.bf16 v24, v8;
	s31 =	smov.u32 s9;
	v33 =	vld [tilespmem:s3+$0x30];
	v35 =	vunpack.i.u.bf16.f32 v27;
	s9 =	sld [smem:$0x7E8]  }
0x1d0: {  	v11 =	vadd.bf16 v17, v11;
	v16 =	vld [tilespmem:s6+$0x30];
	v39 =	vunpack.i.l.bf16.f32 v63;
	v36 =	vadd.bf16 v62, v29;
	s6 =	sld [smem:$0x7E9];
	[tilespmem:s12+$0xFFFFFEE0] =	vst v35  }
0x1d1: {  	v9 =	vadd.bf16 v19, v9;
	v8 =	vadd.bf16 v31, v8;
	v12 =	vld [tilespmem:s8+$0x30];
	v40 =	vunpack.i.u.bf16.f32 v63;
	[tilespmem:s12+$0xFFFFFFA0] =	vst v39  }
0x1d2: {  	v10 =	vadd.bf16 v10, v11;
	v60 =	vld [tilespmem:s25+$0x30];
	[tilespmem:s12+$0xFFFFFFE0] =	vst v40;
	v42 =	vunpack.i.l.bf16.f32 v36  }
0x1d3: {  	v9 =	vadd.bf16 v30, v9;
	v8 =	vadd.bf16 v14, v8;
	v11 =	vld [tilespmem:s13+$0x30];
	s13 =	sld [smem:$0x7EA];
	v43 =	vunpack.i.u.bf16.f32 v36;
	[tilespmem:s12+$0xA0] =	vst v42  }
0x1d4: {  	v41 =	vld [tilespmem:s19+$0x30];
	s14 =	sld [smem:$0x7EB];
	[tilespmem:s12+$0xE0] =	vst v43  }
0x1d5: {  	v9 =	vadd.bf16 v13, v9;
	v13 =	vunpack.i.l.bf16.f32 v8;
	v15 =	vld [tilespmem:s9+$0x30];
	s19 =	sld [smem:$0x7EC]  }
0x1d6: {  	v10 =	vadd.bf16 v21, v10;
	v8 =	vunpack.i.u.bf16.f32 v8;
	v21 =	vld [tilespmem:s22+$0x30];
	s22 =	sld [smem:$0x7ED];
	[tilespmem:s20+$0xFFFFFE30] =	vst v13  }
0x1d7: {  	s25 =	sld [smem:$0x7EE];
	[tilespmem:s20+$0xFFFFFE70] =	vst v8;
	v44 =	vld [tilespmem:s14+$0x30]  }
0x1d8: {  	v10 =	vadd.bf16 v60, v10;
	v47 =	vld [tilespmem:s6+$0x0]  }
0x1d9: {  	v53 =	vld [tilespmem:s17+$0x0]  }
0x1da: {  	v10 =	vadd.bf16 v12, v10;
	v55 =	vld [tilespmem:s4+$0x0]  }
0x1db: {  	s3 =	sld [smem:$0x7EF];
	v14 =	vld [tilespmem:s19+$0x30]  }
0x1dc: {  	v12 =	vld [tilespmem:s22+$0x30];
	v9 =	vadd.bf16 v15, v9;
	v15 =	vunpack.i.l.bf16.f32 v10  }
0x1dd: {  	v8 =	vunpack.i.u.bf16.f32 v10;
	v13 =	vld [tilespmem:s25+$0x30];
	[tilespmem:s20+$0xFFFFFF30] =	vst v15  }
0x1de: {  	v10 =	vld [tilespmem:s3+$0x0];
	s5 =	sld [smem:$0x7F0];
	[tilespmem:s20+$0xFFFFFF70] =	vst v8  }
0x1df: {  	v15 =	vunpack.i.l.bf16.f32 v9;
	v8 =	vunpack.i.u.bf16.f32 v9;
	v9 =	vld [tilespmem:s0+$0x0]  }
0x1e0: {  	[tilespmem:s20+$0x30] =	vst v15;
	v15 =	vld [tilespmem:s1+$0x0]  }
0x1e1: {  	v48 =	vld [tilespmem:s10+$0x0]  }
0x1e2: {  	[tilespmem:s20+$0x70] =	vst v8;
	v54 =	vld [tilespmem:s18+$0x0]  }
0x1e3: {  	s19 =	sld [smem:$0x7F1];
	v45 =	vld [tilespmem:s5+$0x0]  }
0x1e4: {  	v56 =	vld [tilespmem:s26+$0x0]  }
0x1e5: {  	v46 =	vld [tilespmem:s21+$0x0]  }
0x1e6: {  	s14 =	rddreg [dreg:$0x1f];
	v8 =	vld [tilespmem:s19+$0x0]  }
0x1e7: {  	v50 =	vld [tilespmem:s14+$0x0]  }
0x1e8: {  	v49 =	vld [tilespmem:s11+$0x0];
	s8 =	rddreg [dreg:$0x7];
	v10 =	vadd.bf16 v45, v10  }
0x1e9: {  	v51 =	vld [tilespmem:s8+$0x0]  }
0x1ea: {  	v52 =	vld [tilespmem:s16+$0x0];
	v9 =	vadd.bf16 v15, v9;
	v10 =	vadd.bf16 v47, v10  }
0x1eb: {  	v1 =	vadd.bf16 v2, v1;
	v57 =	vld [tilespmem:s28+$0x0];
	s30 =	sld [smem:$0x7F2];
	v8 =	vadd.bf16 v46, v8  }
0x1ec: {  	s22 =	sld [smem:$0x7F3];
	v15 =	vld [tilespmem:s23+$0x0];
	v9 =	vadd.bf16 v48, v9;
	v10 =	vadd.bf16 v50, v10  }
0x1ed: {  	v1 =	vadd.bf16 v4, v1;
	s25 =	sld [smem:$0x7F4];
	v2 =	vadd.bf16 v49, v8;
	v8 =	vld [tilespmem:s15+$0x0]  }
0x1ee: {  	v4 =	vld [tilespmem:s30+$0x0];
	v9 =	vadd.bf16 v51, v9;
	v10 =	vadd.bf16 v53, v10  }
0x1ef: {  	v58 =	vld [tilespmem:s22+$0x30];
	v2 =	vadd.bf16 v52, v2  }
0x1f0: {  	v59 =	vld [tilespmem:s25+$0x30];
	s22 =	sld [smem:$0x7F6];
	v9 =	vadd.bf16 v54, v9;
	v10 =	vadd.bf16 v55, v10  }
0x1f1: {  	v22 =	vadd.bf16 v25, v22;
	s25 =	sld [smem:$0x7F7];
	v2 =	vadd.bf16 v15, v2;
	v15 =	vld [tilespmem:s29+$0x0]  }
0x1f2: {  	v17 =	vld [tilespmem:s13+$0x30];
	s9 =	smov.u32 s30;
	s30 =	sld [smem:$0x7F5];
	v9 =	vadd.bf16 v56, v9;
	v8 =	vadd.bf16 v8, v10  }
0x1f3: {  	v1 =	vadd.bf16 v3, v1;
	v3 =	vadd.bf16 v23, v22;
	v60 =	vld [tilespmem:s22+$0x30]  }
0x1f4: {  	v61 =	vld [tilespmem:s25+$0x30];
	v4 =	vadd.bf16 v4, v9;
	v2 =	vadd.bf16 v57, v2;
	v9 =	vunpack.i.l.bf16.f32 v8  }
0x1f5: {  	v1 =	vadd.bf16 v5, v1;
	v10 =	vld [tilespmem:s30+$0x30];
	v5 =	vunpack.i.u.bf16.f32 v8;
	[tilespmem:s20+$0xFFFFFE80] =	vst v9  }
0x1f6: {  	v3 =	vadd.bf16 v20, v3;
	v9 =	vld [tilespmem:s24+$0x30];
	v2 =	vadd.bf16 v15, v2;
	[tilespmem:s20+$0xFFFFFEC0] =	vst v5;
	v5 =	vunpack.i.l.bf16.f32 v4  }
0x1f7: {  	v1 =	vadd.bf16 v6, v1;
	v4 =	vunpack.i.u.bf16.f32 v4;
	[tilespmem:s20+$0xFFFFFF80] =	vst v5;
	v15 =	vld [tilespmem:s3+$0x10]  }
0x1f8: {  	v3 =	vadd.bf16 v38, v3;
	[tilespmem:s20+$0xFFFFFFC0] =	vst v4;
	v62 =	vld [tilespmem:s5+$0x10];
	v5 =	vunpack.i.l.bf16.f32 v2  }
0x1f9: {  	v1 =	vadd.bf16 v7, v1;
	v4 =	vadd.bf16 v41, v11;
	v2 =	vunpack.i.u.bf16.f32 v2;
	v11 =	vld [tilespmem:s0+$0x10];
	[tilespmem:s20+$0x80] =	vst v5  }
0x1fa: {  	v3 =	vadd.bf16 v33, v3;
	v63 =	vld [tilespmem:s1+$0x10];
	v5 =	vadd.bf16 v44, v17;
	[tilespmem:s20+$0xC0] =	vst v2  }
0x1fb: {  	v2 =	vadd.bf16 v21, v14;
	v4 =	vadd.bf16 v12, v4;
	v12 =	vld [tilespmem:s19+$0x10]  }
0x1fc: {  	v7 =	vunpack.i.u.bf16.f32 v1;
	v3 =	vadd.bf16 v16, v3;
	v5 =	vadd.bf16 v13, v5;
	v13 =	vld [tilespmem:s21+$0x10]  }
0x1fd: {  	v1 =	vunpack.i.l.bf16.f32 v1;
	[tilespmem:s12+$0x1F0] =	vst v7;
	v6 =	vadd.bf16 v58, v2;
	v8 =	vadd.bf16 v59, v4;
	v2 =	vld [tilespmem:s6+$0x10]  }
0x1fe: {  	[tilespmem:s12+$0x1B0] =	vst v1;
	v1 =	vunpack.i.u.bf16.f32 v3;
	v4 =	vld [tilespmem:s10+$0x10];
	v5 =	vadd.bf16 v10, v5  }
0x1ff: {  	s13 =	smov.u32 s3;
	[tilespmem:s20+$0x1F0] =	vst v1;
	s25 =	smov.u32 s5;
	v14 =	vunpack.i.l.bf16.f32 v3;
	v7 =	vadd.bf16 v60, v6;
	v6 =	vadd.bf16 v61, v8;
	v8 =	vld [tilespmem:s11+$0x10]  }
0x200: {  	s30 =	simm.s32 $0x4;
	s24 =	smov.u32 s19;
	s3 =	smov.u32 s14;
	[tilespmem:s20+$0x1B0] =	vst v14;
	v3 =	vadd.bf16 v62, v15;
	v10 =	vld [tilespmem:s14+$0x10];
	v11 =	vadd.bf16 v63, v11  }
0x201: {  	s19 =	smov.u32 s8;
	v5 =	vadd.bf16 v9, v5;
	v9 =	vld [tilespmem:s8+$0x10];
	[dreg:$0x3] =	wrdreg s30;
	s8 =	simm.s32 $0x50A0;
	v12 =	vadd.bf16 v13, v12  }
.LBB2_4:
0x202: {  	v1 =	vld [tilespmem:s8+$0x10];
	_ =	sdelay $0x1  }
0x203: {  	v13 =	vadd.bf16 v2, v3;
	v3 =	vld [tilespmem:s8+$0xFFFFFFF0]  }
0x204: {  	v14 =	vld [tilespmem:s23+$0x10]  }
0x205: {  	v11 =	vadd.bf16 v4, v11;
	v4 =	vld [tilespmem:s8+$0xFFFFFFE0]  }
0x206: {  	v8 =	vadd.bf16 v8, v12;
	v12 =	vld [tilespmem:s17+$0x10];
	(v2sf) =	vpush v1, $0x0  }
0x207: {  	[smem:$0x7D8] =	sst s10;
	v9 =	vadd.bf16 v9, v11;
	v11 =	vld [tilespmem:s16+$0x10];
	(v2sf) =	vpush v1, $0x1  }
0x208: {  	[dreg:$0x1f] =	wrdreg s3;
	v10 =	vadd.bf16 v10, v13;
	v13 =	vld [tilespmem:s18+$0x10];
	(v2sf) =	vpush v3, $0x0  }
0x209: {  	[dreg:$0x17] =	wrdreg s8;
	v15 =	vld [tilespmem:s4+$0x10];
	(v2sf) =	vpush v1, $0x2  }
0x20a: {  	[dreg:$0x8] =	wrdreg s11;
	v16 =	vld [tilespmem:s26+$0x10];
	(v2sf) =	vpush v4, $0x0  }
0x20b: {  	[dreg:$0x7] =	wrdreg s19;
	v2 =	vld [tilespmem:s8+$0x0];
	v10 =	vadd.bf16 v12, v10;
	(v2sf) =	vpush v1, $0x3  }
0x20c: {  	[dreg:$0x6] =	wrdreg s18;
	v12 =	vld [tilespmem:s15+$0x10];
	v8 =	vadd.bf16 v11, v8;
	(v2sf) =	vpush v4, $0x1  }
0x20d: {  	[dreg:$0x5] =	wrdreg s17;
	v11 =	vld [tilespmem:s28+$0x10];
	v9 =	vadd.bf16 v13, v9;
	(v2sf) =	vpush v1, $0x4  }
0x20e: {  	[dreg:$0x4] =	wrdreg s16;
	v13 =	vld [tilespmem:s9+$0x10];
	v10 =	vadd.bf16 v15, v10;
	(v2sf) =	vpush v3, $0x1  }
0x20f: {  	v8 =	vadd.bf16 v14, v8;
	v14 =	vld [tilespmem:s29+$0x10];
	(v2sf) =	vpush v1, $0x5  }
0x210: {  	v9 =	vadd.bf16 v16, v9;
	v15 =	vld [tilespmem:s31+$0x30]  }
0x211: {  	v10 =	vadd.bf16 v12, v10;
	(v2sf) =	vpush v2, $0x0;
	s18 =	rddreg [dreg:$0xc];
	v18 =	vld [tilespmem:s2+$0x30]  }
0x212: {  	v8 =	vadd.bf16 v11, v8;
	s22 =	rddreg [dreg:$0xb];
	v11 =	vld [tilespmem:s18+$0x30];
	(v2sf) =	vpush v1, $0x6  }
0x213: {  	s14 =	smov.u32 s23;
	s23 =	smov.u32 s26;
	s26 =	rddreg [dreg:$0xf];
	v12 =	vld [tilespmem:s22+$0x30];
	(v2sf) =	vpush v2, $0x1  }
0x214: {  	v9 =	vadd.bf16 v13, v9;
	v61 =	vunpack.i.u.bf16.f32 v10;
	v13 =	vld [tilespmem:s26+$0x30];
	(v2sf) =	vpush v4, $0x2  }
0x215: {  	v10 =	vunpack.i.l.bf16.f32 v10;
	s5 =	rddreg [dreg:$0xd];
	v8 =	vadd.bf16 v14, v8;
	v14 =	vld [tilespmem:s7+$0x30];
	(v2sf) =	vpush v3, $0x2  }
0x216: {  	s3 =	smov.u32 s15;
	v62 =	vunpack.i.u.bf16.f32 v9;
	v17 =	vld [tilespmem:s5+$0x30];
	[tilespmem:s20+$0xFFFFFE90] =	vst v10;
	v9 =	vunpack.i.l.bf16.f32 v9;
	s15 =	spop (v2sf);
	(v2sf) =	vpush v2, $0x2  }
0x217: {  	[tilespmem:s20+$0xFFFFFF90] =	vst v9;
	v19 =	vld [tilespmem:s15+$0x0];
	s16 =	spop (v2sf);
	v7 =	vadd.bf16 v15, v7;
	(v2sf) =	vpush v4, $0x3  }
0x218: {  	s17 =	rddreg [dreg:$0x3];
	[tilespmem:s20+$0xFFFFFFD0] =	vst v62;
	v10 =	vunpack.i.u.bf16.f32 v8;
	v9 =	vld [tilespmem:s16+$0x0];
	v6 =	vadd.bf16 v11, v6;
	s31 =	spop (v2sf);
	(v2sf) =	vpush v3, $0x3  }
0x219: {  	s10 =	smov.u32 s9;
	s9 =	sadd.s32 $0x4, s17;
	[tilespmem:s20+$0xFFFFFED0] =	vst v61;
	v8 =	vunpack.i.l.bf16.f32 v8;
	v5 =	vadd.bf16 v12, v5;
	v11 =	vld [tilespmem:s31+$0x0];
	(v2sf) =	vpush v2, $0x3;
	s17 =	spop (v2sf)  }
0x21a: {  	[dreg:$0x3] =	wrdreg s9;
	p0 =	slt.u32 s9, $0xFC;
	[tilespmem:s20+$0x90] =	vst v8;
	v7 =	vadd.bf16 v13, v7;
	v8 =	vld [tilespmem:s17+$0x0];
	s9 =	spop (v2sf);
	(v2sf) =	vpush v4, $0x4  }
0x21b: {  	[tilespmem:s20+$0xD0] =	vst v10;
	v6 =	vadd.bf16 v14, v6;
	v10 =	vld [tilespmem:s9+$0x0];
	(v2sf) =	vpush v3, $0x4;
	s18 =	spop (v2sf)  }
0x21c: {  	s19 =	smov.u32 s4;
	s30 =	smov.u32 s28;
	v5 =	vadd.bf16 v17, v5;
	v12 =	vld [tilespmem:s18+$0x0];
	s28 =	spop (v2sf);
	(v2sf) =	vpush v2, $0x4  }
0x21d: {  	s8 =	smov.u32 s29;
	[dreg:$0xc] =	wrdreg s19;
	v9 =	vadd.bf16 v9, v19;
	v14 =	vunpack.i.u.bf16.f32 v6;
	v13 =	vld [tilespmem:s28+$0x0];
	(v2sf) =	vpush v4, $0x5;
	s19 =	spop (v2sf)  }
0x21e: {  	[dreg:$0xa] =	wrdreg s8;
	v7 =	vadd.bf16 v18, v7;
	v6 =	vunpack.i.l.bf16.f32 v6;
	[tilespmem:s12+$0xFFFFFEF0] =	vst v14;
	v15 =	vld [tilespmem:s19+$0x0];
	s8 =	spop (v2sf);
	(v2sf) =	vpush v3, $0x5  }
0x21f: {  	[smem:$0x7E6] =	sst s0;
	s5 =	smov.u32 s0;
	[tilespmem:s12+$0xFFFFFEB0] =	vst v6;
	v6 =	vunpack.i.u.bf16.f32 v5;
	v14 =	vld [tilespmem:s8+$0x0];
	v8 =	vadd.bf16 v8, v9;
	(v2sf) =	vpush v2, $0x5;
	s0 =	spop (v2sf)  }
0x220: {  	s7 =	smov.u32 s10;
	v5 =	vunpack.i.l.bf16.f32 v5;
	[tilespmem:s12+$0xFFFFFFF0] =	vst v6;
	v9 =	vld [tilespmem:s0+$0x0];
	(v2sf) =	vpush v4, $0x6;
	s10 =	spop (v2sf)  }
0x221: {  	[dreg:$0x9] =	wrdreg s14;
	[tilespmem:s12+$0xFFFFFFB0] =	vst v5;
	v5 =	vunpack.i.l.bf16.f32 v7;
	v63 =	vld [tilespmem:s10+$0x0];
	v8 =	vadd.bf16 v12, v8;
	(v2sf) =	vpush v3, $0x6;
	s14 =	spop (v2sf)  }
0x222: {  	[smem:$0x7CC] =	sst s21;
	v6 =	vunpack.i.u.bf16.f32 v7;
	[tilespmem:s12+$0xB0] =	vst v5;
	v7 =	vadd.bf16 v13, v10;
	v10 =	vld [tilespmem:s14+$0x0];
	s11 =	spop (v2sf);
	(v2sf) =	vpush v2, $0x6  }
0x223: {  	[dreg:$0xf] =	wrdreg s30;
	s30 =	smov.u32 s21;
	v5 =	vld [tilespmem:s11+$0x0];
	v8 =	vadd.bf16 v15, v8;
	s21 =	spop (v2sf);
	(v2sf) =	vpush v4, $0x8  }
0x224: {  	[dreg:$0xb] =	wrdreg s23;
	[tilespmem:s12+$0xF0] =	vst v6;
	v6 =	vld [tilespmem:s21+$0x0];
	(v2sf) =	vpush v4, $0x9;
	s23 =	spop (v2sf)  }
0x225: {  	[dreg:$0xe] =	wrdreg s3;
	v12 =	vld [tilespmem:s23+$0x0];
	v8 =	vadd.bf16 v9, v8;
	(v2sf) =	vpush v3, $0x8;
	s26 =	spop (v2sf)  }
0x226: {  	[smem:$0x7F1] =	sst s24;
	v9 =	vld [tilespmem:s26+$0x0];
	s22 =	spop (v2sf);
	(v2sf) =	vpush v3, $0x9  }
0x227: {  	[smem:$0x7C0] =	sst s11;
	v13 =	vld [tilespmem:s22+$0x0];
	v8 =	vadd.bf16 v10, v8;
	s11 =	spop (v2sf);
	(v2sf) =	vpush v2, $0x8  }
0x228: {  	s3 =	smov.u32 s25;
	[smem:$0x7F0] =	sst s25;
	v11 =	vadd.bf16 v14, v11;
	v10 =	vld [tilespmem:s11+$0x0];
	s4 =	spop (v2sf);
	(v2sf) =	vpush v2, $0x9  }
0x229: {  	s12 =	smov.u32 s20;
	s20 =	sadd.s32 $0x400, s20;
	v6 =	vadd.bf16 v6, v7;
	v7 =	vld [tilespmem:s4+$0x0];
	v14 =	vunpack.i.l.bf16.f32 v8;
	s25 =	spop (v2sf);
	(v2sf) =	vpush v4, $0xA  }
0x22a: {  	[smem:$0x7BD] =	sst s22;
	v5 =	vadd.bf16 v5, v63;
	v8 =	vunpack.i.u.bf16.f32 v8;
	v15 =	vld [tilespmem:s25+$0x0];
	[tilespmem:s20+$0x100] =	vst v14;
	s22 =	spop (v2sf);
	(v2sf) =	vpush v3, $0xA  }
0x22b: {  	[smem:$0x7BA] =	sst s9;
	v11 =	vadd.bf16 v12, v11;
	[tilespmem:s20+$0x140] =	vst v8;
	v12 =	vld [tilespmem:s22+$0x0];
	s9 =	spop (v2sf);
	(v2sf) =	vpush v2, $0xA  }
0x22c: {  	[smem:$0x7BB] =	sst s10;
	s10 =	smov.u32 s24;
	v5 =	vadd.bf16 v9, v5;
	v8 =	vld [tilespmem:s15+$0x10];
	s24 =	spop (v2sf);
	(v2sf) =	vpush v4, $0xB  }
0x22d: {  	[smem:$0x7E3] =	sst s1;
	v9 =	vadd.bf16 v10, v11;
	v10 =	vld [tilespmem:s16+$0x10];
	s2 =	spop (v2sf);
	(v2sf) =	vpush v3, $0xB  }
0x22e: {  	[smem:$0x7EF] =	sst s13;
	v5 =	vadd.bf16 v7, v5;
	v7 =	vld [tilespmem:s9+$0x0];
	s29 =	spop (v2sf);
	(v2sf) =	vpush v2, $0xB  }
0x22f: {  	[dreg:$0xd] =	wrdreg s7;
	s7 =	smov.u32 s13;
	v11 =	vld [tilespmem:s17+$0x10];
	s13 =	spop (v2sf);
	(v2sf) =	vpush v4, $0xC  }
0x230: {  	v6 =	vadd.bf16 v13, v6;
	[smem:$0x7BE] =	sst s24;
	v13 =	vld [tilespmem:s24+$0x0];
	s24 =	spop (v2sf);
	(v2sf) =	vpush v3, $0xC  }
0x231: {  	[smem:$0x7BC] =	sst s21;
	v9 =	vadd.bf16 v12, v9;
	v12 =	vld [tilespmem:s18+$0x10];
	s21 =	spop (v2sf);
	(v2sf) =	vpush v2, $0xC  }
0x232: {  	[smem:$0x7C4] =	sst s2;
	v14 =	vld [tilespmem:s2+$0x0];
	v8 =	vadd.bf16 v10, v8;
	s2 =	spop (v2sf)  }
0x233: {  	(v2sf) =	vpush v4, $0xD;
	[dreg:$0x1a] =	wrdreg s2;
	v5 =	vadd.bf16 v7, v5;
	v7 =	vld [tilespmem:s19+$0x10];
	s2 =	spop (v2sf)  }
0x234: {  	v10 =	vld [tilespmem:s29+$0x0];
	(v2sf) =	vpush v3, $0xD;
	[dreg:$0x1c] =	wrdreg s2;
	v8 =	vadd.bf16 v11, v8;
	s2 =	spop (v2sf)  }
0x235: {  	v6 =	vadd.bf16 v15, v6;
	(v2sf) =	vpush v2, $0xD;
	v11 =	vld [tilespmem:s0+$0x10];
	[dreg:$0x1d] =	wrdreg s2;
	s2 =	spop (v2sf)  }
0x236: {  	[smem:$0x7C7] =	sst s13;
	(v2sf) =	vpush v4, $0xE;
	v4 =	vld [tilespmem:s13+$0x0];
	v8 =	vadd.bf16 v12, v8;
	s13 =	spop (v2sf)  }
0x237: {  	[dreg:$0x1e] =	wrdreg s2;
	(v2sf) =	vpush v3, $0xE;
	v3 =	vadd.bf16 v14, v9;
	v9 =	vld [tilespmem:s14+$0x10];
	s2 =	spop (v2sf)  }
0x238: {  	(v2sf) =	vpush v2, $0xE;
	v2 =	vld [tilespmem:s24+$0x0];
	[dreg:$0x19] =	wrdreg s2;
	s2 =	smov.u32 s24;
	v7 =	vadd.bf16 v7, v8;
	s24 =	spop (v2sf)  }
0x239: {  	v6 =	vadd.bf16 v13, v6;
	[dreg:$0x1b] =	wrdreg s13;
	v8 =	vld [tilespmem:s21+$0x0];
	s13 =	spop (v2sf)  }
0x23a: {  	[smem:$0x7BF] =	sst s21;
	v5 =	vadd.bf16 v10, v5;
	v10 =	vld [tilespmem:s7+$0x20];
	v7 =	vadd.bf16 v11, v7;
	s21 =	spop (v2sf)  }
0x23b: {  	[dreg:$0x18] =	wrdreg s24;
	v4 =	vadd.bf16 v4, v6;
	v6 =	vld [tilespmem:s3+$0x20];
	s24 =	spop (v2sf)  }
0x23c: {  	[dreg:$0x11] =	wrdreg s13;
	v7 =	vadd.bf16 v9, v7;
	s13 =	spop (v2sf);
	v9 =	vld [tilespmem:s5+$0x20]  }
0x23d: {  	[dreg:$0x10] =	wrdreg s21;
	v11 =	vunpack.i.u.bf16.f32 v4;
	v4 =	vunpack.i.l.bf16.f32 v4;
	v2 =	vadd.bf16 v2, v3;
	v3 =	vld [tilespmem:s1+$0x20];
	s21 =	spop (v2sf)  }
0x23e: {  	[dreg:$0x12] =	wrdreg s24;
	[tilespmem:s20+$0xFFFFFE00] =	vst v4;
	v4 =	vadd.bf16 v8, v5;
	v8 =	vld [tilespmem:s10+$0x20];
	v5 =	vunpack.i.l.bf16.f32 v7;
	s24 =	spop (v2sf)  }
0x23f: {  	[smem:$0x7C5] =	sst s29;
	v7 =	vunpack.i.u.bf16.f32 v7;
	[tilespmem:s20+$0x110] =	vst v5;
	s1 =	spop (v2sf);
	v5 =	vld [tilespmem:s30+$0x20]  }
0x240: {  	s29 =	sld [smem:$0x7BD];
	[tilespmem:s20+$0x150] =	vst v7;
	v7 =	vld [tilespmem:s6+$0x20];
	s5 =	spop (v2sf)  }
0x241: {  	v6 =	vadd.bf16 v6, v10;
	v10 =	vld [tilespmem:s15+$0x20];
	[smem:$0x7C2] =	sst s5  }
0x242: {  	v12 =	vunpack.i.u.bf16.f32 v2;
	[tilespmem:s20+$0xFFFFFE40] =	vst v11;
	v11 =	vld [tilespmem:s16+$0x20];
	s5 =	sld [smem:$0x7BA]  }
0x243: {  	[tilespmem:s20+$0xFFFFFF40] =	vst v12;
	v12 =	vld [tilespmem:s17+$0x20]  }
0x244: {  	[smem:$0x7E9] =	sst s6;
	v2 =	vunpack.i.l.bf16.f32 v2;
	v14 =	vld [tilespmem:s29+$0x10];
	s6 =	spop (v2sf)  }
0x245: {  	[dreg:$0x13] =	wrdreg s13;
	[tilespmem:s20+$0xFFFFFF00] =	vst v2;
	v2 =	vadd.bf16 v3, v9;
	s7 =	spop (v2sf);
	v9 =	vld [tilespmem:s5+$0x10]  }
0x246: {  	[dreg:$0x14] =	wrdreg s21;
	v13 =	vunpack.i.u.bf16.f32 v4;
	v4 =	vunpack.i.l.bf16.f32 v4;
	s10 =	spop (v2sf);
	v3 =	vadd.bf16 v5, v8;
	v5 =	vld [tilespmem:s28+$0x10]  }
0x247: {  	[tilespmem:s20+$0x0] =	vst v4;
	[smem:$0x7CA] =	sst s6;
	s13 =	spop (v2sf);
	v4 =	vadd.bf16 v7, v6;
	v6 =	vld [tilespmem:s18+$0x20]  }
0x248: {  	v7 =	vld [tilespmem:s31+$0x10];
	[smem:$0x7C3] =	sst s13;
	v8 =	vadd.bf16 v11, v10  }
0x249: {  	s21 =	spop (v2sf);
	v10 =	vld [tilespmem:s19+$0x20];
	s13 =	sld [smem:$0x7C0]  }
0x24a: {  	v11 =	vld [tilespmem:s8+$0x10];
	[smem:$0x7F2] =	sst s21;
	v8 =	vadd.bf16 v12, v8  }
0x24b: {  	[tilespmem:s20+$0x40] =	vst v13;
	s21 =	sld [smem:$0x7BB];
	v5 =	vadd.bf16 v5, v9;
	v9 =	vld [tilespmem:s0+$0x20]  }
0x24c: {  	s6 =	smov.u32 s31;
	s31 =	sld [smem:$0x7BC];
	v13 =	vld [tilespmem:s13+$0x10];
	v6 =	vadd.bf16 v6, v8  }
0x24d: {  	v8 =	vld [tilespmem:s14+$0x20]  }
0x24e: {  	v12 =	vld [tilespmem:s21+$0x10];
	v6 =	vadd.bf16 v10, v6  }
0x24f: {  	v10 =	vld [tilespmem:s31+$0x10]  }
0x250: {  	v7 =	vadd.bf16 v11, v7;
	v11 =	vld [tilespmem:s23+$0x10];
	v6 =	vadd.bf16 v9, v6  }
0x251: {  	v15 =	vld [tilespmem:s25+$0x10]  }
0x252: {  	[smem:$0x7C8] =	sst s10;
	v9 =	vld [tilespmem:s26+$0x10];
	v6 =	vadd.bf16 v8, v6  }
0x253: {  	s10 =	sld [smem:$0x7BE];
	v8 =	vld [tilespmem:s11+$0x10]  }
0x254: {  	v12 =	vadd.bf16 v13, v12;
	v5 =	vadd.bf16 v10, v5;
	v10 =	vld [tilespmem:s4+$0x10];
	v13 =	vunpack.i.l.bf16.f32 v6  }
0x255: {  	v7 =	vadd.bf16 v11, v7;
	v11 =	vld [tilespmem:s22+$0x10];
	v6 =	vunpack.i.u.bf16.f32 v6;
	[tilespmem:s20+$0x120] =	vst v13  }
0x256: {  	[tilespmem:s20+$0x160] =	vst v6;
	v13 =	vld [tilespmem:s10+$0x10]  }
0x257: {  	v9 =	vadd.bf16 v9, v12;
	v6 =	vld [tilespmem:s15+$0x30]  }
0x258: {  	[dreg:$0x15] =	wrdreg s24;
	s24 =	spop (v2sf);
	v7 =	vadd.bf16 v8, v7;
	v8 =	vld [tilespmem:s16+$0x30]  }
0x259: {  	[smem:$0x7C6] =	sst s24;
	v9 =	vadd.bf16 v10, v9;
	v10 =	vld [tilespmem:s9+$0x10]  }
0x25a: {  	s24 =	sld [smem:$0x7C4];
	v12 =	vld [tilespmem:s17+$0x30]  }
0x25b: {  	(v2sf) =	vpush v1, $0x8;
	v5 =	vadd.bf16 v14, v5  }
0x25c: {  	s3 =	sld [smem:$0x7C7];
	(v2sf) =	vpush v1, $0x9;
	v7 =	vadd.bf16 v11, v7;
	v11 =	vld [tilespmem:s18+$0x30]  }
0x25d: {  	[smem:$0x7CB] =	sst s7;
	v14 =	vld [tilespmem:s24+$0x10];
	v5 =	vadd.bf16 v15, v5;
	v6 =	vadd.bf16 v8, v6  }
0x25e: {  	s7 =	sld [smem:$0x7C5];
	(v2sf) =	vpush v1, $0xA;
	v8 =	vadd.bf16 v10, v9;
	v9 =	vld [tilespmem:s19+$0x30]  }
0x25f: {  	v5 =	vadd.bf16 v13, v5;
	v13 =	vld [tilespmem:s3+$0x10];
	v6 =	vadd.bf16 v12, v6  }
0x260: {  	[dreg:$0x16] =	wrdreg s1;
	(v2sf) =	vpush v1, $0xB;
	v12 =	vld [tilespmem:s0+$0x30]  }
0x261: {  	s1 =	sld [smem:$0x7BF];
	(v2sf) =	vpush v1, $0xC;
	v10 =	vld [tilespmem:s7+$0x10];
	v6 =	vadd.bf16 v11, v6  }
0x262: {  	(v2sf) =	vpush v1, $0xD;
	s15 =	rddreg [dreg:$0x1f];
	v11 =	vld [tilespmem:s14+$0x30]  }
0x263: {  	(v2sf) =	vpush v1, $0xE;
	v1 =	vld [tilespmem:s15+$0x20];
	v6 =	vadd.bf16 v9, v6  }
0x264: {  	s30 =	sld [smem:$0x7D8];
	v9 =	vld [tilespmem:s1+$0x10]  }
0x265: {  	s16 =	rddreg [dreg:$0x7];
	v7 =	vadd.bf16 v14, v7;
	v14 =	vld [tilespmem:s2+$0x10];
	v6 =	vadd.bf16 v12, v6  }
0x266: {  	v5 =	vadd.bf16 v13, v5;
	v13 =	vld [tilespmem:s16+$0x20]  }
0x267: {  	s14 =	rddreg [dreg:$0x8];
	v8 =	vadd.bf16 v10, v8;
	v10 =	vld [tilespmem:s30+$0x20];
	v6 =	vadd.bf16 v11, v6  }
0x268: {  	s17 =	rddreg [dreg:$0x4];
	v12 =	vld [tilespmem:s14+$0x20];
	v11 =	vunpack.i.u.bf16.f32 v5;
	v5 =	vunpack.i.l.bf16.f32 v5  }
0x269: {  	s18 =	rddreg [dreg:$0x5];
	[tilespmem:s20+$0xFFFFFE10] =	vst v5;
	v5 =	vadd.bf16 v9, v8;
	v9 =	vld [tilespmem:s17+$0x20];
	v8 =	vunpack.i.l.bf16.f32 v6  }
0x26a: {  	s19 =	rddreg [dreg:$0x6];
	v6 =	vunpack.i.u.bf16.f32 v6;
	[tilespmem:s20+$0x130] =	vst v8;
	v8 =	vld [tilespmem:s18+$0x20]  }
0x26b: {  	s15 =	spop (v2sf);
	[tilespmem:s20+$0x170] =	vst v6;
	v6 =	vld [tilespmem:s19+$0x20]  }
0x26c: {  	s16 =	spop (v2sf);
	v2 =	vadd.bf16 v10, v2;
	v10 =	vld [tilespmem:s15+$0x0]  }
0x26d: {  	v1 =	vadd.bf16 v1, v4;
	v7 =	vadd.bf16 v14, v7;
	[tilespmem:s20+$0xFFFFFE50] =	vst v11;
	v4 =	vld [tilespmem:s16+$0x0]  }
0x26e: {  	v15 =	vunpack.i.u.bf16.f32 v5;
	v5 =	vunpack.i.l.bf16.f32 v5;
	v3 =	vadd.bf16 v12, v3;
	v11 =	vld [tilespmem:s5+$0x20]  }
0x26f: {  	v14 =	vunpack.i.u.bf16.f32 v7;
	v7 =	vunpack.i.l.bf16.f32 v7;
	s17 =	spop (v2sf);
	[tilespmem:s20+$0x10] =	vst v5;
	v5 =	vld [tilespmem:s28+$0x20]  }
0x270: {  	[tilespmem:s20+$0xFFFFFF10] =	vst v7;
	v7 =	vadd.bf16 v13, v2;
	v2 =	vadd.bf16 v9, v3;
	v3 =	vld [tilespmem:s17+$0x0]  }
0x271: {  	s18 =	spop (v2sf);
	v13 =	vld [tilespmem:s29+$0x20]  }
0x272: {  	s19 =	spop (v2sf);
	v6 =	vadd.bf16 v6, v7;
	v7 =	vld [tilespmem:s18+$0x0]  }
0x273: {  	[tilespmem:s20+$0xFFFFFF50] =	vst v14;
	v9 =	vld [tilespmem:s19+$0x0];
	v4 =	vadd.bf16 v4, v10  }
0x274: {  	v1 =	vadd.bf16 v8, v1;
	v8 =	vld [tilespmem:s6+$0x20]  }
0x275: {  	s0 =	smov.u32 s5;
	s5 =	spop (v2sf);
	v10 =	vld [tilespmem:s8+$0x20];
	v3 =	vadd.bf16 v3, v4  }
0x276: {  	[tilespmem:s20+$0x50] =	vst v15;
	v4 =	vadd.bf16 v5, v11;
	v5 =	vld [tilespmem:s5+$0x0]  }
0x277: {  	v12 =	vld [tilespmem:s13+$0x20];
	s30 =	spop (v2sf);
	v3 =	vadd.bf16 v7, v3  }
0x278: {  	v7 =	vld [tilespmem:s30+$0x0]  }
0x279: {  	v11 =	vld [tilespmem:s21+$0x20];
	v3 =	vadd.bf16 v9, v3  }
0x27a: {  	v8 =	vadd.bf16 v10, v8;
	v10 =	vld [tilespmem:s23+$0x20]  }
0x27b: {  	v9 =	vld [tilespmem:s31+$0x20];
	v3 =	vadd.bf16 v5, v3  }
0x27c: {  	v14 =	vld [tilespmem:s25+$0x20]  }
0x27d: {  	v5 =	vld [tilespmem:s26+$0x20];
	v3 =	vadd.bf16 v7, v3  }
0x27e: {  	v7 =	vld [tilespmem:s11+$0x20]  }
0x27f: {  	v11 =	vadd.bf16 v12, v11;
	v8 =	vadd.bf16 v10, v8;
	v10 =	vld [tilespmem:s22+$0x20];
	v12 =	vunpack.i.l.bf16.f32 v3  }
0x280: {  	v4 =	vadd.bf16 v9, v4;
	v9 =	vld [tilespmem:s4+$0x20];
	v3 =	vunpack.i.u.bf16.f32 v3;
	[tilespmem:s20+$0x180] =	vst v12  }
0x281: {  	[tilespmem:s20+$0x1C0] =	vst v3;
	v12 =	vld [tilespmem:s10+$0x20]  }
0x282: {  	v3 =	vadd.bf16 v13, v4;
	v4 =	vld [tilespmem:s15+$0x10]  }
0x283: {  	v7 =	vadd.bf16 v7, v8;
	v8 =	vld [tilespmem:s16+$0x10]  }
0x284: {  	v5 =	vadd.bf16 v5, v11;
	v13 =	vld [tilespmem:s24+$0x20]  }
0x285: {  	v11 =	vld [tilespmem:s17+$0x10]  }
0x286: {  	v3 =	vadd.bf16 v14, v3;
	v5 =	vadd.bf16 v9, v5;
	v9 =	vld [tilespmem:s9+$0x20]  }
0x287: {  	v7 =	vadd.bf16 v10, v7;
	v10 =	vld [tilespmem:s18+$0x10]  }
0x288: {  	v3 =	vadd.bf16 v12, v3;
	v12 =	vld [tilespmem:s3+$0x20];
	v4 =	vadd.bf16 v8, v4  }
0x289: {  	v8 =	vld [tilespmem:s19+$0x10]  }
0x28a: {  	v7 =	vadd.bf16 v13, v7;
	v13 =	vld [tilespmem:s2+$0x20];
	v4 =	vadd.bf16 v11, v4  }
0x28b: {  	v11 =	vld [tilespmem:s5+$0x10]  }
0x28c: {  	v5 =	vadd.bf16 v9, v5;
	v9 =	vld [tilespmem:s7+$0x20];
	v4 =	vadd.bf16 v10, v4  }
0x28d: {  	[smem:$0x7C1] =	sst s22;
	v10 =	vld [tilespmem:s30+$0x10]  }
0x28e: {  	[smem:$0x7C9] =	sst s2;
	v4 =	vadd.bf16 v8, v4  }
0x28f: {  	s2 =	rddreg [dreg:$0xf];
	v3 =	vadd.bf16 v12, v3;
	v8 =	vld [tilespmem:s1+$0x20]  }
0x290: {  	s13 =	smov.u32 s31;
	s31 =	rddreg [dreg:$0x9];
	v7 =	vadd.bf16 v13, v7;
	v13 =	vld [tilespmem:s2+$0x20];
	v4 =	vadd.bf16 v11, v4  }
0x291: {  	s22 =	rddreg [dreg:$0xc];
	v5 =	vadd.bf16 v9, v5;
	v9 =	vld [tilespmem:s31+$0x20]  }
0x292: {  	s24 =	rddreg [dreg:$0xb];
	v12 =	vunpack.i.u.bf16.f32 v3;
	v3 =	vunpack.i.l.bf16.f32 v3;
	v11 =	vld [tilespmem:s22+$0x20];
	v4 =	vadd.bf16 v10, v4  }
0x293: {  	s7 =	rddreg [dreg:$0xe];
	[tilespmem:s20+$0xFFFFFE20] =	vst v3;
	v10 =	vld [tilespmem:s24+$0x20]  }
0x294: {  	s3 =	rddreg [dreg:$0xd];
	v3 =	vadd.bf16 v8, v5;
	v8 =	vld [tilespmem:s7+$0x20];
	v5 =	vunpack.i.l.bf16.f32 v4  }
0x295: {  	s2 =	rddreg [dreg:$0xa];
	v4 =	vunpack.i.u.bf16.f32 v4;
	[tilespmem:s20+$0x190] =	vst v5;
	v5 =	vld [tilespmem:s3+$0x20]  }
0x296: {  	v14 =	vunpack.i.u.bf16.f32 v7;
	v7 =	vunpack.i.l.bf16.f32 v7;
	[tilespmem:s20+$0x1D0] =	vst v4;
	v4 =	vld [tilespmem:s2+$0x20]  }
0x297: {  	v2 =	vadd.bf16 v9, v2;
	v1 =	vadd.bf16 v11, v1;
	[tilespmem:s20+$0xFFFFFF20] =	vst v7;
	v9 =	vld [tilespmem:s15+$0x20]  }
0x298: {  	v15 =	vunpack.i.u.bf16.f32 v3;
	v3 =	vunpack.i.l.bf16.f32 v3;
	[tilespmem:s20+$0xFFFFFF60] =	vst v14;
	v7 =	vld [tilespmem:s16+$0x20]  }
0x299: {  	s14 =	smov.u32 s6;
	[tilespmem:s20+$0x20] =	vst v3;
	v3 =	vld [tilespmem:s17+$0x20];
	v6 =	vadd.bf16 v10, v6;
	v1 =	vadd.bf16 v8, v1  }
0x29a: {  	[tilespmem:s20+$0xFFFFFE60] =	vst v12;
	v2 =	vadd.bf16 v13, v2;
	v11 =	vld [tilespmem:s14+$0x30]  }
0x29b: {  	[tilespmem:s20+$0x60] =	vst v15;
	v10 =	vld [tilespmem:s0+$0x30];
	v5 =	vadd.bf16 v5, v6;
	v8 =	vunpack.i.u.bf16.f32 v1;
	v1 =	vunpack.i.l.bf16.f32 v1  }
0x29c: {  	v6 =	vld [tilespmem:s28+$0x30];
	v2 =	vadd.bf16 v4, v2;
	[tilespmem:s12+$0xFFFFFEA0] =	vst v1  }
0x29d: {  	v4 =	vld [tilespmem:s18+$0x20];
	[tilespmem:s12+$0xFFFFFEE0] =	vst v8;
	v1 =	vunpack.i.u.bf16.f32 v5;
	v5 =	vunpack.i.l.bf16.f32 v5  }
0x29e: {  	s6 =	smov.u32 s8;
	v7 =	vadd.bf16 v7, v9;
	v9 =	vld [tilespmem:s19+$0x20];
	v8 =	vunpack.i.u.bf16.f32 v2;
	v2 =	vunpack.i.l.bf16.f32 v2;
	[tilespmem:s12+$0xFFFFFFA0] =	vst v5  }
0x29f: {  	[tilespmem:s12+$0xA0] =	vst v2;
	v5 =	vld [tilespmem:s6+$0x30]  }
0x2a0: {  	v3 =	vadd.bf16 v3, v7;
	v2 =	vld [tilespmem:s21+$0x30]  }
0x2a1: {  	s22 =	sld [smem:$0x7C0];
	[tilespmem:s12+$0xFFFFFFE0] =	vst v1;
	v1 =	vadd.bf16 v6, v10;
	v6 =	vld [tilespmem:s5+$0x20]  }
0x2a2: {  	[tilespmem:s12+$0xE0] =	vst v8;
	v8 =	vld [tilespmem:s13+$0x30];
	v3 =	vadd.bf16 v4, v3  }
0x2a3: {  	v4 =	vld [tilespmem:s30+$0x20]  }
0x2a4: {  	v7 =	vld [tilespmem:s22+$0x30];
	v3 =	vadd.bf16 v9, v3  }
0x2a5: {  	v10 =	vld [tilespmem:s29+$0x30]  }
0x2a6: {  	v9 =	vld [tilespmem:s23+$0x30];
	v3 =	vadd.bf16 v6, v3  }
0x2a7: {  	v5 =	vadd.bf16 v5, v11;
	v11 =	vld [tilespmem:s25+$0x30]  }
0x2a8: {  	v6 =	vld [tilespmem:s26+$0x30];
	v3 =	vadd.bf16 v4, v3  }
0x2a9: {  	s23 =	sld [smem:$0x7C1];
	v4 =	vld [tilespmem:s11+$0x30]  }
0x2aa: {  	v1 =	vadd.bf16 v8, v1;
	v2 =	vadd.bf16 v7, v2;
	v7 =	vld [tilespmem:s4+$0x30];
	v8 =	vunpack.i.l.bf16.f32 v3  }
0x2ab: {  	v5 =	vadd.bf16 v9, v5;
	v9 =	vld [tilespmem:s10+$0x30];
	v3 =	vunpack.i.u.bf16.f32 v3;
	[tilespmem:s20+$0x1A0] =	vst v8  }
0x2ac: {  	v8 =	vld [tilespmem:s23+$0x30];
	[tilespmem:s20+$0x1E0] =	vst v3  }
0x2ad: {  	v3 =	vld [tilespmem:s15+$0x30]  }
0x2ae: {  	s24 =	sld [smem:$0x7C4];
	v2 =	vadd.bf16 v6, v2;
	v4 =	vadd.bf16 v4, v5;
	v5 =	vld [tilespmem:s16+$0x30]  }
0x2af: {  	v1 =	vadd.bf16 v10, v1;
	v6 =	vld [tilespmem:s9+$0x30]  }
0x2b0: {  	s26 =	sld [smem:$0x7C7];
	v2 =	vadd.bf16 v7, v2;
	v7 =	vld [tilespmem:s17+$0x30]  }
0x2b1: {  	v10 =	vld [tilespmem:s24+$0x30];
	v1 =	vadd.bf16 v11, v1  }
0x2b2: {  	s25 =	sld [smem:$0x7C5];
	v4 =	vadd.bf16 v8, v4;
	v8 =	vld [tilespmem:s18+$0x30]  }
0x2b3: {  	v1 =	vadd.bf16 v9, v1;
	v9 =	vld [tilespmem:s26+$0x30];
	v3 =	vadd.bf16 v5, v3  }
0x2b4: {  	v5 =	vld [tilespmem:s19+$0x30]  }
0x2b5: {  	v2 =	vadd.bf16 v6, v2;
	v6 =	vld [tilespmem:s25+$0x30];
	v3 =	vadd.bf16 v7, v3  }
0x2b6: {  	v7 =	vld [tilespmem:s5+$0x30]  }
0x2b7: {  	v3 =	vadd.bf16 v8, v3;
	v8 =	vld [tilespmem:s30+$0x30];
	s30 =	sld [smem:$0x7C9]  }
0x2b8: {  	s5 =	sld [smem:$0x7F0]  }
0x2b9: {  	v1 =	vadd.bf16 v9, v1;
	v3 =	vadd.bf16 v5, v3;
	v5 =	vld [tilespmem:s1+$0x30];
	s1 =	sld [smem:$0x7EF]  }
0x2ba: {  	s9 =	sld [smem:$0x7E6];
	v4 =	vadd.bf16 v10, v4;
	v10 =	vld [tilespmem:s30+$0x30]  }
0x2bb: {  	s3 =	rddreg [dreg:$0x1a];
	v9 =	vunpack.i.u.bf16.f32 v1;
	v1 =	vunpack.i.l.bf16.f32 v1;
	v3 =	vadd.bf16 v7, v3;
	v7 =	vld [tilespmem:s5+$0x30]  }
0x2bc: {  	s14 =	sld [smem:$0x7F1];
	v2 =	vadd.bf16 v6, v2;
	v6 =	vld [tilespmem:s1+$0x30];
	[tilespmem:s20+$0xFFFFFE30] =	vst v1  }
0x2bd: {  	s11 =	sld [smem:$0x7E3];
	s25 =	smov.u32 s3;
	[tilespmem:s20+$0xFFFFFE70] =	vst v9;
	v3 =	vadd.bf16 v8, v3;
	v8 =	vld [tilespmem:s9+$0x30]  }
0x2be: {  	s17 =	sld [smem:$0x7CC];
	v12 =	vld [tilespmem:s25+$0x0]  }
0x2bf: {  	s19 =	sld [smem:$0x7E9];
	v1 =	vadd.bf16 v5, v2;
	v5 =	vld [tilespmem:s14+$0x30]  }
0x2c0: {  	s6 =	rddreg [dreg:$0x1c];
	v4 =	vadd.bf16 v10, v4;
	v10 =	vld [tilespmem:s11+$0x30];
	v2 =	vunpack.i.u.bf16.f32 v3  }
0x2c1: {  	s13 =	rddreg [dreg:$0x1e];
	[tilespmem:s20+$0x1F0] =	vst v2;
	v2 =	vld [tilespmem:s17+$0x30]  }
0x2c2: {  	s8 =	smov.u32 s6;
	s16 =	rddreg [dreg:$0x1b];
	v11 =	vunpack.i.u.bf16.f32 v4;
	v4 =	vunpack.i.l.bf16.f32 v4;
	v6 =	vadd.bf16 v7, v6;
	v7 =	vld [tilespmem:s19+$0x30]  }
0x2c3: {  	s3 =	smov.u32 s16;
	s16 =	rddreg [dreg:$0x12];
	[tilespmem:s20+$0xFFFFFF30] =	vst v4;
	v4 =	vld [tilespmem:s8+$0x0]  }
0x2c4: {  	s10 =	rddreg [dreg:$0x1d];
	s1 =	smov.u32 s13;
	v9 =	vunpack.i.u.bf16.f32 v1;
	v1 =	vunpack.i.l.bf16.f32 v1;
	[tilespmem:s20+$0xFFFFFF70] =	vst v11;
	v11 =	vld [tilespmem:s16+$0x0]  }
0x2c5: {  	s4 =	sld [smem:$0x7CA];
	s0 =	smov.u32 s10;
	[tilespmem:s20+$0x30] =	vst v1;
	v1 =	vld [tilespmem:s1+$0x0]  }
0x2c6: {  	s18 =	rddreg [dreg:$0x19];
	[tilespmem:s20+$0x70] =	vst v9;
	v8 =	vadd.bf16 v10, v8;
	v10 =	vld [tilespmem:s0+$0x0]  }
0x2c7: {  	s24 =	rddreg [dreg:$0x18];
	s21 =	smov.u32 s18;
	v3 =	vunpack.i.l.bf16.f32 v3;
	v2 =	vadd.bf16 v2, v5;
	v5 =	vld [tilespmem:s3+$0x0]  }
0x2c8: {  	s6 =	smov.u32 s24;
	s26 =	sld [smem:$0x7CB];
	[tilespmem:s20+$0x1B0] =	vst v3;
	v3 =	vadd.bf16 v7, v6;
	v6 =	vld [tilespmem:s21+$0x0]  }
0x2c9: {  	s30 =	rddreg [dreg:$0x11];
	v7 =	vld [tilespmem:s6+$0x0]  }
0x2ca: {  	s17 =	rddreg [dreg:$0x13];
	v9 =	vld [tilespmem:s30+$0x0]  }
0x2cb: {  	s13 =	rddreg [dreg:$0x10];
	v4 =	vadd.bf16 v4, v12;
	v12 =	vld [tilespmem:s17+$0x0]  }
0x2cc: {  	s19 =	rddreg [dreg:$0x14];
	v1 =	vadd.bf16 v1, v10;
	v10 =	vld [tilespmem:s13+$0x0]  }
0x2cd: {  	s14 =	rddreg [dreg:$0x15];
	v5 =	vadd.bf16 v6, v5;
	v6 =	vld [tilespmem:s19+$0x0]  }
0x2ce: {  	s5 =	rddreg [dreg:$0x16];
	v4 =	vadd.bf16 v7, v4;
	v7 =	vld [tilespmem:s14+$0x0]  }
0x2cf: {  	s23 =	sld [smem:$0x7C2];
	v1 =	vadd.bf16 v9, v1;
	v9 =	vld [tilespmem:s5+$0x0]  }
0x2d0: {  	s28 =	sld [smem:$0x7C8];
	v4 =	vadd.bf16 v11, v4;
	v11 =	vld [tilespmem:s4+$0x0]  }
0x2d1: {  	s15 =	sld [smem:$0x7C3];
	v1 =	vadd.bf16 v12, v1;
	v12 =	vld [tilespmem:s26+$0x0];
	v5 =	vadd.bf16 v10, v5  }
0x2d2: {  	s22 =	sld [smem:$0x7F2];
	v10 =	vld [tilespmem:s23+$0x0]  }
0x2d3: {  	v5 =	vadd.bf16 v6, v5;
	v6 =	vld [tilespmem:s28+$0x0]  }
0x2d4: {  	s29 =	sld [smem:$0x7C6];
	v4 =	vadd.bf16 v7, v4;
	v7 =	vld [tilespmem:s15+$0x0]  }
0x2d5: {  	s9 =	smov.u32 s22;
	v1 =	vadd.bf16 v9, v1;
	v9 =	vld [tilespmem:s22+$0x0];
	s22 =	sld [smem:$0x7D8];
	_ =	sdelay $0x1  }
0x2d6: {  	v4 =	vadd.bf16 v11, v4;
	v5 =	vadd.bf16 v10, v5;
	v10 =	vld [tilespmem:s29+$0x0]  }
0x2d7: {  	s24 =	rddreg [dreg:$0x8];
	v1 =	vadd.bf16 v12, v1;
	v11 =	vld [tilespmem:s22+$0x30]  }
0x2d8: {  	s10 =	smov.u32 s30;
	s30 =	rddreg [dreg:$0x1f];
	v5 =	vadd.bf16 v6, v5;
	v6 =	vld [tilespmem:s24+$0x30];
	v4 =	vadd.bf16 v7, v4  }
0x2d9: {  	s11 =	smov.u32 s13;
	s13 =	rddreg [dreg:$0x7];
	v7 =	vld [tilespmem:s30+$0x30]  }
0x2da: {  	s18 =	rddreg [dreg:$0x4];
	v1 =	vadd.bf16 v9, v1;
	v9 =	vld [tilespmem:s13+$0x30];
	v12 =	vunpack.i.u.bf16.f32 v4;
	v4 =	vunpack.i.l.bf16.f32 v4  }
0x2db: {  	s24 =	rddreg [dreg:$0x5];
	v5 =	vadd.bf16 v10, v5;
	v10 =	vld [tilespmem:s18+$0x30];
	[tilespmem:s20+$0xFFFFFE80] =	vst v4  }
0x2dc: {  	s13 =	rddreg [dreg:$0x6];
	v13 =	vld [tilespmem:s24+$0x30]  }
0x2dd: {  	v4 =	vunpack.i.u.bf16.f32 v1;
	v1 =	vunpack.i.l.bf16.f32 v1;
	[tilespmem:s20+$0xFFFFFEC0] =	vst v12;
	v12 =	vld [tilespmem:s13+$0x30]  }
0x2de: {  	v8 =	vadd.bf16 v11, v8;
	[tilespmem:s20+$0xFFFFFF80] =	vst v1;
	v14 =	vld [tilespmem:s25+$0x10]  }
0x2df: {  	[tilespmem:s20+$0xFFFFFFC0] =	vst v4;
	v11 =	vunpack.i.u.bf16.f32 v5;
	v5 =	vunpack.i.l.bf16.f32 v5;
	v1 =	vadd.bf16 v7, v3;
	v3 =	vld [tilespmem:s8+$0x10]  }
0x2e0: {  	v4 =	vadd.bf16 v9, v8;
	v8 =	vld [tilespmem:s0+$0x10];
	[tilespmem:s20+$0x80] =	vst v5  }
0x2e1: {  	v9 =	vld [tilespmem:s1+$0x10];
	[tilespmem:s20+$0xC0] =	vst v11  }
0x2e2: {  	v2 =	vadd.bf16 v6, v2;
	v6 =	vadd.bf16 v13, v1;
	v1 =	vld [tilespmem:s3+$0x10]  }
0x2e3: {  	v5 =	vadd.bf16 v12, v4;
	v12 =	vld [tilespmem:s21+$0x10]  }
.Ltmp1:
0x2e4: {  	s22 =	smov.u32 s16;
	v7 =	vadd.bf16 v10, v2;
	v2 =	vld [tilespmem:s6+$0x10];
	(pc) =	sbr.rel @p0 .LBB2_4-.Ltmp1, $4  }
0x2e5: {  	s16 =	smov.u32 s19;
	s30 =	smov.u32 s17;
	v10 =	vld [tilespmem:s22+$0x10]  }
0x2e6: {  	s17 =	smov.u32 s14;
	s14 =	rddreg [dreg:$0x17];
	s19 =	smov.u32 s30;
	v4 =	vld [tilespmem:s10+$0x10]  }
0x2e7: {  	s18 =	smov.u32 s5;
	s13 =	smov.u32 s25;
	s24 =	smov.u32 s3;
	v11 =	vadd.bf16 v9, v8;
	v8 =	vld [tilespmem:s11+$0x10]  }
0x2e8: {  	s25 =	smov.u32 s8;
	s8 =	sadd.s32 $0x40, s14;
	s3 =	smov.u32 s22;
	v3 =	vadd.bf16 v3, v14;
	v9 =	vld [tilespmem:s30+$0x10];
	v12 =	vadd.bf16 v12, v1  }
0x2e9: {  	v1 =	vld [tilespmem:s16+$0x10]  }
0x2ea: {  	v13 =	vld [tilespmem:s17+$0x10]  }
0x2eb: {  	v14 =	vld [tilespmem:s18+$0x10]  }
0x2ec: {  	v15 =	vld [tilespmem:s4+$0x10];
	v2 =	vadd.bf16 v2, v3  }
0x2ed: {  	v58 =	vld [tilespmem:s26+$0x10]  }
0x2ee: {  	v3 =	vld [tilespmem:s23+$0x10];
	v4 =	vadd.bf16 v4, v11;
	v2 =	vadd.bf16 v10, v2  }
0x2ef: {  	v59 =	vld [tilespmem:s15+$0x10];
	v8 =	vadd.bf16 v8, v12  }
0x2f0: {  	v4 =	vadd.bf16 v9, v4;
	v2 =	vadd.bf16 v13, v2  }
0x2f1: {  	v61 =	vld [tilespmem:s9+$0x10];
	v1 =	vadd.bf16 v1, v8  }
0x2f2: {  	v60 =	vld [tilespmem:s28+$0x10];
	v4 =	vadd.bf16 v14, v4;
	v2 =	vadd.bf16 v15, v2  }
0x2f3: {  	v1 =	vadd.bf16 v3, v1  }
0x2f4: {  	v3 =	vld [tilespmem:s29+$0x10];
	v4 =	vadd.bf16 v58, v4;
	v2 =	vadd.bf16 v59, v2;
	_ =	sdelay $0x1  }
0x2f5: {  	v63 =	vld [tilespmem:s31+$0x30];
	v4 =	vadd.bf16 v61, v4;
	v62 =	vunpack.i.u.bf16.f32 v2  }
0x2f6: {  	v41 =	vld [tilespmem:s7+$0x30];
	v1 =	vadd.bf16 v60, v1;
	v2 =	vunpack.i.l.bf16.f32 v2;
	[tilespmem:s20+$0xFFFFFED0] =	vst v62  }
0x2f7: {  	v44 =	vld [tilespmem:s2+$0x30];
	[tilespmem:s20+$0xFFFFFE90] =	vst v2;
	v2 =	vunpack.i.l.bf16.f32 v4  }
0x2f8: {  	v1 =	vadd.bf16 v3, v1;
	v3 =	vunpack.i.u.bf16.f32 v4;
	[tilespmem:s20+$0xFFFFFF90] =	vst v2;
	v2 =	vld [tilespmem:s13+$0x20]  }
0x2f9: {  	[tilespmem:s20+$0xFFFFFFD0] =	vst v3;
	v3 =	vld [tilespmem:s25+$0x20]  }
0x2fa: {  	v27 =	vld [tilespmem:s6+$0x20]  }
0x2fb: {  	v30 =	vld [tilespmem:s3+$0x20]  }
0x2fc: {  	v33 =	vld [tilespmem:s4+$0x20]  }
0x2fd: {  	v35 =	vld [tilespmem:s15+$0x20]  }
0x2fe: {  	v24 =	vld [tilespmem:s0+$0x20]  }
0x2ff: {  	v28 =	vld [tilespmem:s10+$0x20]  }
0x300: {  	v31 =	vld [tilespmem:s19+$0x20]  }
0x301: {  	v17 =	vld [tilespmem:s18+$0x20]  }
0x302: {  	v23 =	vunpack.i.l.bf16.f32 v1;
	v34 =	vld [tilespmem:s26+$0x20];
	v2 =	vadd.bf16 v3, v2  }
0x303: {  	v1 =	vunpack.i.u.bf16.f32 v1;
	[tilespmem:s20+$0x90] =	vst v23;
	v3 =	vld [tilespmem:s17+$0x20]  }
0x304: {  	[tilespmem:s20+$0xD0] =	vst v1;
	v1 =	vld [tilespmem:s1+$0x20];
	v2 =	vadd.bf16 v27, v2  }
0x305: {  	v25 =	vld [tilespmem:s24+$0x20]  }
0x306: {  	v26 =	vld [tilespmem:s21+$0x20];
	v2 =	vadd.bf16 v30, v2  }
0x307: {  	v36 =	vld [tilespmem:s9+$0x20]  }
0x308: {  	v29 =	vld [tilespmem:s11+$0x20];
	v2 =	vadd.bf16 v3, v2  }
0x309: {  	v16 =	vld [tilespmem:s16+$0x20];
	v1 =	vadd.bf16 v1, v24  }
0x30a: {  	v32 =	vld [tilespmem:s23+$0x20];
	v2 =	vadd.bf16 v33, v2  }
0x30b: {  	s5 =	rddreg [dreg:$0xc];
	v38 =	vld [tilespmem:s29+$0x20];
	v9 =	vadd.bf16 v26, v25;
	v1 =	vadd.bf16 v28, v1  }
0x30c: {  	s8 =	rddreg [dreg:$0xb];
	v37 =	vld [tilespmem:s5+$0x30];
	v2 =	vadd.bf16 v35, v2  }
0x30d: {  	v39 =	vld [tilespmem:s8+$0x30];
	v9 =	vadd.bf16 v29, v9;
	v1 =	vadd.bf16 v31, v1  }
0x30e: {  	s14 =	smov.u32 s9;
	s9 =	rddreg [dreg:$0xd];
	v3 =	vld [tilespmem:s28+$0x20];
	v42 =	vunpack.i.l.bf16.f32 v2  }
0x30f: {  	s5 =	rddreg [dreg:$0xf];
	v43 =	vld [tilespmem:s9+$0x30];
	v9 =	vadd.bf16 v16, v9;
	v1 =	vadd.bf16 v17, v1;
	v2 =	vunpack.i.u.bf16.f32 v2;
	[tilespmem:s20+$0xFFFFFEA0] =	vst v42  }
0x310: {  	v40 =	vld [tilespmem:s5+$0x30];
	[tilespmem:s20+$0xFFFFFEE0] =	vst v2  }
0x311: {  	v4 =	vadd.bf16 v32, v9;
	v1 =	vadd.bf16 v34, v1;
	v2 =	vld [tilespmem:s13+$0x30]  }
0x312: {  	v46 =	vld [tilespmem:s25+$0x30]  }
0x313: {  	s22 =	smov.u32 s3;
	v3 =	vadd.bf16 v3, v4;
	v1 =	vadd.bf16 v36, v1;
	v50 =	vld [tilespmem:s6+$0x30]  }
0x314: {  	v20 =	vld [tilespmem:s22+$0x30]  }
0x315: {  	v3 =	vadd.bf16 v38, v3;
	v45 =	vunpack.i.l.bf16.f32 v1;
	v51 =	vld [tilespmem:s17+$0x30]  }
0x316: {  	v1 =	vunpack.i.u.bf16.f32 v1;
	v54 =	vld [tilespmem:s4+$0x30];
	[tilespmem:s20+$0xFFFFFFA0] =	vst v45  }
0x317: {  	v56 =	vld [tilespmem:s15+$0x30];
	v47 =	vunpack.i.l.bf16.f32 v3;
	[tilespmem:s20+$0xFFFFFFE0] =	vst v1  }
0x318: {  	v3 =	vunpack.i.u.bf16.f32 v3;
	v1 =	vld [tilespmem:s0+$0x30];
	[tilespmem:s20+$0xA0] =	vst v47  }
0x319: {  	v48 =	vld [tilespmem:s1+$0x30];
	[tilespmem:s20+$0xE0] =	vst v3  }
0x31a: {  	v3 =	vld [tilespmem:s24+$0x30]  }
0x31b: {  	v49 =	vld [tilespmem:s21+$0x30]  }
0x31c: {  	v7 =	vadd.bf16 v63, v7;
	v18 =	vld [tilespmem:s10+$0x30]  }
0x31d: {  	v6 =	vadd.bf16 v37, v6;
	v19 =	vld [tilespmem:s11+$0x30];
	v2 =	vadd.bf16 v46, v2  }
0x31e: {  	v5 =	vadd.bf16 v39, v5;
	v7 =	vadd.bf16 v40, v7;
	v21 =	vld [tilespmem:s19+$0x30]  }
0x31f: {  	v22 =	vld [tilespmem:s16+$0x30];
	v1 =	vadd.bf16 v48, v1;
	v2 =	vadd.bf16 v50, v2  }
0x320: {  	v6 =	vadd.bf16 v41, v6;
	v52 =	vld [tilespmem:s18+$0x30];
	v3 =	vadd.bf16 v49, v3  }
0x321: {  	v53 =	vld [tilespmem:s23+$0x30];
	v1 =	vadd.bf16 v18, v1;
	v2 =	vadd.bf16 v20, v2  }
0x322: {  	v5 =	vadd.bf16 v43, v5;
	v55 =	vld [tilespmem:s26+$0x30];
	v3 =	vadd.bf16 v19, v3  }
0x323: {  	v58 =	vunpack.i.u.bf16.f32 v6;
	v59 =	vld [tilespmem:s14+$0x30];
	v1 =	vadd.bf16 v21, v1;
	v2 =	vadd.bf16 v51, v2  }
0x324: {  	v6 =	vunpack.i.l.bf16.f32 v6;
	[tilespmem:s12+$0xFFFFFEF0] =	vst v58;
	v4 =	vadd.bf16 v44, v7;
	v57 =	vld [tilespmem:s28+$0x30];
	v3 =	vadd.bf16 v22, v3  }
0x325: {  	v60 =	vunpack.i.u.bf16.f32 v5;
	[tilespmem:s12+$0xFFFFFEB0] =	vst v6;
	v1 =	vadd.bf16 v52, v1;
	v2 =	vadd.bf16 v54, v2  }
0x326: {  	v5 =	vunpack.i.l.bf16.f32 v5;
	[tilespmem:s12+$0xFFFFFFF0] =	vst v60;
	v61 =	vld [tilespmem:s29+$0x30];
	v3 =	vadd.bf16 v53, v3  }
0x327: {  	[tilespmem:s12+$0xFFFFFFB0] =	vst v5;
	v62 =	vunpack.i.l.bf16.f32 v4;
	v1 =	vadd.bf16 v55, v1;
	v2 =	vadd.bf16 v56, v2  }
0x328: {  	v4 =	vunpack.i.u.bf16.f32 v4;
	[tilespmem:s12+$0xB0] =	vst v62  }
0x329: {  	[tilespmem:s12+$0xF0] =	vst v4;
	v3 =	vadd.bf16 v57, v3;
	v1 =	vadd.bf16 v59, v1;
	v63 =	vunpack.i.u.bf16.f32 v2  }
0x32a: {  	v2 =	vunpack.i.l.bf16.f32 v2;
	[tilespmem:s20+$0xFFFFFEF0] =	vst v63  }
0x32b: {  	v3 =	vadd.bf16 v61, v3;
	[tilespmem:s20+$0xFFFFFEB0] =	vst v2;
	v2 =	vunpack.i.u.bf16.f32 v1  }
0x32c: {  	v1 =	vunpack.i.l.bf16.f32 v1;
	[tilespmem:s20+$0xFFFFFFF0] =	vst v2  }
0x32d: {  	[tilespmem:s20+$0xFFFFFFB0] =	vst v1;
	v1 =	vunpack.i.l.bf16.f32 v3  }
0x32e: {  	v2 =	vunpack.i.u.bf16.f32 v3;
	[tilespmem:s20+$0xB0] =	vst v1  }
0x32f: {  	[tilespmem:s20+$0xF0] =	vst v2  }
0x330: {  	s28 =	sld [smem:$0x7FB];
	_ =	sdelay $0x1  }
0x331: {  	s5 =	simm.s32 $0x0;
	s4 =	simm.s32 $0x1;
	s29 =	simm.s32 $0x6000  }
0x332: {  	[hbm4b:s28+s5] =	stream.linear.scatter [tilespmem:s29], [sflag:$0x1], $0x10000, $0x38;
	[tilespmem:$0x16000] =	vst v63  }
0x333: {  	_ =	swait.ge [sflag:s4], $0x10000  }
0x334: {  	s30 =	sld [smem:$0x7F8]  }
0x335: {  	s31 =	sld [smem:$0x7FC];
	_ =	sdelay $0x1  }
0x336: {  	s1 =	sadd.s32 $0x1, s30  }
0x337: {  	p0 =	sne.s32 s1, s31  }
.Ltmp2:
0x338: {  	_ = 	snop;
	(pc) =	sbr.rel @p0 .LBB2_1-.Ltmp2, $3  }
0x339: {  	_ =	sdelay $0x1  }
0x33a: {  	[sflag:s4] =	ssyncset.done $0x0  }
0x33b: {  	s9 =	simm.s32 $0x5000;
	s8 =	sld [smem:$0x7FD];
	[sflag:s4] =	ssyncadd.s32 $0xFFFF0000  }
0x33c: {  	_ =	sfence.sel $0x180000  }
0x33d: {  	[bflag:$0x0] =	sbarrier.arrive $0xFFFF  }
0x33e: {  	_ =	strace $0x90000047  }
0x33f: {  	s0 =	stileid.u32;
	[bflag:$0x2] =	sbarrier.arrive $0xFFFF  }
0x340: {  	p0 =	sne.s32 s0, $0x0;
	s0 =	rddreg [dreg:$0x2]  }
0x341: {  	s0 =	sadd.s32 @!p0 $0x100000, s0  }
0x342: {  	[sflag:s0] =	ssyncadd.tile.s32 @!p0 $0x1;
	_ =	shalt  }
.Lfunc_end2:
_tile_overlayer_lowered:
.L_overlay_start_2:
0x343: {  	(tag) =	ssettag $0x2  }
0x344: {  	s0 =	rddreg [dreg:$0x0];
	s2 =	stileid.u32  }
0x345: {  	s1 =	rddreg [dreg:$0x1];
	p0 =	sne.s32 s2, $0x0  }
0x346: {  	s3 =	rddreg [dreg:$0x2];
	[bflag:$0x3] =	sbarrier.arrive $0xFFFF;
	s2 =	simm.s32 @!p0 $0x1C01  }
0x347: {  	[timem:s3], [sflag:s2] =	dma.local @!p0 [hbm:s0], s1  }
0x348: {  	s0 =	simm.s32 @!p0 $0x1  }
0x349: {  	_ =	swait.ge @!p0 [sflag:s0], s1  }
0x34a: {  	s1 =	ssub.s32 @!p0 $0x0, s1;
	[sflag:s0] =	ssyncset.done @!p0 $0x0  }
0x34b: {  	[sflag:s0] =	ssyncadd.s32 @!p0 s1  }
0x34c: {  	[bflag:$0x3] =	sbarrier.arrive $0xFFFF  }
0x34d: {  	_ =	shalt  }

</sc_bundles>
